<compile_context>
chip_gen: v7x
topology: tpu7x:2x2x1
jax: 0.10.2.dev20260603
libtpu: 0.0.44.dev20260713+nightly
codegen_flags: <defaults>
</compile_context>

<pallas_src>
import jax
import jax.numpy as jnp
from jax import lax
from jax.experimental import pallas as pl
from jax.experimental.pallas import tpu as pltpu
from jax.experimental.pallas import tpu_sc as plsc

VOCAB = 1000
B = 1024
L = 20

NC = 2
NS = 16
NW = NC * NS
LANES = 16

SAMPLES_W = B // NW
TOKENS_W = SAMPLES_W * L

SCH = 2
NCH = SAMPLES_W // SCH
CHPOS = SCH * L
CHGRP = (CHPOS + LANES - 1) // LANES


def _encoder_kernel(tok_hbm, len_hbm, enc_hbm, mask_hbm,
                    zbuf0, zbuf1, toks_v, lens_v, mask_v, sem0, sem1):
    wid = lax.axis_index("s") * NC + lax.axis_index("c")
    b0 = wid * SAMPLES_W
    t0 = wid * TOKENS_W

    pltpu.sync_copy(tok_hbm.at[pl.ds(t0, TOKENS_W)], toks_v.at[pl.ds(0, TOKENS_W)])
    pltpu.sync_copy(len_hbm.at[pl.ds(b0, SAMPLES_W)],
                    lens_v.at[pl.ds(8, SAMPLES_W)])

    zvec = jnp.zeros((LANES,), jnp.float32)
    zbufs = (zbuf0, zbuf1)
    sems = (sem0, sem1)

    cpr = (VOCAB + LANES - 1) // LANES

    def _zero_body(i, _):
        start = jnp.minimum(i * LANES, VOCAB - LANES)
        for s in range(SCH):
            for l in range(L):
                zbuf0[s, l, pl.ds(start, LANES)] = zvec
                zbuf1[s, l, pl.ds(start, LANES)] = zvec
        return 0

    lax.fori_loop(0, cpr, _zero_body, 0)

    iota = lax.broadcasted_iota(jnp.int32, (LANES,), 0)
    ones = jnp.full((LANES,), 1.0, jnp.float32)

    def _chunk_sites(ch):
        out = []
        for g in range(CHGRP):
            p = iota + g * LANES
            gmask = p < CHPOS
            s = jnp.minimum(lax.div(p, L), SCH - 1)
            l = lax.rem(p, L)
            lens = plsc.load_gather(lens_v, [ch * SCH + s + 8])
            m = (l < lens).astype(jnp.int32) * gmask.astype(jnp.int32)
            toks = toks_v[pl.ds(ch * CHPOS + g * LANES, LANES)]
            padded = toks * m
            out.append((s, l, padded, m, gmask))
        return out

    handles = [None, None]
    prev_sites = [None, None]
    for ch in range(NCH):
        slot = ch % 2
        zbuf = zbufs[slot]
        if handles[slot] is not None:
            handles[slot].wait()
            for (s, l, padded, _, gmask) in prev_sites[slot]:
                plsc.store_scatter(zbuf, [s, l, padded], zvec, mask=gmask)
        sites = _chunk_sites(ch)
        for g, (s, l, padded, m, gmask) in enumerate(sites):
            plsc.store_scatter(zbuf, [s, l, padded], ones, mask=gmask)
            mask_v[pl.ds(ch * CHPOS + g * LANES, LANES)] = m
        handles[slot] = pltpu.async_copy(
            zbuf, enc_hbm.at[pl.ds(b0 + ch * SCH, SCH)], sems[slot])
        prev_sites[slot] = sites

    pltpu.sync_copy(mask_v.at[pl.ds(0, TOKENS_W)], mask_hbm.at[pl.ds(t0, TOKENS_W)])
    handles[0].wait()
    handles[1].wait()


@jax.jit
def _run(tok_flat, lengths):
    mesh = plsc.VectorSubcoreMesh(core_axis_name="c", subcore_axis_name="s")
    enc, mask_flat = pl.kernel(
        _encoder_kernel,
        mesh=mesh,
        compiler_params=pltpu.CompilerParams(needs_layout_passes=False),
        out_type=(
            jax.ShapeDtypeStruct((B, L, VOCAB), jnp.float32),
            jax.ShapeDtypeStruct((B * L,), jnp.int32),
        ),
        scratch_types=[
            pltpu.VMEM((SCH, L, VOCAB), jnp.float32),
            pltpu.VMEM((SCH, L, VOCAB), jnp.float32),
            pltpu.VMEM((TOKENS_W + LANES,), jnp.int32),
            pltpu.VMEM((SAMPLES_W + 8,), jnp.int32),
            pltpu.VMEM((TOKENS_W + LANES,), jnp.int32),
            pltpu.SemaphoreType.DMA,
            pltpu.SemaphoreType.DMA,
        ],
    )(tok_flat, lengths)
    return enc, mask_flat


def kernel(token_ids, lengths, onehot_table):
    del onehot_table
    tok_flat = token_ids.reshape(-1).astype(jnp.int32)
    enc, mask_flat = _run(tok_flat, lengths.astype(jnp.int32))
    return enc, mask_flat.reshape(B, L)

# --- scband reference (transcript-rebuilt; emitter-appended) ---
"""Pipeline reference for scband-one-hot-token-encoder-12223476924692 (READ-ONLY COPY).

The authoritative reference and input builder live on the scoring server;
editing this copy changes nothing except your own understanding.
"""

import jax, jax.numpy as jnp
import numpy as np

VOCAB = 1000
B = 1024
L = 20

def setup_inputs(seed: int = 0) -> dict:
    key = jax.random.key(seed)
    k1, k2 = jax.random.split(key)
    token_ids = jax.random.randint(k1, (B, L), 0, VOCAB)
    # lengths in [1, L] so every sample has at least one real token
    lengths = jax.random.randint(k2, (B,), 1, L + 1)
    # one-hot 'table' is the identity matrix; indexing row i yields one_hot(i)
    onehot_table = jnp.eye(VOCAB, dtype=jnp.float32)
    return {"token_ids": token_ids, "lengths": lengths, "onehot_table": onehot_table}

def reference(token_ids, lengths, onehot_table):
    # mask: 1 where position < sample length, else 0 (matches torch masks tensor)
    mask = (jnp.arange(L)[None, :] < lengths[:, None]).astype(jnp.int32)
    # padded ids: real tokens kept, padding positions set to 0 (pad index),
    # matching np.zeros((len(samples), maxlen)) then filling prefixes
    padded = token_ids * mask
    # one_hot(token) for every position == gather rows of identity table
    encoded = jnp.take(onehot_table, padded, axis=0)  # [B, L, VOCAB]
    return encoded, mask

if __name__ == "__main__":
    import jax
    _d = setup_inputs()
    print(jax.jit(kernel)(*tuple(_d.values())))

</pallas_src>

<mosaic_0001>
#map = affine_map<(d0, d1) -> (0)>
#map1 = affine_map<(d0, d1) -> (0, 0, 0)>
module attributes {stable_mosaic.version = 14 : i64} {
  func.func @_encoder_kernel(%arg0: i32, %arg1: i32, %arg2: memref<20480xi32, #tpu.memory_space<hbm>>, %arg3: memref<1024xi32, #tpu.memory_space<hbm>>, %arg4: memref<1024x20x1000xf32, #tpu.memory_space<hbm>>, %arg5: memref<20480xi32, #tpu.memory_space<hbm>>, %arg6: memref<2x20x1000xf32, #tpu.memory_space<vmem>>, %arg7: memref<2x20x1000xf32, #tpu.memory_space<vmem>>, %arg8: memref<656xi32, #tpu.memory_space<vmem>>, %arg9: memref<40xi32, #tpu.memory_space<vmem>>, %arg10: memref<656xi32, #tpu.memory_space<vmem>>, %arg11: memref<!tpu.dma_semaphore, #tpu.memory_space<semaphore_mem>>, %arg12: memref<!tpu.dma_semaphore, #tpu.memory_space<semaphore_mem>>) attributes {dimension_semantics = [#tpu.dimension_semantics<core_parallel>, #tpu.dimension_semantics<subcore_parallel>], iteration_bounds = array<i64: 2, 16>, scalar_prefetch = 0 : i64, scratch_operands = 7 : i64, tpu.core_type = #tpu.core_type<sc_vector_subcore>, window_params = [{transform_indices = #map}, {transform_indices = #map}, {transform_indices = #map1}, {transform_indices = #map}]} {
    %mul3A = arith.constant 2 : i32
    %mul3A_0 = arith.muli %arg1, %mul3A : i32
    %add3A = arith.addi %mul3A_0, %arg0 : i32
    %mul3A_1 = arith.constant 32 : i32
    %mul3A_2 = arith.muli %add3A, %mul3A_1 : i32
    %mul3A_3 = arith.constant 640 : i32
    %mul3A_4 = arith.muli %add3A, %mul3A_3 : i32
    "tpu.region"() ({
      %run_scoped3A = tpu.sem_alloc : memref<!tpu.dma_semaphore, #tpu.memory_space<semaphore_mem>>
      %dma_start3A_1716 = arith.constant 0 : i32
      %dma_start3A_1717 = tpu.memref_slice %arg8[%dma_start3A_1716] : memref<656xi32, #tpu.memory_space<vmem>> -> memref<640xi32, #tpu.memory_space<vmem>>
      %dma_start3A_1718 = tpu.memref_slice %arg2[%mul3A_4] : memref<20480xi32, #tpu.memory_space<hbm>> -> memref<640xi32, #tpu.memory_space<hbm>>
      %dma_start3A_1719 = arith.constant 0 : i32
      %dma_start3A_1720 = tpu.memref_slice %arg8[%dma_start3A_1719] : memref<656xi32, #tpu.memory_space<vmem>> -> memref<640xi32, #tpu.memory_space<vmem>>
      %dma_start3A_1721 = tpu.memref_slice %arg2[%mul3A_4] : memref<20480xi32, #tpu.memory_space<hbm>> -> memref<640xi32, #tpu.memory_space<hbm>>
      tpu.enqueue_dma source(%dma_start3A_1721 : memref<640xi32, #tpu.memory_space<hbm>>) target(%dma_start3A_1720 : memref<640xi32, #tpu.memory_space<vmem>>) target_semaphore(%run_scoped3A : memref<!tpu.dma_semaphore, #tpu.memory_space<semaphore_mem>>)
      %dma_wait3A_1722 = arith.constant 0 : i32
      %dma_wait3A_1723 = tpu.memref_slice %arg8[%dma_wait3A_1722] : memref<656xi32, #tpu.memory_space<vmem>> -> memref<640xi32, #tpu.memory_space<vmem>>
      %dma_wait3A_1724 = tpu.memref_slice %arg2[%mul3A_4] : memref<20480xi32, #tpu.memory_space<hbm>> -> memref<640xi32, #tpu.memory_space<hbm>>
      %dma_wait3A_1725 = arith.constant 0 : i32
      %dma_wait3A_1726 = tpu.memref_slice %arg8[%dma_wait3A_1725] : memref<656xi32, #tpu.memory_space<vmem>> -> memref<640xi32, #tpu.memory_space<vmem>>
      %dma_wait3A_1727 = tpu.memref_slice %arg2[%mul3A_4] : memref<20480xi32, #tpu.memory_space<hbm>> -> memref<640xi32, #tpu.memory_space<hbm>>
      tpu.wait_dma2 semaphore(%run_scoped3A : memref<!tpu.dma_semaphore, #tpu.memory_space<semaphore_mem>>) src(%dma_wait3A_1727 : memref<640xi32, #tpu.memory_space<hbm>>) dst(%dma_wait3A_1726 : memref<640xi32, #tpu.memory_space<vmem>>)
      tpu.yield
    }) : () -> ()
    "tpu.region"() ({
      %run_scoped3A = tpu.sem_alloc : memref<!tpu.dma_semaphore, #tpu.memory_space<semaphore_mem>>
      %dma_start3A_1716 = arith.constant 8 : i32
      %dma_start3A_1717 = tpu.memref_slice %arg9[%dma_start3A_1716] : memref<40xi32, #tpu.memory_space<vmem>> -> memref<32xi32, #tpu.memory_space<vmem>>
      %dma_start3A_1718 = tpu.memref_slice %arg3[%mul3A_2] : memref<1024xi32, #tpu.memory_space<hbm>> -> memref<32xi32, #tpu.memory_space<hbm>>
      %dma_start3A_1719 = arith.constant 8 : i32
      %dma_start3A_1720 = tpu.memref_slice %arg9[%dma_start3A_1719] : memref<40xi32, #tpu.memory_space<vmem>> -> memref<32xi32, #tpu.memory_space<vmem>>
      %dma_start3A_1721 = tpu.memref_slice %arg3[%mul3A_2] : memref<1024xi32, #tpu.memory_space<hbm>> -> memref<32xi32, #tpu.memory_space<hbm>>
      tpu.enqueue_dma source(%dma_start3A_1721 : memref<32xi32, #tpu.memory_space<hbm>>) target(%dma_start3A_1720 : memref<32xi32, #tpu.memory_space<vmem>>) target_semaphore(%run_scoped3A : memref<!tpu.dma_semaphore, #tpu.memory_space<semaphore_mem>>)
      %dma_wait3A_1722 = arith.constant 8 : i32
      %dma_wait3A_1723 = tpu.memref_slice %arg9[%dma_wait3A_1722] : memref<40xi32, #tpu.memory_space<vmem>> -> memref<32xi32, #tpu.memory_space<vmem>>
      %dma_wait3A_1724 = tpu.memref_slice %arg3[%mul3A_2] : memref<1024xi32, #tpu.memory_space<hbm>> -> memref<32xi32, #tpu.memory_space<hbm>>
      %dma_wait3A_1725 = arith.constant 8 : i32
      %dma_wait3A_1726 = tpu.memref_slice %arg9[%dma_wait3A_1725] : memref<40xi32, #tpu.memory_space<vmem>> -> memref<32xi32, #tpu.memory_space<vmem>>
      %dma_wait3A_1727 = tpu.memref_slice %arg3[%mul3A_2] : memref<1024xi32, #tpu.memory_space<hbm>> -> memref<32xi32, #tpu.memory_space<hbm>>
      tpu.wait_dma2 semaphore(%run_scoped3A : memref<!tpu.dma_semaphore, #tpu.memory_space<semaphore_mem>>) src(%dma_wait3A_1727 : memref<32xi32, #tpu.memory_space<hbm>>) dst(%dma_wait3A_1726 : memref<32xi32, #tpu.memory_space<vmem>>)
      tpu.yield
    }) : () -> ()
    %broadcast_in_dim3A = arith.constant 0.000000e+00 : f32
    %broadcast_in_dim3A_5 = vector.broadcast %broadcast_in_dim3A : f32 to vector<16xf32>
    %scan3A = arith.constant 0 : i32
    %scan3A_6 = arith.constant 0 : i32
    %scan3A_7 = arith.constant 63 : i32
    %scan3A_8 = arith.addi %scan3A_6, %scan3A_7 : i32
    %scan3A_9 = arith.constant 1 : i32
    %scan3A_10 = scf.for %scan3A_1716 = %scan3A_6 to %scan3A_8 step %scan3A_9 iter_args(%scan3A_1717 = %scan3A) -> (i32)  : i32 {
      %mul3A_1718 = arith.constant 16 : i32
      %mul3A_1719 = arith.muli %scan3A_1716, %mul3A_1718 : i32
      %min3A_1720 = arith.constant 984 : i32
      %min3A_1721 = arith.minsi %mul3A_1719, %min3A_1720 : i32
      %swap3A_1722 = arith.constant 0 : i32
      %swap3A_1723 = arith.constant 0 : i32
      %swap3A_1724 = arith.index_cast %swap3A_1722 : i32 to index
      %swap3A_1725 = arith.index_cast %swap3A_1723 : i32 to index
      %swap3A_1726 = arith.index_cast %min3A_1721 : i32 to index
      %swap3A_1727 = tpu.vector_load %arg6[%swap3A_1724, %swap3A_1725, %swap3A_1726] {strides = array<i32>} : memref<2x20x1000xf32, #tpu.memory_space<vmem>>, vector<16xf32>,
      tpu.vector_store %arg6[%swap3A_1724, %swap3A_1725, %swap3A_1726], %broadcast_in_dim3A_5 {strides = array<i32>} : memref<2x20x1000xf32, #tpu.memory_space<vmem>>, vector<16xf32>,
      %swap3A_1728 = arith.constant 0 : i32
      %swap3A_1729 = arith.constant 0 : i32
      %swap3A_1730 = arith.index_cast %swap3A_1728 : i32 to index
      %swap3A_1731 = arith.index_cast %swap3A_1729 : i32 to index
      %swap3A_1732 = arith.index_cast %min3A_1721 : i32 to index
      %swap3A_1733 = tpu.vector_load %arg7[%swap3A_1730, %swap3A_1731, %swap3A_1732] {strides = array<i32>} : memref<2x20x1000xf32, #tpu.memory_space<vmem>>, vector<16xf32>,
      tpu.vector_store %arg7[%swap3A_1730, %swap3A_1731, %swap3A_1732], %broadcast_in_dim3A_5 {strides = array<i32>} : memref<2x20x1000xf32, #tpu.memory_space<vmem>>, vector<16xf32>,
      %swap3A_1734 = arith.constant 0 : i32
      %swap3A_1735 = arith.constant 1 : i32
      %swap3A_1736 = arith.index_cast %swap3A_1734 : i32 to index
      %swap3A_1737 = arith.index_cast %swap3A_1735 : i32 to index
      %swap3A_1738 = arith.index_cast %min3A_1721 : i32 to index
      %swap3A_1739 = tpu.vector_load %arg6[%swap3A_1736, %swap3A_1737, %swap3A_1738] {strides = array<i32>} : memref<2x20x1000xf32, #tpu.memory_space<vmem>>, vector<16xf32>,
      tpu.vector_store %arg6[%swap3A_1736, %swap3A_1737, %swap3A_1738], %broadcast_in_dim3A_5 {strides = array<i32>} : memref<2x20x1000xf32, #tpu.memory_space<vmem>>, vector<16xf32>,
      %swap3A_1740 = arith.constant 0 : i32
      %swap3A_1741 = arith.constant 1 : i32
      %swap3A_1742 = arith.index_cast %swap3A_1740 : i32 to index
      %swap3A_1743 = arith.index_cast %swap3A_1741 : i32 to index
      %swap3A_1744 = arith.index_cast %min3A_1721 : i32 to index
      %swap3A_1745 = tpu.vector_load %arg7[%swap3A_1742, %swap3A_1743, %swap3A_1744] {strides = array<i32>} : memref<2x20x1000xf32, #tpu.memory_space<vmem>>, vector<16xf32>,
      tpu.vector_store %arg7[%swap3A_1742, %swap3A_1743, %swap3A_1744], %broadcast_in_dim3A_5 {strides = array<i32>} : memref<2x20x1000xf32, #tpu.memory_space<vmem>>, vector<16xf32>,
      %swap3A_1746 = arith.constant 0 : i32
      %swap3A_1747 = arith.constant 2 : i32
      %swap3A_1748 = arith.index_cast %swap3A_1746 : i32 to index
      %swap3A_1749 = arith.index_cast %swap3A_1747 : i32 to index
      %swap3A_1750 = arith.index_cast %min3A_1721 : i32 to index
      %swap3A_1751 = tpu.vector_load %arg6[%swap3A_1748, %swap3A_1749, %swap3A_1750] {strides = array<i32>} : memref<2x20x1000xf32, #tpu.memory_space<vmem>>, vector<16xf32>,
      tpu.vector_store %arg6[%swap3A_1748, %swap3A_1749, %swap3A_1750], %broadcast_in_dim3A_5 {strides = array<i32>} : memref<2x20x1000xf32, #tpu.memory_space<vmem>>, vector<16xf32>,
      %swap3A_1752 = arith.constant 0 : i32
      %swap3A_1753 = arith.constant 2 : i32
      %swap3A_1754 = arith.index_cast %swap3A_1752 : i32 to index
      %swap3A_1755 = arith.index_cast %swap3A_1753 : i32 to index
      %swap3A_1756 = arith.index_cast %min3A_1721 : i32 to index
      %swap3A_1757 = tpu.vector_load %arg7[%swap3A_1754, %swap3A_1755, %swap3A_1756] {strides = array<i32>} : memref<2x20x1000xf32, #tpu.memory_space<vmem>>, vector<16xf32>,
      tpu.vector_store %arg7[%swap3A_1754, %swap3A_1755, %swap3A_1756], %broadcast_in_dim3A_5 {strides = array<i32>} : memref<2x20x1000xf32, #tpu.memory_space<vmem>>, vector<16xf32>,
      %swap3A_1758 = arith.constant 0 : i32
      %swap3A_1759 = arith.constant 3 : i32
      %swap3A_1760 = arith.index_cast %swap3A_1758 : i32 to index
      %swap3A_1761 = arith.index_cast %swap3A_1759 : i32 to index
      %swap3A_1762 = arith.index_cast %min3A_1721 : i32 to index
      %swap3A_1763 = tpu.vector_load %arg6[%swap3A_1760, %swap3A_1761, %swap3A_1762] {strides = array<i32>} : memref<2x20x1000xf32, #tpu.memory_space<vmem>>, vector<16xf32>,
      tpu.vector_store %arg6[%swap3A_1760, %swap3A_1761, %swap3A_1762], %broadcast_in_dim3A_5 {strides = array<i32>} : memref<2x20x1000xf32, #tpu.memory_space<vmem>>, vector<16xf32>,
      %swap3A_1764 = arith.constant 0 : i32
      %swap3A_1765 = arith.constant 3 : i32
      %swap3A_1766 = arith.index_cast %swap3A_1764 : i32 to index
      %swap3A_1767 = arith.index_cast %swap3A_1765 : i32 to index
      %swap3A_1768 = arith.index_cast %min3A_1721 : i32 to index
      %swap3A_1769 = tpu.vector_load %arg7[%swap3A_1766, %swap3A_1767, %swap3A_1768] {strides = array<i32>} : memref<2x20x1000xf32, #tpu.memory_space<vmem>>, vector<16xf32>,
      tpu.vector_store %arg7[%swap3A_1766, %swap3A_1767, %swap3A_1768], %broadcast_in_dim3A_5 {strides = array<i32>} : memref<2x20x1000xf32, #tpu.memory_space<vmem>>, vector<16xf32>,
      %swap3A_1770 = arith.constant 0 : i32
      %swap3A_1771 = arith.constant 4 : i32
      %swap3A_1772 = arith.index_cast %swap3A_1770 : i32 to index
      %swap3A_1773 = arith.index_cast %swap3A_1771 : i32 to index
      %swap3A_1774 = arith.index_cast %min3A_1721 : i32 to index
      %swap3A_1775 = tpu.vector_load %arg6[%swap3A_1772, %swap3A_1773, %swap3A_1774] {strides = array<i32>} : memref<2x20x1000xf32, #tpu.memory_space<vmem>>, vector<16xf32>,
      tpu.vector_store %arg6[%swap3A_1772, %swap3A_1773, %swap3A_1774], %broadcast_in_dim3A_5 {strides = array<i32>} : memref<2x20x1000xf32, #tpu.memory_space<vmem>>, vector<16xf32>,
      %swap3A_1776 = arith.constant 0 : i32
      %swap3A_1777 = arith.constant 4 : i32
      %swap3A_1778 = arith.index_cast %swap3A_1776 : i32 to index
      %swap3A_1779 = arith.index_cast %swap3A_1777 : i32 to index
      %swap3A_1780 = arith.index_cast %min3A_1721 : i32 to index
      %swap3A_1781 = tpu.vector_load %arg7[%swap3A_1778, %swap3A_1779, %swap3A_1780] {strides = array<i32>} : memref<2x20x1000xf32, #tpu.memory_space<vmem>>, vector<16xf32>,
      tpu.vector_store %arg7[%swap3A_1778, %swap3A_1779, %swap3A_1780], %broadcast_in_dim3A_5 {strides = array<i32>} : memref<2x20x1000xf32, #tpu.memory_space<vmem>>, vector<16xf32>,
      %swap3A_1782 = arith.constant 0 : i32
      %swap3A_1783 = arith.constant 5 : i32
      %swap3A_1784 = arith.index_cast %swap3A_1782 : i32 to index
      %swap3A_1785 = arith.index_cast %swap3A_1783 : i32 to index
      %swap3A_1786 = arith.index_cast %min3A_1721 : i32 to index
      %swap3A_1787 = tpu.vector_load %arg6[%swap3A_1784, %swap3A_1785, %swap3A_1786] {strides = array<i32>} : memref<2x20x1000xf32, #tpu.memory_space<vmem>>, vector<16xf32>,
      tpu.vector_store %arg6[%swap3A_1784, %swap3A_1785, %swap3A_1786], %broadcast_in_dim3A_5 {strides = array<i32>} : memref<2x20x1000xf32, #tpu.memory_space<vmem>>, vector<16xf32>,
      %swap3A_1788 = arith.constant 0 : i32
      %swap3A_1789 = arith.constant 5 : i32
      %swap3A_1790 = arith.index_cast %swap3A_1788 : i32 to index
      %swap3A_1791 = arith.index_cast %swap3A_1789 : i32 to index
      %swap3A_1792 = arith.index_cast %min3A_1721 : i32 to index
      %swap3A_1793 = tpu.vector_load %arg7[%swap3A_1790, %swap3A_1791, %swap3A_1792] {strides = array<i32>} : memref<2x20x1000xf32, #tpu.memory_space<vmem>>, vector<16xf32>,
      tpu.vector_store %arg7[%swap3A_1790, %swap3A_1791, %swap3A_1792], %broadcast_in_dim3A_5 {strides = array<i32>} : memref<2x20x1000xf32, #tpu.memory_space<vmem>>, vector<16xf32>,
      %swap3A_1794 = arith.constant 0 : i32
      %swap3A_1795 = arith.constant 6 : i32
      %swap3A_1796 = arith.index_cast %swap3A_1794 : i32 to index
      %swap3A_1797 = arith.index_cast %swap3A_1795 : i32 to index
      %swap3A_1798 = arith.index_cast %min3A_1721 : i32 to index
      %swap3A_1799 = tpu.vector_load %arg6[%swap3A_1796, %swap3A_1797, %swap3A_1798] {strides = array<i32>} : memref<2x20x1000xf32, #tpu.memory_space<vmem>>, vector<16xf32>,
      tpu.vector_store %arg6[%swap3A_1796, %swap3A_1797, %swap3A_1798], %broadcast_in_dim3A_5 {strides = array<i32>} : memref<2x20x1000xf32, #tpu.memory_space<vmem>>, vector<16xf32>,
      %swap3A_1800 = arith.constant 0 : i32
      %swap3A_1801 = arith.constant 6 : i32
      %swap3A_1802 = arith.index_cast %swap3A_1800 : i32 to index
      %swap3A_1803 = arith.index_cast %swap3A_1801 : i32 to index
      %swap3A_1804 = arith.index_cast %min3A_1721 : i32 to index
      %swap3A_1805 = tpu.vector_load %arg7[%swap3A_1802, %swap3A_1803, %swap3A_1804] {strides = array<i32>} : memref<2x20x1000xf32, #tpu.memory_space<vmem>>, vector<16xf32>,
      tpu.vector_store %arg7[%swap3A_1802, %swap3A_1803, %swap3A_1804], %broadcast_in_dim3A_5 {strides = array<i32>} : memref<2x20x1000xf32, #tpu.memory_space<vmem>>, vector<16xf32>,
      %swap3A_1806 = arith.constant 0 : i32
      %swap3A_1807 = arith.constant 7 : i32
      %swap3A_1808 = arith.index_cast %swap3A_1806 : i32 to index
      %swap3A_1809 = arith.index_cast %swap3A_1807 : i32 to index
      %swap3A_1810 = arith.index_cast %min3A_1721 : i32 to index
      %swap3A_1811 = tpu.vector_load %arg6[%swap3A_1808, %swap3A_1809, %swap3A_1810] {strides = array<i32>} : memref<2x20x1000xf32, #tpu.memory_space<vmem>>, vector<16xf32>,
      tpu.vector_store %arg6[%swap3A_1808, %swap3A_1809, %swap3A_1810], %broadcast_in_dim3A_5 {strides = array<i32>} : memref<2x20x1000xf32, #tpu.memory_space<vmem>>, vector<16xf32>,
      %swap3A_1812 = arith.constant 0 : i32
      %swap3A_1813 = arith.constant 7 : i32
      %swap3A_1814 = arith.index_cast %swap3A_1812 : i32 to index
      %swap3A_1815 = arith.index_cast %swap3A_1813 : i32 to index
      %swap3A_1816 = arith.index_cast %min3A_1721 : i32 to index
      %swap3A_1817 = tpu.vector_load %arg7[%swap3A_1814, %swap3A_1815, %swap3A_1816] {strides = array<i32>} : memref<2x20x1000xf32, #tpu.memory_space<vmem>>, vector<16xf32>,
      tpu.vector_store %arg7[%swap3A_1814, %swap3A_1815, %swap3A_1816], %broadcast_in_dim3A_5 {strides = array<i32>} : memref<2x20x1000xf32, #tpu.memory_space<vmem>>, vector<16xf32>,
      %swap3A_1818 = arith.constant 0 : i32
      %swap3A_1819 = arith.constant 8 : i32
      %swap3A_1820 = arith.index_cast %swap3A_1818 : i32 to index
      %swap3A_1821 = arith.index_cast %swap3A_1819 : i32 to index
      %swap3A_1822 = arith.index_cast %min3A_1721 : i32 to index
      %swap3A_1823 = tpu.vector_load %arg6[%swap3A_1820, %swap3A_1821, %swap3A_1822] {strides = array<i32>} : memref<2x20x1000xf32, #tpu.memory_space<vmem>>, vector<16xf32>,
      tpu.vector_store %arg6[%swap3A_1820, %swap3A_1821, %swap3A_1822], %broadcast_in_dim3A_5 {strides = array<i32>} : memref<2x20x1000xf32, #tpu.memory_space<vmem>>, vector<16xf32>,
      %swap3A_1824 = arith.constant 0 : i32
      %swap3A_1825 = arith.constant 8 : i32
      %swap3A_1826 = arith.index_cast %swap3A_1824 : i32 to index
      %swap3A_1827 = arith.index_cast %swap3A_1825 : i32 to index
      %swap3A_1828 = arith.index_cast %min3A_1721 : i32 to index
      %swap3A_1829 = tpu.vector_load %arg7[%swap3A_1826, %swap3A_1827, %swap3A_1828] {strides = array<i32>} : memref<2x20x1000xf32, #tpu.memory_space<vmem>>, vector<16xf32>,
      tpu.vector_store %arg7[%swap3A_1826, %swap3A_1827, %swap3A_1828], %broadcast_in_dim3A_5 {strides = array<i32>} : memref<2x20x1000xf32, #tpu.memory_space<vmem>>, vector<16xf32>,
      %swap3A_1830 = arith.constant 0 : i32
      %swap3A_1831 = arith.constant 9 : i32
      %swap3A_1832 = arith.index_cast %swap3A_1830 : i32 to index
      %swap3A_1833 = arith.index_cast %swap3A_1831 : i32 to index
      %swap3A_1834 = arith.index_cast %min3A_1721 : i32 to index
      %swap3A_1835 = tpu.vector_load %arg6[%swap3A_1832, %swap3A_1833, %swap3A_1834] {strides = array<i32>} : memref<2x20x1000xf32, #tpu.memory_space<vmem>>, vector<16xf32>,
      tpu.vector_store %arg6[%swap3A_1832, %swap3A_1833, %swap3A_1834], %broadcast_in_dim3A_5 {strides = array<i32>} : memref<2x20x1000xf32, #tpu.memory_space<vmem>>, vector<16xf32>,
      %swap3A_1836 = arith.constant 0 : i32
      %swap3A_1837 = arith.constant 9 : i32
      %swap3A_1838 = arith.index_cast %swap3A_1836 : i32 to index
      %swap3A_1839 = arith.index_cast %swap3A_1837 : i32 to index
      %swap3A_1840 = arith.index_cast %min3A_1721 : i32 to index
      %swap3A_1841 = tpu.vector_load %arg7[%swap3A_1838, %swap3A_1839, %swap3A_1840] {strides = array<i32>} : memref<2x20x1000xf32, #tpu.memory_space<vmem>>, vector<16xf32>,
      tpu.vector_store %arg7[%swap3A_1838, %swap3A_1839, %swap3A_1840], %broadcast_in_dim3A_5 {strides = array<i32>} : memref<2x20x1000xf32, #tpu.memory_space<vmem>>, vector<16xf32>,
      %swap3A_1842 = arith.constant 0 : i32
      %swap3A_1843 = arith.constant 10 : i32
      %swap3A_1844 = arith.index_cast %swap3A_1842 : i32 to index
      %swap3A_1845 = arith.index_cast %swap3A_1843 : i32 to index
      %swap3A_1846 = arith.index_cast %min3A_1721 : i32 to index
      %swap3A_1847 = tpu.vector_load %arg6[%swap3A_1844, %swap3A_1845, %swap3A_1846] {strides = array<i32>} : memref<2x20x1000xf32, #tpu.memory_space<vmem>>, vector<16xf32>,
      tpu.vector_store %arg6[%swap3A_1844, %swap3A_1845, %swap3A_1846], %broadcast_in_dim3A_5 {strides = array<i32>} : memref<2x20x1000xf32, #tpu.memory_space<vmem>>, vector<16xf32>,
      %swap3A_1848 = arith.constant 0 : i32
      %swap3A_1849 = arith.constant 10 : i32
      %swap3A_1850 = arith.index_cast %swap3A_1848 : i32 to index
      %swap3A_1851 = arith.index_cast %swap3A_1849 : i32 to index
      %swap3A_1852 = arith.index_cast %min3A_1721 : i32 to index
      %swap3A_1853 = tpu.vector_load %arg7[%swap3A_1850, %swap3A_1851, %swap3A_1852] {strides = array<i32>} : memref<2x20x1000xf32, #tpu.memory_space<vmem>>, vector<16xf32>,
      tpu.vector_store %arg7[%swap3A_1850, %swap3A_1851, %swap3A_1852], %broadcast_in_dim3A_5 {strides = array<i32>} : memref<2x20x1000xf32, #tpu.memory_space<vmem>>, vector<16xf32>,
      %swap3A_1854 = arith.constant 0 : i32
      %swap3A_1855 = arith.constant 11 : i32
      %swap3A_1856 = arith.index_cast %swap3A_1854 : i32 to index
      %swap3A_1857 = arith.index_cast %swap3A_1855 : i32 to index
      %swap3A_1858 = arith.index_cast %min3A_1721 : i32 to index
      %swap3A_1859 = tpu.vector_load %arg6[%swap3A_1856, %swap3A_1857, %swap3A_1858] {strides = array<i32>} : memref<2x20x1000xf32, #tpu.memory_space<vmem>>, vector<16xf32>,
      tpu.vector_store %arg6[%swap3A_1856, %swap3A_1857, %swap3A_1858], %broadcast_in_dim3A_5 {strides = array<i32>} : memref<2x20x1000xf32, #tpu.memory_space<vmem>>, vector<16xf32>,
      %swap3A_1860 = arith.constant 0 : i32
      %swap3A_1861 = arith.constant 11 : i32
      %swap3A_1862 = arith.index_cast %swap3A_1860 : i32 to index
      %swap3A_1863 = arith.index_cast %swap3A_1861 : i32 to index
      %swap3A_1864 = arith.index_cast %min3A_1721 : i32 to index
      %swap3A_1865 = tpu.vector_load %arg7[%swap3A_1862, %swap3A_1863, %swap3A_1864] {strides = array<i32>} : memref<2x20x1000xf32, #tpu.memory_space<vmem>>, vector<16xf32>,
      tpu.vector_store %arg7[%swap3A_1862, %swap3A_1863, %swap3A_1864], %broadcast_in_dim3A_5 {strides = array<i32>} : memref<2x20x1000xf32, #tpu.memory_space<vmem>>, vector<16xf32>,
      %swap3A_1866 = arith.constant 0 : i32
      %swap3A_1867 = arith.constant 12 : i32
      %swap3A_1868 = arith.index_cast %swap3A_1866 : i32 to index
      %swap3A_1869 = arith.index_cast %swap3A_1867 : i32 to index
      %swap3A_1870 = arith.index_cast %min3A_1721 : i32 to index
      %swap3A_1871 = tpu.vector_load %arg6[%swap3A_1868, %swap3A_1869, %swap3A_1870] {strides = array<i32>} : memref<2x20x1000xf32, #tpu.memory_space<vmem>>, vector<16xf32>,
      tpu.vector_store %arg6[%swap3A_1868, %swap3A_1869, %swap3A_1870], %broadcast_in_dim3A_5 {strides = array<i32>} : memref<2x20x1000xf32, #tpu.memory_space<vmem>>, vector<16xf32>,
      %swap3A_1872 = arith.constant 0 : i32
      %swap3A_1873 = arith.constant 12 : i32
      %swap3A_1874 = arith.index_cast %swap3A_1872 : i32 to index
      %swap3A_1875 = arith.index_cast %swap3A_1873 : i32 to index
      %swap3A_1876 = arith.index_cast %min3A_1721 : i32 to index
      %swap3A_1877 = tpu.vector_load %arg7[%swap3A_1874, %swap3A_1875, %swap3A_1876] {strides = array<i32>} : memref<2x20x1000xf32, #tpu.memory_space<vmem>>, vector<16xf32>,
      tpu.vector_store %arg7[%swap3A_1874, %swap3A_1875, %swap3A_1876], %broadcast_in_dim3A_5 {strides = array<i32>} : memref<2x20x1000xf32, #tpu.memory_space<vmem>>, vector<16xf32>,
      %swap3A_1878 = arith.constant 0 : i32
      %swap3A_1879 = arith.constant 13 : i32
      %swap3A_1880 = arith.index_cast %swap3A_1878 : i32 to index
      %swap3A_1881 = arith.index_cast %swap3A_1879 : i32 to index
      %swap3A_1882 = arith.index_cast %min3A_1721 : i32 to index
      %swap3A_1883 = tpu.vector_load %arg6[%swap3A_1880, %swap3A_1881, %swap3A_1882] {strides = array<i32>} : memref<2x20x1000xf32, #tpu.memory_space<vmem>>, vector<16xf32>,
      tpu.vector_store %arg6[%swap3A_1880, %swap3A_1881, %swap3A_1882], %broadcast_in_dim3A_5 {strides = array<i32>} : memref<2x20x1000xf32, #tpu.memory_space<vmem>>, vector<16xf32>,
      %swap3A_1884 = arith.constant 0 : i32
      %swap3A_1885 = arith.constant 13 : i32
      %swap3A_1886 = arith.index_cast %swap3A_1884 : i32 to index
      %swap3A_1887 = arith.index_cast %swap3A_1885 : i32 to index
      %swap3A_1888 = arith.index_cast %min3A_1721 : i32 to index
      %swap3A_1889 = tpu.vector_load %arg7[%swap3A_1886, %swap3A_1887, %swap3A_1888] {strides = array<i32>} : memref<2x20x1000xf32, #tpu.memory_space<vmem>>, vector<16xf32>,
      tpu.vector_store %arg7[%swap3A_1886, %swap3A_1887, %swap3A_1888], %broadcast_in_dim3A_5 {strides = array<i32>} : memref<2x20x1000xf32, #tpu.memory_space<vmem>>, vector<16xf32>,
      %swap3A_1890 = arith.constant 0 : i32
      %swap3A_1891 = arith.constant 14 : i32
      %swap3A_1892 = arith.index_cast %swap3A_1890 : i32 to index
      %swap3A_1893 = arith.index_cast %swap3A_1891 : i32 to index
      %swap3A_1894 = arith.index_cast %min3A_1721 : i32 to index
      %swap3A_1895 = tpu.vector_load %arg6[%swap3A_1892, %swap3A_1893, %swap3A_1894] {strides = array<i32>} : memref<2x20x1000xf32, #tpu.memory_space<vmem>>, vector<16xf32>,
      tpu.vector_store %arg6[%swap3A_1892, %swap3A_1893, %swap3A_1894], %broadcast_in_dim3A_5 {strides = array<i32>} : memref<2x20x1000xf32, #tpu.memory_space<vmem>>, vector<16xf32>,
      %swap3A_1896 = arith.constant 0 : i32
      %swap3A_1897 = arith.constant 14 : i32
      %swap3A_1898 = arith.index_cast %swap3A_1896 : i32 to index
      %swap3A_1899 = arith.index_cast %swap3A_1897 : i32 to index
      %swap3A_1900 = arith.index_cast %min3A_1721 : i32 to index
      %swap3A_1901 = tpu.vector_load %arg7[%swap3A_1898, %swap3A_1899, %swap3A_1900] {strides = array<i32>} : memref<2x20x1000xf32, #tpu.memory_space<vmem>>, vector<16xf32>,
      tpu.vector_store %arg7[%swap3A_1898, %swap3A_1899, %swap3A_1900], %broadcast_in_dim3A_5 {strides = array<i32>} : memref<2x20x1000xf32, #tpu.memory_space<vmem>>, vector<16xf32>,
      %swap3A_1902 = arith.constant 0 : i32
      %swap3A_1903 = arith.constant 15 : i32
      %swap3A_1904 = arith.index_cast %swap3A_1902 : i32 to index
      %swap3A_1905 = arith.index_cast %swap3A_1903 : i32 to index
      %swap3A_1906 = arith.index_cast %min3A_1721 : i32 to index
      %swap3A_1907 = tpu.vector_load %arg6[%swap3A_1904, %swap3A_1905, %swap3A_1906] {strides = array<i32>} : memref<2x20x1000xf32, #tpu.memory_space<vmem>>, vector<16xf32>,
      tpu.vector_store %arg6[%swap3A_1904, %swap3A_1905, %swap3A_1906], %broadcast_in_dim3A_5 {strides = array<i32>} : memref<2x20x1000xf32, #tpu.memory_space<vmem>>, vector<16xf32>,
      %swap3A_1908 = arith.constant 0 : i32
      %swap3A_1909 = arith.constant 15 : i32
      %swap3A_1910 = arith.index_cast %swap3A_1908 : i32 to index
      %swap3A_1911 = arith.index_cast %swap3A_1909 : i32 to index
      %swap3A_1912 = arith.index_cast %min3A_1721 : i32 to index
      %swap3A_1913 = tpu.vector_load %arg7[%swap3A_1910, %swap3A_1911, %swap3A_1912] {strides = array<i32>} : memref<2x20x1000xf32, #tpu.memory_space<vmem>>, vector<16xf32>,
      tpu.vector_store %arg7[%swap3A_1910, %swap3A_1911, %swap3A_1912], %broadcast_in_dim3A_5 {strides = array<i32>} : memref<2x20x1000xf32, #tpu.memory_space<vmem>>, vector<16xf32>,
      %swap3A_1914 = arith.constant 0 : i32
      %swap3A_1915 = arith.constant 16 : i32
      %swap3A_1916 = arith.index_cast %swap3A_1914 : i32 to index
      %swap3A_1917 = arith.index_cast %swap3A_1915 : i32 to index
      %swap3A_1918 = arith.index_cast %min3A_1721 : i32 to index
      %swap3A_1919 = tpu.vector_load %arg6[%swap3A_1916, %swap3A_1917, %swap3A_1918] {strides = array<i32>} : memref<2x20x1000xf32, #tpu.memory_space<vmem>>, vector<16xf32>,
      tpu.vector_store %arg6[%swap3A_1916, %swap3A_1917, %swap3A_1918], %broadcast_in_dim3A_5 {strides = array<i32>} : memref<2x20x1000xf32, #tpu.memory_space<vmem>>, vector<16xf32>,
      %swap3A_1920 = arith.constant 0 : i32
      %swap3A_1921 = arith.constant 16 : i32
      %swap3A_1922 = arith.index_cast %swap3A_1920 : i32 to index
      %swap3A_1923 = arith.index_cast %swap3A_1921 : i32 to index
      %swap3A_1924 = arith.index_cast %min3A_1721 : i32 to index
      %swap3A_1925 = tpu.vector_load %arg7[%swap3A_1922, %swap3A_1923, %swap3A_1924] {strides = array<i32>} : memref<2x20x1000xf32, #tpu.memory_space<vmem>>, vector<16xf32>,
      tpu.vector_store %arg7[%swap3A_1922, %swap3A_1923, %swap3A_1924], %broadcast_in_dim3A_5 {strides = array<i32>} : memref<2x20x1000xf32, #tpu.memory_space<vmem>>, vector<16xf32>,
      %swap3A_1926 = arith.constant 0 : i32
      %swap3A_1927 = arith.constant 17 : i32
      %swap3A_1928 = arith.index_cast %swap3A_1926 : i32 to index
      %swap3A_1929 = arith.index_cast %swap3A_1927 : i32 to index
      %swap3A_1930 = arith.index_cast %min3A_1721 : i32 to index
      %swap3A_1931 = tpu.vector_load %arg6[%swap3A_1928, %swap3A_1929, %swap3A_1930] {strides = array<i32>} : memref<2x20x1000xf32, #tpu.memory_space<vmem>>, vector<16xf32>,
      tpu.vector_store %arg6[%swap3A_1928, %swap3A_1929, %swap3A_1930], %broadcast_in_dim3A_5 {strides = array<i32>} : memref<2x20x1000xf32, #tpu.memory_space<vmem>>, vector<16xf32>,
      %swap3A_1932 = arith.constant 0 : i32
      %swap3A_1933 = arith.constant 17 : i32
      %swap3A_1934 = arith.index_cast %swap3A_1932 : i32 to index
      %swap3A_1935 = arith.index_cast %swap3A_1933 : i32 to index
      %swap3A_1936 = arith.index_cast %min3A_1721 : i32 to index
      %swap3A_1937 = tpu.vector_load %arg7[%swap3A_1934, %swap3A_1935, %swap3A_1936] {strides = array<i32>} : memref<2x20x1000xf32, #tpu.memory_space<vmem>>, vector<16xf32>,
      tpu.vector_store %arg7[%swap3A_1934, %swap3A_1935, %swap3A_1936], %broadcast_in_dim3A_5 {strides = array<i32>} : memref<2x20x1000xf32, #tpu.memory_space<vmem>>, vector<16xf32>,
      %swap3A_1938 = arith.constant 0 : i32
      %swap3A_1939 = arith.constant 18 : i32
      %swap3A_1940 = arith.index_cast %swap3A_1938 : i32 to index
      %swap3A_1941 = arith.index_cast %swap3A_1939 : i32 to index
      %swap3A_1942 = arith.index_cast %min3A_1721 : i32 to index
      %swap3A_1943 = tpu.vector_load %arg6[%swap3A_1940, %swap3A_1941, %swap3A_1942] {strides = array<i32>} : memref<2x20x1000xf32, #tpu.memory_space<vmem>>, vector<16xf32>,
      tpu.vector_store %arg6[%swap3A_1940, %swap3A_1941, %swap3A_1942], %broadcast_in_dim3A_5 {strides = array<i32>} : memref<2x20x1000xf32, #tpu.memory_space<vmem>>, vector<16xf32>,
      %swap3A_1944 = arith.constant 0 : i32
      %swap3A_1945 = arith.constant 18 : i32
      %swap3A_1946 = arith.index_cast %swap3A_1944 : i32 to index
      %swap3A_1947 = arith.index_cast %swap3A_1945 : i32 to index
      %swap3A_1948 = arith.index_cast %min3A_1721 : i32 to index
      %swap3A_1949 = tpu.vector_load %arg7[%swap3A_1946, %swap3A_1947, %swap3A_1948] {strides = array<i32>} : memref<2x20x1000xf32, #tpu.memory_space<vmem>>, vector<16xf32>,
      tpu.vector_store %arg7[%swap3A_1946, %swap3A_1947, %swap3A_1948], %broadcast_in_dim3A_5 {strides = array<i32>} : memref<2x20x1000xf32, #tpu.memory_space<vmem>>, vector<16xf32>,
      %swap3A_1950 = arith.constant 0 : i32
      %swap3A_1951 = arith.constant 19 : i32
      %swap3A_1952 = arith.index_cast %swap3A_1950 : i32 to index
      %swap3A_1953 = arith.index_cast %swap3A_1951 : i32 to index
      %swap3A_1954 = arith.index_cast %min3A_1721 : i32 to index
      %swap3A_1955 = tpu.vector_load %arg6[%swap3A_1952, %swap3A_1953, %swap3A_1954] {strides = array<i32>} : memref<2x20x1000xf32, #tpu.memory_space<vmem>>, vector<16xf32>,
      tpu.vector_store %arg6[%swap3A_1952, %swap3A_1953, %swap3A_1954], %broadcast_in_dim3A_5 {strides = array<i32>} : memref<2x20x1000xf32, #tpu.memory_space<vmem>>, vector<16xf32>,
      %swap3A_1956 = arith.constant 0 : i32
      %swap3A_1957 = arith.constant 19 : i32
      %swap3A_1958 = arith.index_cast %swap3A_1956 : i32 to index
      %swap3A_1959 = arith.index_cast %swap3A_1957 : i32 to index
      %swap3A_1960 = arith.index_cast %min3A_1721 : i32 to index
      %swap3A_1961 = tpu.vector_load %arg7[%swap3A_1958, %swap3A_1959, %swap3A_1960] {strides = array<i32>} : memref<2x20x1000xf32, #tpu.memory_space<vmem>>, vector<16xf32>,
      tpu.vector_store %arg7[%swap3A_1958, %swap3A_1959, %swap3A_1960], %broadcast_in_dim3A_5 {strides = array<i32>} : memref<2x20x1000xf32, #tpu.memory_space<vmem>>, vector<16xf32>,
      %swap3A_1962 = arith.constant 1 : i32
      %swap3A_1963 = arith.constant 0 : i32
      %swap3A_1964 = arith.index_cast %swap3A_1962 : i32 to index
      %swap3A_1965 = arith.index_cast %swap3A_1963 : i32 to index
      %swap3A_1966 = arith.index_cast %min3A_1721 : i32 to index
      %swap3A_1967 = tpu.vector_load %arg6[%swap3A_1964, %swap3A_1965, %swap3A_1966] {strides = array<i32>} : memref<2x20x1000xf32, #tpu.memory_space<vmem>>, vector<16xf32>,
      tpu.vector_store %arg6[%swap3A_1964, %swap3A_1965, %swap3A_1966], %broadcast_in_dim3A_5 {strides = array<i32>} : memref<2x20x1000xf32, #tpu.memory_space<vmem>>, vector<16xf32>,
      %swap3A_1968 = arith.constant 1 : i32
      %swap3A_1969 = arith.constant 0 : i32
      %swap3A_1970 = arith.index_cast %swap3A_1968 : i32 to index
      %swap3A_1971 = arith.index_cast %swap3A_1969 : i32 to index
      %swap3A_1972 = arith.index_cast %min3A_1721 : i32 to index
      %swap3A_1973 = tpu.vector_load %arg7[%swap3A_1970, %swap3A_1971, %swap3A_1972] {strides = array<i32>} : memref<2x20x1000xf32, #tpu.memory_space<vmem>>, vector<16xf32>,
      tpu.vector_store %arg7[%swap3A_1970, %swap3A_1971, %swap3A_1972], %broadcast_in_dim3A_5 {strides = array<i32>} : memref<2x20x1000xf32, #tpu.memory_space<vmem>>, vector<16xf32>,
      %swap3A_1974 = arith.constant 1 : i32
      %swap3A_1975 = arith.constant 1 : i32
      %swap3A_1976 = arith.index_cast %swap3A_1974 : i32 to index
      %swap3A_1977 = arith.index_cast %swap3A_1975 : i32 to index
      %swap3A_1978 = arith.index_cast %min3A_1721 : i32 to index
      %swap3A_1979 = tpu.vector_load %arg6[%swap3A_1976, %swap3A_1977, %swap3A_1978] {strides = array<i32>} : memref<2x20x1000xf32, #tpu.memory_space<vmem>>, vector<16xf32>,
      tpu.vector_store %arg6[%swap3A_1976, %swap3A_1977, %swap3A_1978], %broadcast_in_dim3A_5 {strides = array<i32>} : memref<2x20x1000xf32, #tpu.memory_space<vmem>>, vector<16xf32>,
      %swap3A_1980 = arith.constant 1 : i32
      %swap3A_1981 = arith.constant 1 : i32
      %swap3A_1982 = arith.index_cast %swap3A_1980 : i32 to index
      %swap3A_1983 = arith.index_cast %swap3A_1981 : i32 to index
      %swap3A_1984 = arith.index_cast %min3A_1721 : i32 to index
      %swap3A_1985 = tpu.vector_load %arg7[%swap3A_1982, %swap3A_1983, %swap3A_1984] {strides = array<i32>} : memref<2x20x1000xf32, #tpu.memory_space<vmem>>, vector<16xf32>,
      tpu.vector_store %arg7[%swap3A_1982, %swap3A_1983, %swap3A_1984], %broadcast_in_dim3A_5 {strides = array<i32>} : memref<2x20x1000xf32, #tpu.memory_space<vmem>>, vector<16xf32>,
      %swap3A_1986 = arith.constant 1 : i32
      %swap3A_1987 = arith.constant 2 : i32
      %swap3A_1988 = arith.index_cast %swap3A_1986 : i32 to index
      %swap3A_1989 = arith.index_cast %swap3A_1987 : i32 to index
      %swap3A_1990 = arith.index_cast %min3A_1721 : i32 to index
      %swap3A_1991 = tpu.vector_load %arg6[%swap3A_1988, %swap3A_1989, %swap3A_1990] {strides = array<i32>} : memref<2x20x1000xf32, #tpu.memory_space<vmem>>, vector<16xf32>,
      tpu.vector_store %arg6[%swap3A_1988, %swap3A_1989, %swap3A_1990], %broadcast_in_dim3A_5 {strides = array<i32>} : memref<2x20x1000xf32, #tpu.memory_space<vmem>>, vector<16xf32>,
      %swap3A_1992 = arith.constant 1 : i32
      %swap3A_1993 = arith.constant 2 : i32
      %swap3A_1994 = arith.index_cast %swap3A_1992 : i32 to index
      %swap3A_1995 = arith.index_cast %swap3A_1993 : i32 to index
      %swap3A_1996 = arith.index_cast %min3A_1721 : i32 to index
      %swap3A_1997 = tpu.vector_load %arg7[%swap3A_1994, %swap3A_1995, %swap3A_1996] {strides = array<i32>} : memref<2x20x1000xf32, #tpu.memory_space<vmem>>, vector<16xf32>,
      tpu.vector_store %arg7[%swap3A_1994, %swap3A_1995, %swap3A_1996], %broadcast_in_dim3A_5 {strides = array<i32>} : memref<2x20x1000xf32, #tpu.memory_space<vmem>>, vector<16xf32>,
      %swap3A_1998 = arith.constant 1 : i32
      %swap3A_1999 = arith.constant 3 : i32
      %swap3A_2000 = arith.index_cast %swap3A_1998 : i32 to index
      %swap3A_2001 = arith.index_cast %swap3A_1999 : i32 to index
      %swap3A_2002 = arith.index_cast %min3A_1721 : i32 to index
      %swap3A_2003 = tpu.vector_load %arg6[%swap3A_2000, %swap3A_2001, %swap3A_2002] {strides = array<i32>} : memref<2x20x1000xf32, #tpu.memory_space<vmem>>, vector<16xf32>,
      tpu.vector_store %arg6[%swap3A_2000, %swap3A_2001, %swap3A_2002], %broadcast_in_dim3A_5 {strides = array<i32>} : memref<2x20x1000xf32, #tpu.memory_space<vmem>>, vector<16xf32>,
      %swap3A_2004 = arith.constant 1 : i32
      %swap3A_2005 = arith.constant 3 : i32
      %swap3A_2006 = arith.index_cast %swap3A_2004 : i32 to index
      %swap3A_2007 = arith.index_cast %swap3A_2005 : i32 to index
      %swap3A_2008 = arith.index_cast %min3A_1721 : i32 to index
      %swap3A_2009 = tpu.vector_load %arg7[%swap3A_2006, %swap3A_2007, %swap3A_2008] {strides = array<i32>} : memref<2x20x1000xf32, #tpu.memory_space<vmem>>, vector<16xf32>,
      tpu.vector_store %arg7[%swap3A_2006, %swap3A_2007, %swap3A_2008], %broadcast_in_dim3A_5 {strides = array<i32>} : memref<2x20x1000xf32, #tpu.memory_space<vmem>>, vector<16xf32>,
      %swap3A_2010 = arith.constant 1 : i32
      %swap3A_2011 = arith.constant 4 : i32
      %swap3A_2012 = arith.index_cast %swap3A_2010 : i32 to index
      %swap3A_2013 = arith.index_cast %swap3A_2011 : i32 to index
      %swap3A_2014 = arith.index_cast %min3A_1721 : i32 to index
      %swap3A_2015 = tpu.vector_load %arg6[%swap3A_2012, %swap3A_2013, %swap3A_2014] {strides = array<i32>} : memref<2x20x1000xf32, #tpu.memory_space<vmem>>, vector<16xf32>,
      tpu.vector_store %arg6[%swap3A_2012, %swap3A_2013, %swap3A_2014], %broadcast_in_dim3A_5 {strides = array<i32>} : memref<2x20x1000xf32, #tpu.memory_space<vmem>>, vector<16xf32>,
      %swap3A_2016 = arith.constant 1 : i32
      %swap3A_2017 = arith.constant 4 : i32
      %swap3A_2018 = arith.index_cast %swap3A_2016 : i32 to index
      %swap3A_2019 = arith.index_cast %swap3A_2017 : i32 to index
      %swap3A_2020 = arith.index_cast %min3A_1721 : i32 to index
      %swap3A_2021 = tpu.vector_load %arg7[%swap3A_2018, %swap3A_2019, %swap3A_2020] {strides = array<i32>} : memref<2x20x1000xf32, #tpu.memory_space<vmem>>, vector<16xf32>,
      tpu.vector_store %arg7[%swap3A_2018, %swap3A_2019, %swap3A_2020], %broadcast_in_dim3A_5 {strides = array<i32>} : memref<2x20x1000xf32, #tpu.memory_space<vmem>>, vector<16xf32>,
      %swap3A_2022 = arith.constant 1 : i32
      %swap3A_2023 = arith.constant 5 : i32
      %swap3A_2024 = arith.index_cast %swap3A_2022 : i32 to index
      %swap3A_2025 = arith.index_cast %swap3A_2023 : i32 to index
      %swap3A_2026 = arith.index_cast %min3A_1721 : i32 to index
      %swap3A_2027 = tpu.vector_load %arg6[%swap3A_2024, %swap3A_2025, %swap3A_2026] {strides = array<i32>} : memref<2x20x1000xf32, #tpu.memory_space<vmem>>, vector<16xf32>,
      tpu.vector_store %arg6[%swap3A_2024, %swap3A_2025, %swap3A_2026], %broadcast_in_dim3A_5 {strides = array<i32>} : memref<2x20x1000xf32, #tpu.memory_space<vmem>>, vector<16xf32>,
      %swap3A_2028 = arith.constant 1 : i32
      %swap3A_2029 = arith.constant 5 : i32
      %swap3A_2030 = arith.index_cast %swap3A_2028 : i32 to index
      %swap3A_2031 = arith.index_cast %swap3A_2029 : i32 to index
      %swap3A_2032 = arith.index_cast %min3A_1721 : i32 to index
      %swap3A_2033 = tpu.vector_load %arg7[%swap3A_2030, %swap3A_2031, %swap3A_2032] {strides = array<i32>} : memref<2x20x1000xf32, #tpu.memory_space<vmem>>, vector<16xf32>,
      tpu.vector_store %arg7[%swap3A_2030, %swap3A_2031, %swap3A_2032], %broadcast_in_dim3A_5 {strides = array<i32>} : memref<2x20x1000xf32, #tpu.memory_space<vmem>>, vector<16xf32>,
      %swap3A_2034 = arith.constant 1 : i32
      %swap3A_2035 = arith.constant 6 : i32
      %swap3A_2036 = arith.index_cast %swap3A_2034 : i32 to index
      %swap3A_2037 = arith.index_cast %swap3A_2035 : i32 to index
      %swap3A_2038 = arith.index_cast %min3A_1721 : i32 to index
      %swap3A_2039 = tpu.vector_load %arg6[%swap3A_2036, %swap3A_2037, %swap3A_2038] {strides = array<i32>} : memref<2x20x1000xf32, #tpu.memory_space<vmem>>, vector<16xf32>,
      tpu.vector_store %arg6[%swap3A_2036, %swap3A_2037, %swap3A_2038], %broadcast_in_dim3A_5 {strides = array<i32>} : memref<2x20x1000xf32, #tpu.memory_space<vmem>>, vector<16xf32>,
      %swap3A_2040 = arith.constant 1 : i32
      %swap3A_2041 = arith.constant 6 : i32
      %swap3A_2042 = arith.index_cast %swap3A_2040 : i32 to index
      %swap3A_2043 = arith.index_cast %swap3A_2041 : i32 to index
      %swap3A_2044 = arith.index_cast %min3A_1721 : i32 to index
      %swap3A_2045 = tpu.vector_load %arg7[%swap3A_2042, %swap3A_2043, %swap3A_2044] {strides = array<i32>} : memref<2x20x1000xf32, #tpu.memory_space<vmem>>, vector<16xf32>,
      tpu.vector_store %arg7[%swap3A_2042, %swap3A_2043, %swap3A_2044], %broadcast_in_dim3A_5 {strides = array<i32>} : memref<2x20x1000xf32, #tpu.memory_space<vmem>>, vector<16xf32>,
      %swap3A_2046 = arith.constant 1 : i32
      %swap3A_2047 = arith.constant 7 : i32
      %swap3A_2048 = arith.index_cast %swap3A_2046 : i32 to index
      %swap3A_2049 = arith.index_cast %swap3A_2047 : i32 to index
      %swap3A_2050 = arith.index_cast %min3A_1721 : i32 to index
      %swap3A_2051 = tpu.vector_load %arg6[%swap3A_2048, %swap3A_2049, %swap3A_2050] {strides = array<i32>} : memref<2x20x1000xf32, #tpu.memory_space<vmem>>, vector<16xf32>,
      tpu.vector_store %arg6[%swap3A_2048, %swap3A_2049, %swap3A_2050], %broadcast_in_dim3A_5 {strides = array<i32>} : memref<2x20x1000xf32, #tpu.memory_space<vmem>>, vector<16xf32>,
      %swap3A_2052 = arith.constant 1 : i32
      %swap3A_2053 = arith.constant 7 : i32
      %swap3A_2054 = arith.index_cast %swap3A_2052 : i32 to index
      %swap3A_2055 = arith.index_cast %swap3A_2053 : i32 to index
      %swap3A_2056 = arith.index_cast %min3A_1721 : i32 to index
      %swap3A_2057 = tpu.vector_load %arg7[%swap3A_2054, %swap3A_2055, %swap3A_2056] {strides = array<i32>} : memref<2x20x1000xf32, #tpu.memory_space<vmem>>, vector<16xf32>,
      tpu.vector_store %arg7[%swap3A_2054, %swap3A_2055, %swap3A_2056], %broadcast_in_dim3A_5 {strides = array<i32>} : memref<2x20x1000xf32, #tpu.memory_space<vmem>>, vector<16xf32>,
      %swap3A_2058 = arith.constant 1 : i32
      %swap3A_2059 = arith.constant 8 : i32
      %swap3A_2060 = arith.index_cast %swap3A_2058 : i32 to index
      %swap3A_2061 = arith.index_cast %swap3A_2059 : i32 to index
      %swap3A_2062 = arith.index_cast %min3A_1721 : i32 to index
      %swap3A_2063 = tpu.vector_load %arg6[%swap3A_2060, %swap3A_2061, %swap3A_2062] {strides = array<i32>} : memref<2x20x1000xf32, #tpu.memory_space<vmem>>, vector<16xf32>,
      tpu.vector_store %arg6[%swap3A_2060, %swap3A_2061, %swap3A_2062], %broadcast_in_dim3A_5 {strides = array<i32>} : memref<2x20x1000xf32, #tpu.memory_space<vmem>>, vector<16xf32>,
      %swap3A_2064 = arith.constant 1 : i32
      %swap3A_2065 = arith.constant 8 : i32
      %swap3A_2066 = arith.index_cast %swap3A_2064 : i32 to index
      %swap3A_2067 = arith.index_cast %swap3A_2065 : i32 to index
      %swap3A_2068 = arith.index_cast %min3A_1721 : i32 to index
      %swap3A_2069 = tpu.vector_load %arg7[%swap3A_2066, %swap3A_2067, %swap3A_2068] {strides = array<i32>} : memref<2x20x1000xf32, #tpu.memory_space<vmem>>, vector<16xf32>,
      tpu.vector_store %arg7[%swap3A_2066, %swap3A_2067, %swap3A_2068], %broadcast_in_dim3A_5 {strides = array<i32>} : memref<2x20x1000xf32, #tpu.memory_space<vmem>>, vector<16xf32>,
      %swap3A_2070 = arith.constant 1 : i32
      %swap3A_2071 = arith.constant 9 : i32
      %swap3A_2072 = arith.index_cast %swap3A_2070 : i32 to index
      %swap3A_2073 = arith.index_cast %swap3A_2071 : i32 to index
      %swap3A_2074 = arith.index_cast %min3A_1721 : i32 to index
      %swap3A_2075 = tpu.vector_load %arg6[%swap3A_2072, %swap3A_2073, %swap3A_2074] {strides = array<i32>} : memref<2x20x1000xf32, #tpu.memory_space<vmem>>, vector<16xf32>,
      tpu.vector_store %arg6[%swap3A_2072, %swap3A_2073, %swap3A_2074], %broadcast_in_dim3A_5 {strides = array<i32>} : memref<2x20x1000xf32, #tpu.memory_space<vmem>>, vector<16xf32>,
      %swap3A_2076 = arith.constant 1 : i32
      %swap3A_2077 = arith.constant 9 : i32
      %swap3A_2078 = arith.index_cast %swap3A_2076 : i32 to index
      %swap3A_2079 = arith.index_cast %swap3A_2077 : i32 to index
      %swap3A_2080 = arith.index_cast %min3A_1721 : i32 to index
      %swap3A_2081 = tpu.vector_load %arg7[%swap3A_2078, %swap3A_2079, %swap3A_2080] {strides = array<i32>} : memref<2x20x1000xf32, #tpu.memory_space<vmem>>, vector<16xf32>,
      tpu.vector_store %arg7[%swap3A_2078, %swap3A_2079, %swap3A_2080], %broadcast_in_dim3A_5 {strides = array<i32>} : memref<2x20x1000xf32, #tpu.memory_space<vmem>>, vector<16xf32>,
      %swap3A_2082 = arith.constant 1 : i32
      %swap3A_2083 = arith.constant 10 : i32
      %swap3A_2084 = arith.index_cast %swap3A_2082 : i32 to index
      %swap3A_2085 = arith.index_cast %swap3A_2083 : i32 to index
      %swap3A_2086 = arith.index_cast %min3A_1721 : i32 to index
      %swap3A_2087 = tpu.vector_load %arg6[%swap3A_2084, %swap3A_2085, %swap3A_2086] {strides = array<i32>} : memref<2x20x1000xf32, #tpu.memory_space<vmem>>, vector<16xf32>,
      tpu.vector_store %arg6[%swap3A_2084, %swap3A_2085, %swap3A_2086], %broadcast_in_dim3A_5 {strides = array<i32>} : memref<2x20x1000xf32, #tpu.memory_space<vmem>>, vector<16xf32>,
      %swap3A_2088 = arith.constant 1 : i32
      %swap3A_2089 = arith.constant 10 : i32
      %swap3A_2090 = arith.index_cast %swap3A_2088 : i32 to index
      %swap3A_2091 = arith.index_cast %swap3A_2089 : i32 to index
      %swap3A_2092 = arith.index_cast %min3A_1721 : i32 to index
      %swap3A_2093 = tpu.vector_load %arg7[%swap3A_2090, %swap3A_2091, %swap3A_2092] {strides = array<i32>} : memref<2x20x1000xf32, #tpu.memory_space<vmem>>, vector<16xf32>,
      tpu.vector_store %arg7[%swap3A_2090, %swap3A_2091, %swap3A_2092], %broadcast_in_dim3A_5 {strides = array<i32>} : memref<2x20x1000xf32, #tpu.memory_space<vmem>>, vector<16xf32>,
      %swap3A_2094 = arith.constant 1 : i32
      %swap3A_2095 = arith.constant 11 : i32
      %swap3A_2096 = arith.index_cast %swap3A_2094 : i32 to index
      %swap3A_2097 = arith.index_cast %swap3A_2095 : i32 to index
      %swap3A_2098 = arith.index_cast %min3A_1721 : i32 to index
      %swap3A_2099 = tpu.vector_load %arg6[%swap3A_2096, %swap3A_2097, %swap3A_2098] {strides = array<i32>} : memref<2x20x1000xf32, #tpu.memory_space<vmem>>, vector<16xf32>,
      tpu.vector_store %arg6[%swap3A_2096, %swap3A_2097, %swap3A_2098], %broadcast_in_dim3A_5 {strides = array<i32>} : memref<2x20x1000xf32, #tpu.memory_space<vmem>>, vector<16xf32>,
      %swap3A_2100 = arith.constant 1 : i32
      %swap3A_2101 = arith.constant 11 : i32
      %swap3A_2102 = arith.index_cast %swap3A_2100 : i32 to index
      %swap3A_2103 = arith.index_cast %swap3A_2101 : i32 to index
      %swap3A_2104 = arith.index_cast %min3A_1721 : i32 to index
      %swap3A_2105 = tpu.vector_load %arg7[%swap3A_2102, %swap3A_2103, %swap3A_2104] {strides = array<i32>} : memref<2x20x1000xf32, #tpu.memory_space<vmem>>, vector<16xf32>,
      tpu.vector_store %arg7[%swap3A_2102, %swap3A_2103, %swap3A_2104], %broadcast_in_dim3A_5 {strides = array<i32>} : memref<2x20x1000xf32, #tpu.memory_space<vmem>>, vector<16xf32>,
      %swap3A_2106 = arith.constant 1 : i32
      %swap3A_2107 = arith.constant 12 : i32
      %swap3A_2108 = arith.index_cast %swap3A_2106 : i32 to index
      %swap3A_2109 = arith.index_cast %swap3A_2107 : i32 to index
      %swap3A_2110 = arith.index_cast %min3A_1721 : i32 to index
      %swap3A_2111 = tpu.vector_load %arg6[%swap3A_2108, %swap3A_2109, %swap3A_2110] {strides = array<i32>} : memref<2x20x1000xf32, #tpu.memory_space<vmem>>, vector<16xf32>,
      tpu.vector_store %arg6[%swap3A_2108, %swap3A_2109, %swap3A_2110], %broadcast_in_dim3A_5 {strides = array<i32>} : memref<2x20x1000xf32, #tpu.memory_space<vmem>>, vector<16xf32>,
      %swap3A_2112 = arith.constant 1 : i32
      %swap3A_2113 = arith.constant 12 : i32
      %swap3A_2114 = arith.index_cast %swap3A_2112 : i32 to index
      %swap3A_2115 = arith.index_cast %swap3A_2113 : i32 to index
      %swap3A_2116 = arith.index_cast %min3A_1721 : i32 to index
      %swap3A_2117 = tpu.vector_load %arg7[%swap3A_2114, %swap3A_2115, %swap3A_2116] {strides = array<i32>} : memref<2x20x1000xf32, #tpu.memory_space<vmem>>, vector<16xf32>,
      tpu.vector_store %arg7[%swap3A_2114, %swap3A_2115, %swap3A_2116], %broadcast_in_dim3A_5 {strides = array<i32>} : memref<2x20x1000xf32, #tpu.memory_space<vmem>>, vector<16xf32>,
      %swap3A_2118 = arith.constant 1 : i32
      %swap3A_2119 = arith.constant 13 : i32
      %swap3A_2120 = arith.index_cast %swap3A_2118 : i32 to index
      %swap3A_2121 = arith.index_cast %swap3A_2119 : i32 to index
      %swap3A_2122 = arith.index_cast %min3A_1721 : i32 to index
      %swap3A_2123 = tpu.vector_load %arg6[%swap3A_2120, %swap3A_2121, %swap3A_2122] {strides = array<i32>} : memref<2x20x1000xf32, #tpu.memory_space<vmem>>, vector<16xf32>,
      tpu.vector_store %arg6[%swap3A_2120, %swap3A_2121, %swap3A_2122], %broadcast_in_dim3A_5 {strides = array<i32>} : memref<2x20x1000xf32, #tpu.memory_space<vmem>>, vector<16xf32>,
      %swap3A_2124 = arith.constant 1 : i32
      %swap3A_2125 = arith.constant 13 : i32
      %swap3A_2126 = arith.index_cast %swap3A_2124 : i32 to index
      %swap3A_2127 = arith.index_cast %swap3A_2125 : i32 to index
      %swap3A_2128 = arith.index_cast %min3A_1721 : i32 to index
      %swap3A_2129 = tpu.vector_load %arg7[%swap3A_2126, %swap3A_2127, %swap3A_2128] {strides = array<i32>} : memref<2x20x1000xf32, #tpu.memory_space<vmem>>, vector<16xf32>,
      tpu.vector_store %arg7[%swap3A_2126, %swap3A_2127, %swap3A_2128], %broadcast_in_dim3A_5 {strides = array<i32>} : memref<2x20x1000xf32, #tpu.memory_space<vmem>>, vector<16xf32>,
      %swap3A_2130 = arith.constant 1 : i32
      %swap3A_2131 = arith.constant 14 : i32
      %swap3A_2132 = arith.index_cast %swap3A_2130 : i32 to index
      %swap3A_2133 = arith.index_cast %swap3A_2131 : i32 to index
      %swap3A_2134 = arith.index_cast %min3A_1721 : i32 to index
      %swap3A_2135 = tpu.vector_load %arg6[%swap3A_2132, %swap3A_2133, %swap3A_2134] {strides = array<i32>} : memref<2x20x1000xf32, #tpu.memory_space<vmem>>, vector<16xf32>,
      tpu.vector_store %arg6[%swap3A_2132, %swap3A_2133, %swap3A_2134], %broadcast_in_dim3A_5 {strides = array<i32>} : memref<2x20x1000xf32, #tpu.memory_space<vmem>>, vector<16xf32>,
      %swap3A_2136 = arith.constant 1 : i32
      %swap3A_2137 = arith.constant 14 : i32
      %swap3A_2138 = arith.index_cast %swap3A_2136 : i32 to index
      %swap3A_2139 = arith.index_cast %swap3A_2137 : i32 to index
      %swap3A_2140 = arith.index_cast %min3A_1721 : i32 to index
      %swap3A_2141 = tpu.vector_load %arg7[%swap3A_2138, %swap3A_2139, %swap3A_2140] {strides = array<i32>} : memref<2x20x1000xf32, #tpu.memory_space<vmem>>, vector<16xf32>,
      tpu.vector_store %arg7[%swap3A_2138, %swap3A_2139, %swap3A_2140], %broadcast_in_dim3A_5 {strides = array<i32>} : memref<2x20x1000xf32, #tpu.memory_space<vmem>>, vector<16xf32>,
      %swap3A_2142 = arith.constant 1 : i32
      %swap3A_2143 = arith.constant 15 : i32
      %swap3A_2144 = arith.index_cast %swap3A_2142 : i32 to index
      %swap3A_2145 = arith.index_cast %swap3A_2143 : i32 to index
      %swap3A_2146 = arith.index_cast %min3A_1721 : i32 to index
      %swap3A_2147 = tpu.vector_load %arg6[%swap3A_2144, %swap3A_2145, %swap3A_2146] {strides = array<i32>} : memref<2x20x1000xf32, #tpu.memory_space<vmem>>, vector<16xf32>,
      tpu.vector_store %arg6[%swap3A_2144, %swap3A_2145, %swap3A_2146], %broadcast_in_dim3A_5 {strides = array<i32>} : memref<2x20x1000xf32, #tpu.memory_space<vmem>>, vector<16xf32>,
      %swap3A_2148 = arith.constant 1 : i32
      %swap3A_2149 = arith.constant 15 : i32
      %swap3A_2150 = arith.index_cast %swap3A_2148 : i32 to index
      %swap3A_2151 = arith.index_cast %swap3A_2149 : i32 to index
      %swap3A_2152 = arith.index_cast %min3A_1721 : i32 to index
      %swap3A_2153 = tpu.vector_load %arg7[%swap3A_2150, %swap3A_2151, %swap3A_2152] {strides = array<i32>} : memref<2x20x1000xf32, #tpu.memory_space<vmem>>, vector<16xf32>,
      tpu.vector_store %arg7[%swap3A_2150, %swap3A_2151, %swap3A_2152], %broadcast_in_dim3A_5 {strides = array<i32>} : memref<2x20x1000xf32, #tpu.memory_space<vmem>>, vector<16xf32>,
      %swap3A_2154 = arith.constant 1 : i32
      %swap3A_2155 = arith.constant 16 : i32
      %swap3A_2156 = arith.index_cast %swap3A_2154 : i32 to index
      %swap3A_2157 = arith.index_cast %swap3A_2155 : i32 to index
      %swap3A_2158 = arith.index_cast %min3A_1721 : i32 to index
      %swap3A_2159 = tpu.vector_load %arg6[%swap3A_2156, %swap3A_2157, %swap3A_2158] {strides = array<i32>} : memref<2x20x1000xf32, #tpu.memory_space<vmem>>, vector<16xf32>,
      tpu.vector_store %arg6[%swap3A_2156, %swap3A_2157, %swap3A_2158], %broadcast_in_dim3A_5 {strides = array<i32>} : memref<2x20x1000xf32, #tpu.memory_space<vmem>>, vector<16xf32>,
      %swap3A_2160 = arith.constant 1 : i32
      %swap3A_2161 = arith.constant 16 : i32
      %swap3A_2162 = arith.index_cast %swap3A_2160 : i32 to index
      %swap3A_2163 = arith.index_cast %swap3A_2161 : i32 to index
      %swap3A_2164 = arith.index_cast %min3A_1721 : i32 to index
      %swap3A_2165 = tpu.vector_load %arg7[%swap3A_2162, %swap3A_2163, %swap3A_2164] {strides = array<i32>} : memref<2x20x1000xf32, #tpu.memory_space<vmem>>, vector<16xf32>,
      tpu.vector_store %arg7[%swap3A_2162, %swap3A_2163, %swap3A_2164], %broadcast_in_dim3A_5 {strides = array<i32>} : memref<2x20x1000xf32, #tpu.memory_space<vmem>>, vector<16xf32>,
      %swap3A_2166 = arith.constant 1 : i32
      %swap3A_2167 = arith.constant 17 : i32
      %swap3A_2168 = arith.index_cast %swap3A_2166 : i32 to index
      %swap3A_2169 = arith.index_cast %swap3A_2167 : i32 to index
      %swap3A_2170 = arith.index_cast %min3A_1721 : i32 to index
      %swap3A_2171 = tpu.vector_load %arg6[%swap3A_2168, %swap3A_2169, %swap3A_2170] {strides = array<i32>} : memref<2x20x1000xf32, #tpu.memory_space<vmem>>, vector<16xf32>,
      tpu.vector_store %arg6[%swap3A_2168, %swap3A_2169, %swap3A_2170], %broadcast_in_dim3A_5 {strides = array<i32>} : memref<2x20x1000xf32, #tpu.memory_space<vmem>>, vector<16xf32>,
      %swap3A_2172 = arith.constant 1 : i32
      %swap3A_2173 = arith.constant 17 : i32
      %swap3A_2174 = arith.index_cast %swap3A_2172 : i32 to index
      %swap3A_2175 = arith.index_cast %swap3A_2173 : i32 to index
      %swap3A_2176 = arith.index_cast %min3A_1721 : i32 to index
      %swap3A_2177 = tpu.vector_load %arg7[%swap3A_2174, %swap3A_2175, %swap3A_2176] {strides = array<i32>} : memref<2x20x1000xf32, #tpu.memory_space<vmem>>, vector<16xf32>,
      tpu.vector_store %arg7[%swap3A_2174, %swap3A_2175, %swap3A_2176], %broadcast_in_dim3A_5 {strides = array<i32>} : memref<2x20x1000xf32, #tpu.memory_space<vmem>>, vector<16xf32>,
      %swap3A_2178 = arith.constant 1 : i32
      %swap3A_2179 = arith.constant 18 : i32
      %swap3A_2180 = arith.index_cast %swap3A_2178 : i32 to index
      %swap3A_2181 = arith.index_cast %swap3A_2179 : i32 to index
      %swap3A_2182 = arith.index_cast %min3A_1721 : i32 to index
      %swap3A_2183 = tpu.vector_load %arg6[%swap3A_2180, %swap3A_2181, %swap3A_2182] {strides = array<i32>} : memref<2x20x1000xf32, #tpu.memory_space<vmem>>, vector<16xf32>,
      tpu.vector_store %arg6[%swap3A_2180, %swap3A_2181, %swap3A_2182], %broadcast_in_dim3A_5 {strides = array<i32>} : memref<2x20x1000xf32, #tpu.memory_space<vmem>>, vector<16xf32>,
      %swap3A_2184 = arith.constant 1 : i32
      %swap3A_2185 = arith.constant 18 : i32
      %swap3A_2186 = arith.index_cast %swap3A_2184 : i32 to index
      %swap3A_2187 = arith.index_cast %swap3A_2185 : i32 to index
      %swap3A_2188 = arith.index_cast %min3A_1721 : i32 to index
      %swap3A_2189 = tpu.vector_load %arg7[%swap3A_2186, %swap3A_2187, %swap3A_2188] {strides = array<i32>} : memref<2x20x1000xf32, #tpu.memory_space<vmem>>, vector<16xf32>,
      tpu.vector_store %arg7[%swap3A_2186, %swap3A_2187, %swap3A_2188], %broadcast_in_dim3A_5 {strides = array<i32>} : memref<2x20x1000xf32, #tpu.memory_space<vmem>>, vector<16xf32>,
      %swap3A_2190 = arith.constant 1 : i32
      %swap3A_2191 = arith.constant 19 : i32
      %swap3A_2192 = arith.index_cast %swap3A_2190 : i32 to index
      %swap3A_2193 = arith.index_cast %swap3A_2191 : i32 to index
      %swap3A_2194 = arith.index_cast %min3A_1721 : i32 to index
      %swap3A_2195 = tpu.vector_load %arg6[%swap3A_2192, %swap3A_2193, %swap3A_2194] {strides = array<i32>} : memref<2x20x1000xf32, #tpu.memory_space<vmem>>, vector<16xf32>,
      tpu.vector_store %arg6[%swap3A_2192, %swap3A_2193, %swap3A_2194], %broadcast_in_dim3A_5 {strides = array<i32>} : memref<2x20x1000xf32, #tpu.memory_space<vmem>>, vector<16xf32>,
      %swap3A_2196 = arith.constant 1 : i32
      %swap3A_2197 = arith.constant 19 : i32
      %swap3A_2198 = arith.index_cast %swap3A_2196 : i32 to index
      %swap3A_2199 = arith.index_cast %swap3A_2197 : i32 to index
      %swap3A_2200 = arith.index_cast %min3A_1721 : i32 to index
      %swap3A_2201 = tpu.vector_load %arg7[%swap3A_2198, %swap3A_2199, %swap3A_2200] {strides = array<i32>} : memref<2x20x1000xf32, #tpu.memory_space<vmem>>, vector<16xf32>,
      tpu.vector_store %arg7[%swap3A_2198, %swap3A_2199, %swap3A_2200], %broadcast_in_dim3A_5 {strides = array<i32>} : memref<2x20x1000xf32, #tpu.memory_space<vmem>>, vector<16xf32>,
      %scan3A_2202 = arith.constant 0 : i32
      scf.yield %scan3A_2202 : i32
    }
    %scan3A_11 = arith.constant 63 : i32
    %iota3A = tpu.iota {dimensions = array<i32: 0>} : vector<16xi32>
    %broadcast_in_dim3A_12 = arith.constant 1.000000e+00 : f32
    %broadcast_in_dim3A_13 = vector.broadcast %broadcast_in_dim3A_12 : f32 to vector<16xf32>
    %add3A_14 = arith.constant 0 : i32
    %add3A_15 = vector.broadcast %add3A_14 : i32 to vector<16xi32>
    %add3A_16 = arith.addi %iota3A, %add3A_15 : vector<16xi32>
    %lt3A = arith.constant 40 : i32
    %lt3A_17 = vector.broadcast %lt3A : i32 to vector<16xi32>
    %lt3A_18 = arith.cmpi slt, %add3A_16, %lt3A_17 : vector<16xi32>
    %div3A = arith.constant 20 : i32
    %div3A_19 = vector.broadcast %div3A : i32 to vector<16xi32>
    %div3A_20 = arith.divsi %add3A_16, %div3A_19 : vector<16xi32>
    %min3A = arith.constant 1 : i32
    %min3A_21 = vector.broadcast %min3A : i32 to vector<16xi32>
    %min3A_22 = arith.minsi %div3A_20, %min3A_21 : vector<16xi32>
    %rem3A = arith.constant 20 : i32
    %rem3A_23 = vector.broadcast %rem3A : i32 to vector<16xi32>
    %rem3A_24 = arith.remsi %add3A_16, %rem3A_23 : vector<16xi32>
    %add3A_25 = arith.constant 0 : i32
    %add3A_26 = vector.broadcast %add3A_25 : i32 to vector<16xi32>
    %add3A_27 = arith.addi %add3A_26, %min3A_22 : vector<16xi32>
    %add3A_28 = arith.constant 8 : i32
    %add3A_29 = vector.broadcast %add3A_28 : i32 to vector<16xi32>
    %add3A_30 = arith.addi %add3A_27, %add3A_29 : vector<16xi32>
    %gather3A = tpu.vector_load_idx %arg9[%add3A_30] : memref<40xi32, #tpu.memory_space<vmem>>[vector<16xi32>], vector<16xi32>,
    %lt3A_31 = arith.cmpi slt, %rem3A_24, %gather3A : vector<16xi32>
    %convert_element_type3A = arith.extui %lt3A_31 : vector<16xi1> to vector<16xi32>
    %convert_element_type3A_32 = arith.extui %lt3A_18 : vector<16xi1> to vector<16xi32>
    %mul3A_33 = arith.muli %convert_element_type3A, %convert_element_type3A_32 : vector<16xi32>
    %get3A = arith.constant 0 : index
    %get3A_34 = tpu.vector_load %arg8[%get3A] {strides = array<i32>} : memref<656xi32, #tpu.memory_space<vmem>>, vector<16xi32>,
    %mul3A_35 = arith.muli %get3A_34, %mul3A_33 : vector<16xi32>
    %add3A_36 = arith.constant 16 : i32
    %add3A_37 = vector.broadcast %add3A_36 : i32 to vector<16xi32>
    %add3A_38 = arith.addi %iota3A, %add3A_37 : vector<16xi32>
    %lt3A_39 = arith.constant 40 : i32
    %lt3A_40 = vector.broadcast %lt3A_39 : i32 to vector<16xi32>
    %lt3A_41 = arith.cmpi slt, %add3A_38, %lt3A_40 : vector<16xi32>
    %div3A_42 = arith.constant 20 : i32
    %div3A_43 = vector.broadcast %div3A_42 : i32 to vector<16xi32>
    %div3A_44 = arith.divsi %add3A_38, %div3A_43 : vector<16xi32>
    %min3A_45 = arith.constant 1 : i32
    %min3A_46 = vector.broadcast %min3A_45 : i32 to vector<16xi32>
    %min3A_47 = arith.minsi %div3A_44, %min3A_46 : vector<16xi32>
    %rem3A_48 = arith.constant 20 : i32
    %rem3A_49 = vector.broadcast %rem3A_48 : i32 to vector<16xi32>
    %rem3A_50 = arith.remsi %add3A_38, %rem3A_49 : vector<16xi32>
    %add3A_51 = arith.constant 0 : i32
    %add3A_52 = vector.broadcast %add3A_51 : i32 to vector<16xi32>
    %add3A_53 = arith.addi %add3A_52, %min3A_47 : vector<16xi32>
    %add3A_54 = arith.constant 8 : i32
    %add3A_55 = vector.broadcast %add3A_54 : i32 to vector<16xi32>
    %add3A_56 = arith.addi %add3A_53, %add3A_55 : vector<16xi32>
    %gather3A_57 = tpu.vector_load_idx %arg9[%add3A_56] : memref<40xi32, #tpu.memory_space<vmem>>[vector<16xi32>], vector<16xi32>,
    %lt3A_58 = arith.cmpi slt, %rem3A_50, %gather3A_57 : vector<16xi32>
    %convert_element_type3A_59 = arith.extui %lt3A_58 : vector<16xi1> to vector<16xi32>
    %convert_element_type3A_60 = arith.extui %lt3A_41 : vector<16xi1> to vector<16xi32>
    %mul3A_61 = arith.muli %convert_element_type3A_59, %convert_element_type3A_60 : vector<16xi32>
    %get3A_62 = arith.constant 16 : index
    %get3A_63 = tpu.vector_load %arg8[%get3A_62] {strides = array<i32>} : memref<656xi32, #tpu.memory_space<vmem>>, vector<16xi32>,
    %mul3A_64 = arith.muli %get3A_63, %mul3A_61 : vector<16xi32>
    %add3A_65 = arith.constant 32 : i32
    %add3A_66 = vector.broadcast %add3A_65 : i32 to vector<16xi32>
    %add3A_67 = arith.addi %iota3A, %add3A_66 : vector<16xi32>
    %lt3A_68 = arith.constant 40 : i32
    %lt3A_69 = vector.broadcast %lt3A_68 : i32 to vector<16xi32>
    %lt3A_70 = arith.cmpi slt, %add3A_67, %lt3A_69 : vector<16xi32>
    %div3A_71 = arith.constant 20 : i32
    %div3A_72 = vector.broadcast %div3A_71 : i32 to vector<16xi32>
    %div3A_73 = arith.divsi %add3A_67, %div3A_72 : vector<16xi32>
    %min3A_74 = arith.constant 1 : i32
    %min3A_75 = vector.broadcast %min3A_74 : i32 to vector<16xi32>
    %min3A_76 = arith.minsi %div3A_73, %min3A_75 : vector<16xi32>
    %rem3A_77 = arith.constant 20 : i32
    %rem3A_78 = vector.broadcast %rem3A_77 : i32 to vector<16xi32>
    %rem3A_79 = arith.remsi %add3A_67, %rem3A_78 : vector<16xi32>
    %add3A_80 = arith.constant 0 : i32
    %add3A_81 = vector.broadcast %add3A_80 : i32 to vector<16xi32>
    %add3A_82 = arith.addi %add3A_81, %min3A_76 : vector<16xi32>
    %add3A_83 = arith.constant 8 : i32
    %add3A_84 = vector.broadcast %add3A_83 : i32 to vector<16xi32>
    %add3A_85 = arith.addi %add3A_82, %add3A_84 : vector<16xi32>
    %gather3A_86 = tpu.vector_load_idx %arg9[%add3A_85] : memref<40xi32, #tpu.memory_space<vmem>>[vector<16xi32>], vector<16xi32>,
    %lt3A_87 = arith.cmpi slt, %rem3A_79, %gather3A_86 : vector<16xi32>
    %convert_element_type3A_88 = arith.extui %lt3A_87 : vector<16xi1> to vector<16xi32>
    %convert_element_type3A_89 = arith.extui %lt3A_70 : vector<16xi1> to vector<16xi32>
    %mul3A_90 = arith.muli %convert_element_type3A_88, %convert_element_type3A_89 : vector<16xi32>
    %get3A_91 = arith.constant 32 : index
    %get3A_92 = tpu.vector_load %arg8[%get3A_91] {strides = array<i32>} : memref<656xi32, #tpu.memory_space<vmem>>, vector<16xi32>,
    %mul3A_93 = arith.muli %get3A_92, %mul3A_90 : vector<16xi32>
    tpu.vector_store_idx %arg6[%min3A_22, %rem3A_24, %mul3A_35], %broadcast_in_dim3A_13 masked %lt3A_18 : memref<2x20x1000xf32, #tpu.memory_space<vmem>>[vector<16xi32>, vector<16xi32>, vector<16xi32>], vector<16xf32>, vector<16xi1>
    %swap3A = arith.constant 0 : index
    %swap3A_94 = tpu.vector_load %arg10[%swap3A] {strides = array<i32>} : memref<656xi32, #tpu.memory_space<vmem>>, vector<16xi32>,
    tpu.vector_store %arg10[%swap3A], %mul3A_33 {strides = array<i32>} : memref<656xi32, #tpu.memory_space<vmem>>, vector<16xi32>,
    tpu.vector_store_idx %arg6[%min3A_47, %rem3A_50, %mul3A_64], %broadcast_in_dim3A_13 masked %lt3A_41 : memref<2x20x1000xf32, #tpu.memory_space<vmem>>[vector<16xi32>, vector<16xi32>, vector<16xi32>], vector<16xf32>, vector<16xi1>
    %swap3A_95 = arith.constant 16 : index
    %swap3A_96 = tpu.vector_load %arg10[%swap3A_95] {strides = array<i32>} : memref<656xi32, #tpu.memory_space<vmem>>, vector<16xi32>,
    tpu.vector_store %arg10[%swap3A_95], %mul3A_61 {strides = array<i32>} : memref<656xi32, #tpu.memory_space<vmem>>, vector<16xi32>,
    tpu.vector_store_idx %arg6[%min3A_76, %rem3A_79, %mul3A_93], %broadcast_in_dim3A_13 masked %lt3A_70 : memref<2x20x1000xf32, #tpu.memory_space<vmem>>[vector<16xi32>, vector<16xi32>, vector<16xi32>], vector<16xf32>, vector<16xi1>
    %swap3A_97 = arith.constant 32 : index
    %swap3A_98 = tpu.vector_load %arg10[%swap3A_97] {strides = array<i32>} : memref<656xi32, #tpu.memory_space<vmem>>, vector<16xi32>,
    tpu.vector_store %arg10[%swap3A_97], %mul3A_90 {strides = array<i32>} : memref<656xi32, #tpu.memory_space<vmem>>, vector<16xi32>,
    %add3A_99 = arith.constant 0 : i32
    %add3A_100 = arith.addi %mul3A_2, %add3A_99 : i32
    %dma_start3A = arith.constant 0 : i32
    %dma_start3A_101 = arith.constant 0 : i32
    %dma_start3A_102 = tpu.memref_slice %arg4[%add3A_100, %dma_start3A, %dma_start3A_101] : memref<1024x20x1000xf32, #tpu.memory_space<hbm>> -> memref<2x20x1000xf32, #tpu.memory_space<hbm>>
    %dma_start3A_103 = arith.constant 0 : i32
    %dma_start3A_104 = arith.constant 0 : i32
    %dma_start3A_105 = tpu.memref_slice %arg4[%add3A_100, %dma_start3A_103, %dma_start3A_104] : memref<1024x20x1000xf32, #tpu.memory_space<hbm>> -> memref<2x20x1000xf32, #tpu.memory_space<hbm>>
    tpu.enqueue_dma source(%arg6 : memref<2x20x1000xf32, #tpu.memory_space<vmem>>) target(%dma_start3A_105 : memref<2x20x1000xf32, #tpu.memory_space<hbm>>) target_semaphore(%arg11 : memref<!tpu.dma_semaphore, #tpu.memory_space<semaphore_mem>>)
    %add3A_106 = arith.constant 0 : i32
    %add3A_107 = vector.broadcast %add3A_106 : i32 to vector<16xi32>
    %add3A_108 = arith.addi %iota3A, %add3A_107 : vector<16xi32>
    %lt3A_109 = arith.constant 40 : i32
    %lt3A_110 = vector.broadcast %lt3A_109 : i32 to vector<16xi32>
    %lt3A_111 = arith.cmpi slt, %add3A_108, %lt3A_110 : vector<16xi32>
    %div3A_112 = arith.constant 20 : i32
    %div3A_113 = vector.broadcast %div3A_112 : i32 to vector<16xi32>
    %div3A_114 = arith.divsi %add3A_108, %div3A_113 : vector<16xi32>
    %min3A_115 = arith.constant 1 : i32
    %min3A_116 = vector.broadcast %min3A_115 : i32 to vector<16xi32>
    %min3A_117 = arith.minsi %div3A_114, %min3A_116 : vector<16xi32>
    %rem3A_118 = arith.constant 20 : i32
    %rem3A_119 = vector.broadcast %rem3A_118 : i32 to vector<16xi32>
    %rem3A_120 = arith.remsi %add3A_108, %rem3A_119 : vector<16xi32>
    %add3A_121 = arith.constant 2 : i32
    %add3A_122 = vector.broadcast %add3A_121 : i32 to vector<16xi32>
    %add3A_123 = arith.addi %add3A_122, %min3A_117 : vector<16xi32>
    %add3A_124 = arith.constant 8 : i32
    %add3A_125 = vector.broadcast %add3A_124 : i32 to vector<16xi32>
    %add3A_126 = arith.addi %add3A_123, %add3A_125 : vector<16xi32>
    %gather3A_127 = tpu.vector_load_idx %arg9[%add3A_126] : memref<40xi32, #tpu.memory_space<vmem>>[vector<16xi32>], vector<16xi32>,
    %lt3A_128 = arith.cmpi slt, %rem3A_120, %gather3A_127 : vector<16xi32>
    %convert_element_type3A_129 = arith.extui %lt3A_128 : vector<16xi1> to vector<16xi32>
    %convert_element_type3A_130 = arith.extui %lt3A_111 : vector<16xi1> to vector<16xi32>
    %mul3A_131 = arith.muli %convert_element_type3A_129, %convert_element_type3A_130 : vector<16xi32>
    %get3A_132 = arith.constant 40 : index
    %get3A_133 = tpu.vector_load %arg8[%get3A_132] {strides = array<i32>} : memref<656xi32, #tpu.memory_space<vmem>>, vector<16xi32>,
    %mul3A_134 = arith.muli %get3A_133, %mul3A_131 : vector<16xi32>
    %add3A_135 = arith.constant 16 : i32
    %add3A_136 = vector.broadcast %add3A_135 : i32 to vector<16xi32>
    %add3A_137 = arith.addi %iota3A, %add3A_136 : vector<16xi32>
    %lt3A_138 = arith.constant 40 : i32
    %lt3A_139 = vector.broadcast %lt3A_138 : i32 to vector<16xi32>
    %lt3A_140 = arith.cmpi slt, %add3A_137, %lt3A_139 : vector<16xi32>
    %div3A_141 = arith.constant 20 : i32
    %div3A_142 = vector.broadcast %div3A_141 : i32 to vector<16xi32>
    %div3A_143 = arith.divsi %add3A_137, %div3A_142 : vector<16xi32>
    %min3A_144 = arith.constant 1 : i32
    %min3A_145 = vector.broadcast %min3A_144 : i32 to vector<16xi32>
    %min3A_146 = arith.minsi %div3A_143, %min3A_145 : vector<16xi32>
    %rem3A_147 = arith.constant 20 : i32
    %rem3A_148 = vector.broadcast %rem3A_147 : i32 to vector<16xi32>
    %rem3A_149 = arith.remsi %add3A_137, %rem3A_148 : vector<16xi32>
    %add3A_150 = arith.constant 2 : i32
    %add3A_151 = vector.broadcast %add3A_150 : i32 to vector<16xi32>
    %add3A_152 = arith.addi %add3A_151, %min3A_146 : vector<16xi32>
    %add3A_153 = arith.constant 8 : i32
    %add3A_154 = vector.broadcast %add3A_153 : i32 to vector<16xi32>
    %add3A_155 = arith.addi %add3A_152, %add3A_154 : vector<16xi32>
    %gather3A_156 = tpu.vector_load_idx %arg9[%add3A_155] : memref<40xi32, #tpu.memory_space<vmem>>[vector<16xi32>], vector<16xi32>,
    %lt3A_157 = arith.cmpi slt, %rem3A_149, %gather3A_156 : vector<16xi32>
    %convert_element_type3A_158 = arith.extui %lt3A_157 : vector<16xi1> to vector<16xi32>
    %convert_element_type3A_159 = arith.extui %lt3A_140 : vector<16xi1> to vector<16xi32>
    %mul3A_160 = arith.muli %convert_element_type3A_158, %convert_element_type3A_159 : vector<16xi32>
    %get3A_161 = arith.constant 56 : index
    %get3A_162 = tpu.vector_load %arg8[%get3A_161] {strides = array<i32>} : memref<656xi32, #tpu.memory_space<vmem>>, vector<16xi32>,
    %mul3A_163 = arith.muli %get3A_162, %mul3A_160 : vector<16xi32>
    %add3A_164 = arith.constant 32 : i32
    %add3A_165 = vector.broadcast %add3A_164 : i32 to vector<16xi32>
    %add3A_166 = arith.addi %iota3A, %add3A_165 : vector<16xi32>
    %lt3A_167 = arith.constant 40 : i32
    %lt3A_168 = vector.broadcast %lt3A_167 : i32 to vector<16xi32>
    %lt3A_169 = arith.cmpi slt, %add3A_166, %lt3A_168 : vector<16xi32>
    %div3A_170 = arith.constant 20 : i32
    %div3A_171 = vector.broadcast %div3A_170 : i32 to vector<16xi32>
    %div3A_172 = arith.divsi %add3A_166, %div3A_171 : vector<16xi32>
    %min3A_173 = arith.constant 1 : i32
    %min3A_174 = vector.broadcast %min3A_173 : i32 to vector<16xi32>
    %min3A_175 = arith.minsi %div3A_172, %min3A_174 : vector<16xi32>
    %rem3A_176 = arith.constant 20 : i32
    %rem3A_177 = vector.broadcast %rem3A_176 : i32 to vector<16xi32>
    %rem3A_178 = arith.remsi %add3A_166, %rem3A_177 : vector<16xi32>
    %add3A_179 = arith.constant 2 : i32
    %add3A_180 = vector.broadcast %add3A_179 : i32 to vector<16xi32>
    %add3A_181 = arith.addi %add3A_180, %min3A_175 : vector<16xi32>
    %add3A_182 = arith.constant 8 : i32
    %add3A_183 = vector.broadcast %add3A_182 : i32 to vector<16xi32>
    %add3A_184 = arith.addi %add3A_181, %add3A_183 : vector<16xi32>
    %gather3A_185 = tpu.vector_load_idx %arg9[%add3A_184] : memref<40xi32, #tpu.memory_space<vmem>>[vector<16xi32>], vector<16xi32>,
    %lt3A_186 = arith.cmpi slt, %rem3A_178, %gather3A_185 : vector<16xi32>
    %convert_element_type3A_187 = arith.extui %lt3A_186 : vector<16xi1> to vector<16xi32>
    %convert_element_type3A_188 = arith.extui %lt3A_169 : vector<16xi1> to vector<16xi32>
    %mul3A_189 = arith.muli %convert_element_type3A_187, %convert_element_type3A_188 : vector<16xi32>
    %get3A_190 = arith.constant 72 : index
    %get3A_191 = tpu.vector_load %arg8[%get3A_190] {strides = array<i32>} : memref<656xi32, #tpu.memory_space<vmem>>, vector<16xi32>,
    %mul3A_192 = arith.muli %get3A_191, %mul3A_189 : vector<16xi32>
    tpu.vector_store_idx %arg7[%min3A_117, %rem3A_120, %mul3A_134], %broadcast_in_dim3A_13 masked %lt3A_111 : memref<2x20x1000xf32, #tpu.memory_space<vmem>>[vector<16xi32>, vector<16xi32>, vector<16xi32>], vector<16xf32>, vector<16xi1>
    %swap3A_193 = arith.constant 40 : index
    %swap3A_194 = tpu.vector_load %arg10[%swap3A_193] {strides = array<i32>} : memref<656xi32, #tpu.memory_space<vmem>>, vector<16xi32>,
    tpu.vector_store %arg10[%swap3A_193], %mul3A_131 {strides = array<i32>} : memref<656xi32, #tpu.memory_space<vmem>>, vector<16xi32>,
    tpu.vector_store_idx %arg7[%min3A_146, %rem3A_149, %mul3A_163], %broadcast_in_dim3A_13 masked %lt3A_140 : memref<2x20x1000xf32, #tpu.memory_space<vmem>>[vector<16xi32>, vector<16xi32>, vector<16xi32>], vector<16xf32>, vector<16xi1>
    %swap3A_195 = arith.constant 56 : index
    %swap3A_196 = tpu.vector_load %arg10[%swap3A_195] {strides = array<i32>} : memref<656xi32, #tpu.memory_space<vmem>>, vector<16xi32>,
    tpu.vector_store %arg10[%swap3A_195], %mul3A_160 {strides = array<i32>} : memref<656xi32, #tpu.memory_space<vmem>>, vector<16xi32>,
    tpu.vector_store_idx %arg7[%min3A_175, %rem3A_178, %mul3A_192], %broadcast_in_dim3A_13 masked %lt3A_169 : memref<2x20x1000xf32, #tpu.memory_space<vmem>>[vector<16xi32>, vector<16xi32>, vector<16xi32>], vector<16xf32>, vector<16xi1>
    %swap3A_197 = arith.constant 72 : index
    %swap3A_198 = tpu.vector_load %arg10[%swap3A_197] {strides = array<i32>} : memref<656xi32, #tpu.memory_space<vmem>>, vector<16xi32>,
    tpu.vector_store %arg10[%swap3A_197], %mul3A_189 {strides = array<i32>} : memref<656xi32, #tpu.memory_space<vmem>>, vector<16xi32>,
    %add3A_199 = arith.constant 2 : i32
    %add3A_200 = arith.addi %mul3A_2, %add3A_199 : i32
    %dma_start3A_201 = arith.constant 0 : i32
    %dma_start3A_202 = arith.constant 0 : i32
    %dma_start3A_203 = tpu.memref_slice %arg4[%add3A_200, %dma_start3A_201, %dma_start3A_202] : memref<1024x20x1000xf32, #tpu.memory_space<hbm>> -> memref<2x20x1000xf32, #tpu.memory_space<hbm>>
    %dma_start3A_204 = arith.constant 0 : i32
    %dma_start3A_205 = arith.constant 0 : i32
    %dma_start3A_206 = tpu.memref_slice %arg4[%add3A_200, %dma_start3A_204, %dma_start3A_205] : memref<1024x20x1000xf32, #tpu.memory_space<hbm>> -> memref<2x20x1000xf32, #tpu.memory_space<hbm>>
    tpu.enqueue_dma source(%arg7 : memref<2x20x1000xf32, #tpu.memory_space<vmem>>) target(%dma_start3A_206 : memref<2x20x1000xf32, #tpu.memory_space<hbm>>) target_semaphore(%arg12 : memref<!tpu.dma_semaphore, #tpu.memory_space<semaphore_mem>>)
    %dma_wait3A = arith.constant 0 : i32
    %dma_wait3A_207 = arith.constant 0 : i32
    %dma_wait3A_208 = tpu.memref_slice %arg4[%add3A_100, %dma_wait3A, %dma_wait3A_207] : memref<1024x20x1000xf32, #tpu.memory_space<hbm>> -> memref<2x20x1000xf32, #tpu.memory_space<hbm>>
    %dma_wait3A_209 = arith.constant 0 : i32
    %dma_wait3A_210 = arith.constant 0 : i32
    %dma_wait3A_211 = tpu.memref_slice %arg4[%add3A_100, %dma_wait3A_209, %dma_wait3A_210] : memref<1024x20x1000xf32, #tpu.memory_space<hbm>> -> memref<2x20x1000xf32, #tpu.memory_space<hbm>>
    tpu.wait_dma2 semaphore(%arg11 : memref<!tpu.dma_semaphore, #tpu.memory_space<semaphore_mem>>) src(%arg6 : memref<2x20x1000xf32, #tpu.memory_space<vmem>>) dst(%dma_wait3A_211 : memref<2x20x1000xf32, #tpu.memory_space<hbm>>)
    tpu.vector_store_idx %arg6[%min3A_22, %rem3A_24, %mul3A_35], %broadcast_in_dim3A_5 masked %lt3A_18 : memref<2x20x1000xf32, #tpu.memory_space<vmem>>[vector<16xi32>, vector<16xi32>, vector<16xi32>], vector<16xf32>, vector<16xi1>
    tpu.vector_store_idx %arg6[%min3A_47, %rem3A_50, %mul3A_64], %broadcast_in_dim3A_5 masked %lt3A_41 : memref<2x20x1000xf32, #tpu.memory_space<vmem>>[vector<16xi32>, vector<16xi32>, vector<16xi32>], vector<16xf32>, vector<16xi1>
    tpu.vector_store_idx %arg6[%min3A_76, %rem3A_79, %mul3A_93], %broadcast_in_dim3A_5 masked %lt3A_70 : memref<2x20x1000xf32, #tpu.memory_space<vmem>>[vector<16xi32>, vector<16xi32>, vector<16xi32>], vector<16xf32>, vector<16xi1>
    %add3A_212 = arith.constant 0 : i32
    %add3A_213 = vector.broadcast %add3A_212 : i32 to vector<16xi32>
    %add3A_214 = arith.addi %iota3A, %add3A_213 : vector<16xi32>
    %lt3A_215 = arith.constant 40 : i32
    %lt3A_216 = vector.broadcast %lt3A_215 : i32 to vector<16xi32>
    %lt3A_217 = arith.cmpi slt, %add3A_214, %lt3A_216 : vector<16xi32>
    %div3A_218 = arith.constant 20 : i32
    %div3A_219 = vector.broadcast %div3A_218 : i32 to vector<16xi32>
    %div3A_220 = arith.divsi %add3A_214, %div3A_219 : vector<16xi32>
    %min3A_221 = arith.constant 1 : i32
    %min3A_222 = vector.broadcast %min3A_221 : i32 to vector<16xi32>
    %min3A_223 = arith.minsi %div3A_220, %min3A_222 : vector<16xi32>
    %rem3A_224 = arith.constant 20 : i32
    %rem3A_225 = vector.broadcast %rem3A_224 : i32 to vector<16xi32>
    %rem3A_226 = arith.remsi %add3A_214, %rem3A_225 : vector<16xi32>
    %add3A_227 = arith.constant 4 : i32
    %add3A_228 = vector.broadcast %add3A_227 : i32 to vector<16xi32>
    %add3A_229 = arith.addi %add3A_228, %min3A_223 : vector<16xi32>
    %add3A_230 = arith.constant 8 : i32
    %add3A_231 = vector.broadcast %add3A_230 : i32 to vector<16xi32>
    %add3A_232 = arith.addi %add3A_229, %add3A_231 : vector<16xi32>
    %gather3A_233 = tpu.vector_load_idx %arg9[%add3A_232] : memref<40xi32, #tpu.memory_space<vmem>>[vector<16xi32>], vector<16xi32>,
    %lt3A_234 = arith.cmpi slt, %rem3A_226, %gather3A_233 : vector<16xi32>
    %convert_element_type3A_235 = arith.extui %lt3A_234 : vector<16xi1> to vector<16xi32>
    %convert_element_type3A_236 = arith.extui %lt3A_217 : vector<16xi1> to vector<16xi32>
    %mul3A_237 = arith.muli %convert_element_type3A_235, %convert_element_type3A_236 : vector<16xi32>
    %get3A_238 = arith.constant 80 : index
    %get3A_239 = tpu.vector_load %arg8[%get3A_238] {strides = array<i32>} : memref<656xi32, #tpu.memory_space<vmem>>, vector<16xi32>,
    %mul3A_240 = arith.muli %get3A_239, %mul3A_237 : vector<16xi32>
    %add3A_241 = arith.constant 16 : i32
    %add3A_242 = vector.broadcast %add3A_241 : i32 to vector<16xi32>
    %add3A_243 = arith.addi %iota3A, %add3A_242 : vector<16xi32>
    %lt3A_244 = arith.constant 40 : i32
    %lt3A_245 = vector.broadcast %lt3A_244 : i32 to vector<16xi32>
    %lt3A_246 = arith.cmpi slt, %add3A_243, %lt3A_245 : vector<16xi32>
    %div3A_247 = arith.constant 20 : i32
    %div3A_248 = vector.broadcast %div3A_247 : i32 to vector<16xi32>
    %div3A_249 = arith.divsi %add3A_243, %div3A_248 : vector<16xi32>
    %min3A_250 = arith.constant 1 : i32
    %min3A_251 = vector.broadcast %min3A_250 : i32 to vector<16xi32>
    %min3A_252 = arith.minsi %div3A_249, %min3A_251 : vector<16xi32>
    %rem3A_253 = arith.constant 20 : i32
    %rem3A_254 = vector.broadcast %rem3A_253 : i32 to vector<16xi32>
    %rem3A_255 = arith.remsi %add3A_243, %rem3A_254 : vector<16xi32>
    %add3A_256 = arith.constant 4 : i32
    %add3A_257 = vector.broadcast %add3A_256 : i32 to vector<16xi32>
    %add3A_258 = arith.addi %add3A_257, %min3A_252 : vector<16xi32>
    %add3A_259 = arith.constant 8 : i32
    %add3A_260 = vector.broadcast %add3A_259 : i32 to vector<16xi32>
    %add3A_261 = arith.addi %add3A_258, %add3A_260 : vector<16xi32>
    %gather3A_262 = tpu.vector_load_idx %arg9[%add3A_261] : memref<40xi32, #tpu.memory_space<vmem>>[vector<16xi32>], vector<16xi32>,
    %lt3A_263 = arith.cmpi slt, %rem3A_255, %gather3A_262 : vector<16xi32>
    %convert_element_type3A_264 = arith.extui %lt3A_263 : vector<16xi1> to vector<16xi32>
    %convert_element_type3A_265 = arith.extui %lt3A_246 : vector<16xi1> to vector<16xi32>
    %mul3A_266 = arith.muli %convert_element_type3A_264, %convert_element_type3A_265 : vector<16xi32>
    %get3A_267 = arith.constant 96 : index
    %get3A_268 = tpu.vector_load %arg8[%get3A_267] {strides = array<i32>} : memref<656xi32, #tpu.memory_space<vmem>>, vector<16xi32>,
    %mul3A_269 = arith.muli %get3A_268, %mul3A_266 : vector<16xi32>
    %add3A_270 = arith.constant 32 : i32
    %add3A_271 = vector.broadcast %add3A_270 : i32 to vector<16xi32>
    %add3A_272 = arith.addi %iota3A, %add3A_271 : vector<16xi32>
    %lt3A_273 = arith.constant 40 : i32
    %lt3A_274 = vector.broadcast %lt3A_273 : i32 to vector<16xi32>
    %lt3A_275 = arith.cmpi slt, %add3A_272, %lt3A_274 : vector<16xi32>
    %div3A_276 = arith.constant 20 : i32
    %div3A_277 = vector.broadcast %div3A_276 : i32 to vector<16xi32>
    %div3A_278 = arith.divsi %add3A_272, %div3A_277 : vector<16xi32>
    %min3A_279 = arith.constant 1 : i32
    %min3A_280 = vector.broadcast %min3A_279 : i32 to vector<16xi32>
    %min3A_281 = arith.minsi %div3A_278, %min3A_280 : vector<16xi32>
    %rem3A_282 = arith.constant 20 : i32
    %rem3A_283 = vector.broadcast %rem3A_282 : i32 to vector<16xi32>
    %rem3A_284 = arith.remsi %add3A_272, %rem3A_283 : vector<16xi32>
    %add3A_285 = arith.constant 4 : i32
    %add3A_286 = vector.broadcast %add3A_285 : i32 to vector<16xi32>
    %add3A_287 = arith.addi %add3A_286, %min3A_281 : vector<16xi32>
    %add3A_288 = arith.constant 8 : i32
    %add3A_289 = vector.broadcast %add3A_288 : i32 to vector<16xi32>
    %add3A_290 = arith.addi %add3A_287, %add3A_289 : vector<16xi32>
    %gather3A_291 = tpu.vector_load_idx %arg9[%add3A_290] : memref<40xi32, #tpu.memory_space<vmem>>[vector<16xi32>], vector<16xi32>,
    %lt3A_292 = arith.cmpi slt, %rem3A_284, %gather3A_291 : vector<16xi32>
    %convert_element_type3A_293 = arith.extui %lt3A_292 : vector<16xi1> to vector<16xi32>
    %convert_element_type3A_294 = arith.extui %lt3A_275 : vector<16xi1> to vector<16xi32>
    %mul3A_295 = arith.muli %convert_element_type3A_293, %convert_element_type3A_294 : vector<16xi32>
    %get3A_296 = arith.constant 112 : index
    %get3A_297 = tpu.vector_load %arg8[%get3A_296] {strides = array<i32>} : memref<656xi32, #tpu.memory_space<vmem>>, vector<16xi32>,
    %mul3A_298 = arith.muli %get3A_297, %mul3A_295 : vector<16xi32>
    tpu.vector_store_idx %arg6[%min3A_223, %rem3A_226, %mul3A_240], %broadcast_in_dim3A_13 masked %lt3A_217 : memref<2x20x1000xf32, #tpu.memory_space<vmem>>[vector<16xi32>, vector<16xi32>, vector<16xi32>], vector<16xf32>, vector<16xi1>
    %swap3A_299 = arith.constant 80 : index
    %swap3A_300 = tpu.vector_load %arg10[%swap3A_299] {strides = array<i32>} : memref<656xi32, #tpu.memory_space<vmem>>, vector<16xi32>,
    tpu.vector_store %arg10[%swap3A_299], %mul3A_237 {strides = array<i32>} : memref<656xi32, #tpu.memory_space<vmem>>, vector<16xi32>,
    tpu.vector_store_idx %arg6[%min3A_252, %rem3A_255, %mul3A_269], %broadcast_in_dim3A_13 masked %lt3A_246 : memref<2x20x1000xf32, #tpu.memory_space<vmem>>[vector<16xi32>, vector<16xi32>, vector<16xi32>], vector<16xf32>, vector<16xi1>
    %swap3A_301 = arith.constant 96 : index
    %swap3A_302 = tpu.vector_load %arg10[%swap3A_301] {strides = array<i32>} : memref<656xi32, #tpu.memory_space<vmem>>, vector<16xi32>,
    tpu.vector_store %arg10[%swap3A_301], %mul3A_266 {strides = array<i32>} : memref<656xi32, #tpu.memory_space<vmem>>, vector<16xi32>,
    tpu.vector_store_idx %arg6[%min3A_281, %rem3A_284, %mul3A_298], %broadcast_in_dim3A_13 masked %lt3A_275 : memref<2x20x1000xf32, #tpu.memory_space<vmem>>[vector<16xi32>, vector<16xi32>, vector<16xi32>], vector<16xf32>, vector<16xi1>
    %swap3A_303 = arith.constant 112 : index
    %swap3A_304 = tpu.vector_load %arg10[%swap3A_303] {strides = array<i32>} : memref<656xi32, #tpu.memory_space<vmem>>, vector<16xi32>,
    tpu.vector_store %arg10[%swap3A_303], %mul3A_295 {strides = array<i32>} : memref<656xi32, #tpu.memory_space<vmem>>, vector<16xi32>,
    %add3A_305 = arith.constant 4 : i32
    %add3A_306 = arith.addi %mul3A_2, %add3A_305 : i32
    %dma_start3A_307 = arith.constant 0 : i32
    %dma_start3A_308 = arith.constant 0 : i32
    %dma_start3A_309 = tpu.memref_slice %arg4[%add3A_306, %dma_start3A_307, %dma_start3A_308] : memref<1024x20x1000xf32, #tpu.memory_space<hbm>> -> memref<2x20x1000xf32, #tpu.memory_space<hbm>>
    %dma_start3A_310 = arith.constant 0 : i32
    %dma_start3A_311 = arith.constant 0 : i32
    %dma_start3A_312 = tpu.memref_slice %arg4[%add3A_306, %dma_start3A_310, %dma_start3A_311] : memref<1024x20x1000xf32, #tpu.memory_space<hbm>> -> memref<2x20x1000xf32, #tpu.memory_space<hbm>>
    tpu.enqueue_dma source(%arg6 : memref<2x20x1000xf32, #tpu.memory_space<vmem>>) target(%dma_start3A_312 : memref<2x20x1000xf32, #tpu.memory_space<hbm>>) target_semaphore(%arg11 : memref<!tpu.dma_semaphore, #tpu.memory_space<semaphore_mem>>)
    %dma_wait3A_313 = arith.constant 0 : i32
    %dma_wait3A_314 = arith.constant 0 : i32
    %dma_wait3A_315 = tpu.memref_slice %arg4[%add3A_200, %dma_wait3A_313, %dma_wait3A_314] : memref<1024x20x1000xf32, #tpu.memory_space<hbm>> -> memref<2x20x1000xf32, #tpu.memory_space<hbm>>
    %dma_wait3A_316 = arith.constant 0 : i32
    %dma_wait3A_317 = arith.constant 0 : i32
    %dma_wait3A_318 = tpu.memref_slice %arg4[%add3A_200, %dma_wait3A_316, %dma_wait3A_317] : memref<1024x20x1000xf32, #tpu.memory_space<hbm>> -> memref<2x20x1000xf32, #tpu.memory_space<hbm>>
    tpu.wait_dma2 semaphore(%arg12 : memref<!tpu.dma_semaphore, #tpu.memory_space<semaphore_mem>>) src(%arg7 : memref<2x20x1000xf32, #tpu.memory_space<vmem>>) dst(%dma_wait3A_318 : memref<2x20x1000xf32, #tpu.memory_space<hbm>>)
    tpu.vector_store_idx %arg7[%min3A_117, %rem3A_120, %mul3A_134], %broadcast_in_dim3A_5 masked %lt3A_111 : memref<2x20x1000xf32, #tpu.memory_space<vmem>>[vector<16xi32>, vector<16xi32>, vector<16xi32>], vector<16xf32>, vector<16xi1>
    tpu.vector_store_idx %arg7[%min3A_146, %rem3A_149, %mul3A_163], %broadcast_in_dim3A_5 masked %lt3A_140 : memref<2x20x1000xf32, #tpu.memory_space<vmem>>[vector<16xi32>, vector<16xi32>, vector<16xi32>], vector<16xf32>, vector<16xi1>
    tpu.vector_store_idx %arg7[%min3A_175, %rem3A_178, %mul3A_192], %broadcast_in_dim3A_5 masked %lt3A_169 : memref<2x20x1000xf32, #tpu.memory_space<vmem>>[vector<16xi32>, vector<16xi32>, vector<16xi32>], vector<16xf32>, vector<16xi1>
    %add3A_319 = arith.constant 0 : i32
    %add3A_320 = vector.broadcast %add3A_319 : i32 to vector<16xi32>
    %add3A_321 = arith.addi %iota3A, %add3A_320 : vector<16xi32>
    %lt3A_322 = arith.constant 40 : i32
    %lt3A_323 = vector.broadcast %lt3A_322 : i32 to vector<16xi32>
    %lt3A_324 = arith.cmpi slt, %add3A_321, %lt3A_323 : vector<16xi32>
    %div3A_325 = arith.constant 20 : i32
    %div3A_326 = vector.broadcast %div3A_325 : i32 to vector<16xi32>
    %div3A_327 = arith.divsi %add3A_321, %div3A_326 : vector<16xi32>
    %min3A_328 = arith.constant 1 : i32
    %min3A_329 = vector.broadcast %min3A_328 : i32 to vector<16xi32>
    %min3A_330 = arith.minsi %div3A_327, %min3A_329 : vector<16xi32>
    %rem3A_331 = arith.constant 20 : i32
    %rem3A_332 = vector.broadcast %rem3A_331 : i32 to vector<16xi32>
    %rem3A_333 = arith.remsi %add3A_321, %rem3A_332 : vector<16xi32>
    %add3A_334 = arith.constant 6 : i32
    %add3A_335 = vector.broadcast %add3A_334 : i32 to vector<16xi32>
    %add3A_336 = arith.addi %add3A_335, %min3A_330 : vector<16xi32>
    %add3A_337 = arith.constant 8 : i32
    %add3A_338 = vector.broadcast %add3A_337 : i32 to vector<16xi32>
    %add3A_339 = arith.addi %add3A_336, %add3A_338 : vector<16xi32>
    %gather3A_340 = tpu.vector_load_idx %arg9[%add3A_339] : memref<40xi32, #tpu.memory_space<vmem>>[vector<16xi32>], vector<16xi32>,
    %lt3A_341 = arith.cmpi slt, %rem3A_333, %gather3A_340 : vector<16xi32>
    %convert_element_type3A_342 = arith.extui %lt3A_341 : vector<16xi1> to vector<16xi32>
    %convert_element_type3A_343 = arith.extui %lt3A_324 : vector<16xi1> to vector<16xi32>
    %mul3A_344 = arith.muli %convert_element_type3A_342, %convert_element_type3A_343 : vector<16xi32>
    %get3A_345 = arith.constant 120 : index
    %get3A_346 = tpu.vector_load %arg8[%get3A_345] {strides = array<i32>} : memref<656xi32, #tpu.memory_space<vmem>>, vector<16xi32>,
    %mul3A_347 = arith.muli %get3A_346, %mul3A_344 : vector<16xi32>
    %add3A_348 = arith.constant 16 : i32
    %add3A_349 = vector.broadcast %add3A_348 : i32 to vector<16xi32>
    %add3A_350 = arith.addi %iota3A, %add3A_349 : vector<16xi32>
    %lt3A_351 = arith.constant 40 : i32
    %lt3A_352 = vector.broadcast %lt3A_351 : i32 to vector<16xi32>
    %lt3A_353 = arith.cmpi slt, %add3A_350, %lt3A_352 : vector<16xi32>
    %div3A_354 = arith.constant 20 : i32
    %div3A_355 = vector.broadcast %div3A_354 : i32 to vector<16xi32>
    %div3A_356 = arith.divsi %add3A_350, %div3A_355 : vector<16xi32>
    %min3A_357 = arith.constant 1 : i32
    %min3A_358 = vector.broadcast %min3A_357 : i32 to vector<16xi32>
    %min3A_359 = arith.minsi %div3A_356, %min3A_358 : vector<16xi32>
    %rem3A_360 = arith.constant 20 : i32
    %rem3A_361 = vector.broadcast %rem3A_360 : i32 to vector<16xi32>
    %rem3A_362 = arith.remsi %add3A_350, %rem3A_361 : vector<16xi32>
    %add3A_363 = arith.constant 6 : i32
    %add3A_364 = vector.broadcast %add3A_363 : i32 to vector<16xi32>
    %add3A_365 = arith.addi %add3A_364, %min3A_359 : vector<16xi32>
    %add3A_366 = arith.constant 8 : i32
    %add3A_367 = vector.broadcast %add3A_366 : i32 to vector<16xi32>
    %add3A_368 = arith.addi %add3A_365, %add3A_367 : vector<16xi32>
    %gather3A_369 = tpu.vector_load_idx %arg9[%add3A_368] : memref<40xi32, #tpu.memory_space<vmem>>[vector<16xi32>], vector<16xi32>,
    %lt3A_370 = arith.cmpi slt, %rem3A_362, %gather3A_369 : vector<16xi32>
    %convert_element_type3A_371 = arith.extui %lt3A_370 : vector<16xi1> to vector<16xi32>
    %convert_element_type3A_372 = arith.extui %lt3A_353 : vector<16xi1> to vector<16xi32>
    %mul3A_373 = arith.muli %convert_element_type3A_371, %convert_element_type3A_372 : vector<16xi32>
    %get3A_374 = arith.constant 136 : index
    %get3A_375 = tpu.vector_load %arg8[%get3A_374] {strides = array<i32>} : memref<656xi32, #tpu.memory_space<vmem>>, vector<16xi32>,
    %mul3A_376 = arith.muli %get3A_375, %mul3A_373 : vector<16xi32>
    %add3A_377 = arith.constant 32 : i32
    %add3A_378 = vector.broadcast %add3A_377 : i32 to vector<16xi32>
    %add3A_379 = arith.addi %iota3A, %add3A_378 : vector<16xi32>
    %lt3A_380 = arith.constant 40 : i32
    %lt3A_381 = vector.broadcast %lt3A_380 : i32 to vector<16xi32>
    %lt3A_382 = arith.cmpi slt, %add3A_379, %lt3A_381 : vector<16xi32>
    %div3A_383 = arith.constant 20 : i32
    %div3A_384 = vector.broadcast %div3A_383 : i32 to vector<16xi32>
    %div3A_385 = arith.divsi %add3A_379, %div3A_384 : vector<16xi32>
    %min3A_386 = arith.constant 1 : i32
    %min3A_387 = vector.broadcast %min3A_386 : i32 to vector<16xi32>
    %min3A_388 = arith.minsi %div3A_385, %min3A_387 : vector<16xi32>
    %rem3A_389 = arith.constant 20 : i32
    %rem3A_390 = vector.broadcast %rem3A_389 : i32 to vector<16xi32>
    %rem3A_391 = arith.remsi %add3A_379, %rem3A_390 : vector<16xi32>
    %add3A_392 = arith.constant 6 : i32
    %add3A_393 = vector.broadcast %add3A_392 : i32 to vector<16xi32>
    %add3A_394 = arith.addi %add3A_393, %min3A_388 : vector<16xi32>
    %add3A_395 = arith.constant 8 : i32
    %add3A_396 = vector.broadcast %add3A_395 : i32 to vector<16xi32>
    %add3A_397 = arith.addi %add3A_394, %add3A_396 : vector<16xi32>
    %gather3A_398 = tpu.vector_load_idx %arg9[%add3A_397] : memref<40xi32, #tpu.memory_space<vmem>>[vector<16xi32>], vector<16xi32>,
    %lt3A_399 = arith.cmpi slt, %rem3A_391, %gather3A_398 : vector<16xi32>
    %convert_element_type3A_400 = arith.extui %lt3A_399 : vector<16xi1> to vector<16xi32>
    %convert_element_type3A_401 = arith.extui %lt3A_382 : vector<16xi1> to vector<16xi32>
    %mul3A_402 = arith.muli %convert_element_type3A_400, %convert_element_type3A_401 : vector<16xi32>
    %get3A_403 = arith.constant 152 : index
    %get3A_404 = tpu.vector_load %arg8[%get3A_403] {strides = array<i32>} : memref<656xi32, #tpu.memory_space<vmem>>, vector<16xi32>,
    %mul3A_405 = arith.muli %get3A_404, %mul3A_402 : vector<16xi32>
    tpu.vector_store_idx %arg7[%min3A_330, %rem3A_333, %mul3A_347], %broadcast_in_dim3A_13 masked %lt3A_324 : memref<2x20x1000xf32, #tpu.memory_space<vmem>>[vector<16xi32>, vector<16xi32>, vector<16xi32>], vector<16xf32>, vector<16xi1>
    %swap3A_406 = arith.constant 120 : index
    %swap3A_407 = tpu.vector_load %arg10[%swap3A_406] {strides = array<i32>} : memref<656xi32, #tpu.memory_space<vmem>>, vector<16xi32>,
    tpu.vector_store %arg10[%swap3A_406], %mul3A_344 {strides = array<i32>} : memref<656xi32, #tpu.memory_space<vmem>>, vector<16xi32>,
    tpu.vector_store_idx %arg7[%min3A_359, %rem3A_362, %mul3A_376], %broadcast_in_dim3A_13 masked %lt3A_353 : memref<2x20x1000xf32, #tpu.memory_space<vmem>>[vector<16xi32>, vector<16xi32>, vector<16xi32>], vector<16xf32>, vector<16xi1>
    %swap3A_408 = arith.constant 136 : index
    %swap3A_409 = tpu.vector_load %arg10[%swap3A_408] {strides = array<i32>} : memref<656xi32, #tpu.memory_space<vmem>>, vector<16xi32>,
    tpu.vector_store %arg10[%swap3A_408], %mul3A_373 {strides = array<i32>} : memref<656xi32, #tpu.memory_space<vmem>>, vector<16xi32>,
    tpu.vector_store_idx %arg7[%min3A_388, %rem3A_391, %mul3A_405], %broadcast_in_dim3A_13 masked %lt3A_382 : memref<2x20x1000xf32, #tpu.memory_space<vmem>>[vector<16xi32>, vector<16xi32>, vector<16xi32>], vector<16xf32>, vector<16xi1>
    %swap3A_410 = arith.constant 152 : index
    %swap3A_411 = tpu.vector_load %arg10[%swap3A_410] {strides = array<i32>} : memref<656xi32, #tpu.memory_space<vmem>>, vector<16xi32>,
    tpu.vector_store %arg10[%swap3A_410], %mul3A_402 {strides = array<i32>} : memref<656xi32, #tpu.memory_space<vmem>>, vector<16xi32>,
    %add3A_412 = arith.constant 6 : i32
    %add3A_413 = arith.addi %mul3A_2, %add3A_412 : i32
    %dma_start3A_414 = arith.constant 0 : i32
    %dma_start3A_415 = arith.constant 0 : i32
    %dma_start3A_416 = tpu.memref_slice %arg4[%add3A_413, %dma_start3A_414, %dma_start3A_415] : memref<1024x20x1000xf32, #tpu.memory_space<hbm>> -> memref<2x20x1000xf32, #tpu.memory_space<hbm>>
    %dma_start3A_417 = arith.constant 0 : i32
    %dma_start3A_418 = arith.constant 0 : i32
    %dma_start3A_419 = tpu.memref_slice %arg4[%add3A_413, %dma_start3A_417, %dma_start3A_418] : memref<1024x20x1000xf32, #tpu.memory_space<hbm>> -> memref<2x20x1000xf32, #tpu.memory_space<hbm>>
    tpu.enqueue_dma source(%arg7 : memref<2x20x1000xf32, #tpu.memory_space<vmem>>) target(%dma_start3A_419 : memref<2x20x1000xf32, #tpu.memory_space<hbm>>) target_semaphore(%arg12 : memref<!tpu.dma_semaphore, #tpu.memory_space<semaphore_mem>>)
    %dma_wait3A_420 = arith.constant 0 : i32
    %dma_wait3A_421 = arith.constant 0 : i32
    %dma_wait3A_422 = tpu.memref_slice %arg4[%add3A_306, %dma_wait3A_420, %dma_wait3A_421] : memref<1024x20x1000xf32, #tpu.memory_space<hbm>> -> memref<2x20x1000xf32, #tpu.memory_space<hbm>>
    %dma_wait3A_423 = arith.constant 0 : i32
    %dma_wait3A_424 = arith.constant 0 : i32
    %dma_wait3A_425 = tpu.memref_slice %arg4[%add3A_306, %dma_wait3A_423, %dma_wait3A_424] : memref<1024x20x1000xf32, #tpu.memory_space<hbm>> -> memref<2x20x1000xf32, #tpu.memory_space<hbm>>
    tpu.wait_dma2 semaphore(%arg11 : memref<!tpu.dma_semaphore, #tpu.memory_space<semaphore_mem>>) src(%arg6 : memref<2x20x1000xf32, #tpu.memory_space<vmem>>) dst(%dma_wait3A_425 : memref<2x20x1000xf32, #tpu.memory_space<hbm>>)
    tpu.vector_store_idx %arg6[%min3A_223, %rem3A_226, %mul3A_240], %broadcast_in_dim3A_5 masked %lt3A_217 : memref<2x20x1000xf32, #tpu.memory_space<vmem>>[vector<16xi32>, vector<16xi32>, vector<16xi32>], vector<16xf32>, vector<16xi1>
    tpu.vector_store_idx %arg6[%min3A_252, %rem3A_255, %mul3A_269], %broadcast_in_dim3A_5 masked %lt3A_246 : memref<2x20x1000xf32, #tpu.memory_space<vmem>>[vector<16xi32>, vector<16xi32>, vector<16xi32>], vector<16xf32>, vector<16xi1>
    tpu.vector_store_idx %arg6[%min3A_281, %rem3A_284, %mul3A_298], %broadcast_in_dim3A_5 masked %lt3A_275 : memref<2x20x1000xf32, #tpu.memory_space<vmem>>[vector<16xi32>, vector<16xi32>, vector<16xi32>], vector<16xf32>, vector<16xi1>
    %add3A_426 = arith.constant 0 : i32
    %add3A_427 = vector.broadcast %add3A_426 : i32 to vector<16xi32>
    %add3A_428 = arith.addi %iota3A, %add3A_427 : vector<16xi32>
    %lt3A_429 = arith.constant 40 : i32
    %lt3A_430 = vector.broadcast %lt3A_429 : i32 to vector<16xi32>
    %lt3A_431 = arith.cmpi slt, %add3A_428, %lt3A_430 : vector<16xi32>
    %div3A_432 = arith.constant 20 : i32
    %div3A_433 = vector.broadcast %div3A_432 : i32 to vector<16xi32>
    %div3A_434 = arith.divsi %add3A_428, %div3A_433 : vector<16xi32>
    %min3A_435 = arith.constant 1 : i32
    %min3A_436 = vector.broadcast %min3A_435 : i32 to vector<16xi32>
    %min3A_437 = arith.minsi %div3A_434, %min3A_436 : vector<16xi32>
    %rem3A_438 = arith.constant 20 : i32
    %rem3A_439 = vector.broadcast %rem3A_438 : i32 to vector<16xi32>
    %rem3A_440 = arith.remsi %add3A_428, %rem3A_439 : vector<16xi32>
    %add3A_441 = arith.constant 8 : i32
    %add3A_442 = vector.broadcast %add3A_441 : i32 to vector<16xi32>
    %add3A_443 = arith.addi %add3A_442, %min3A_437 : vector<16xi32>
    %add3A_444 = arith.constant 8 : i32
    %add3A_445 = vector.broadcast %add3A_444 : i32 to vector<16xi32>
    %add3A_446 = arith.addi %add3A_443, %add3A_445 : vector<16xi32>
    %gather3A_447 = tpu.vector_load_idx %arg9[%add3A_446] : memref<40xi32, #tpu.memory_space<vmem>>[vector<16xi32>], vector<16xi32>,
    %lt3A_448 = arith.cmpi slt, %rem3A_440, %gather3A_447 : vector<16xi32>
    %convert_element_type3A_449 = arith.extui %lt3A_448 : vector<16xi1> to vector<16xi32>
    %convert_element_type3A_450 = arith.extui %lt3A_431 : vector<16xi1> to vector<16xi32>
    %mul3A_451 = arith.muli %convert_element_type3A_449, %convert_element_type3A_450 : vector<16xi32>
    %get3A_452 = arith.constant 160 : index
    %get3A_453 = tpu.vector_load %arg8[%get3A_452] {strides = array<i32>} : memref<656xi32, #tpu.memory_space<vmem>>, vector<16xi32>,
    %mul3A_454 = arith.muli %get3A_453, %mul3A_451 : vector<16xi32>
    %add3A_455 = arith.constant 16 : i32
    %add3A_456 = vector.broadcast %add3A_455 : i32 to vector<16xi32>
    %add3A_457 = arith.addi %iota3A, %add3A_456 : vector<16xi32>
    %lt3A_458 = arith.constant 40 : i32
    %lt3A_459 = vector.broadcast %lt3A_458 : i32 to vector<16xi32>
    %lt3A_460 = arith.cmpi slt, %add3A_457, %lt3A_459 : vector<16xi32>
    %div3A_461 = arith.constant 20 : i32
    %div3A_462 = vector.broadcast %div3A_461 : i32 to vector<16xi32>
    %div3A_463 = arith.divsi %add3A_457, %div3A_462 : vector<16xi32>
    %min3A_464 = arith.constant 1 : i32
    %min3A_465 = vector.broadcast %min3A_464 : i32 to vector<16xi32>
    %min3A_466 = arith.minsi %div3A_463, %min3A_465 : vector<16xi32>
    %rem3A_467 = arith.constant 20 : i32
    %rem3A_468 = vector.broadcast %rem3A_467 : i32 to vector<16xi32>
    %rem3A_469 = arith.remsi %add3A_457, %rem3A_468 : vector<16xi32>
    %add3A_470 = arith.constant 8 : i32
    %add3A_471 = vector.broadcast %add3A_470 : i32 to vector<16xi32>
    %add3A_472 = arith.addi %add3A_471, %min3A_466 : vector<16xi32>
    %add3A_473 = arith.constant 8 : i32
    %add3A_474 = vector.broadcast %add3A_473 : i32 to vector<16xi32>
    %add3A_475 = arith.addi %add3A_472, %add3A_474 : vector<16xi32>
    %gather3A_476 = tpu.vector_load_idx %arg9[%add3A_475] : memref<40xi32, #tpu.memory_space<vmem>>[vector<16xi32>], vector<16xi32>,
    %lt3A_477 = arith.cmpi slt, %rem3A_469, %gather3A_476 : vector<16xi32>
    %convert_element_type3A_478 = arith.extui %lt3A_477 : vector<16xi1> to vector<16xi32>
    %convert_element_type3A_479 = arith.extui %lt3A_460 : vector<16xi1> to vector<16xi32>
    %mul3A_480 = arith.muli %convert_element_type3A_478, %convert_element_type3A_479 : vector<16xi32>
    %get3A_481 = arith.constant 176 : index
    %get3A_482 = tpu.vector_load %arg8[%get3A_481] {strides = array<i32>} : memref<656xi32, #tpu.memory_space<vmem>>, vector<16xi32>,
    %mul3A_483 = arith.muli %get3A_482, %mul3A_480 : vector<16xi32>
    %add3A_484 = arith.constant 32 : i32
    %add3A_485 = vector.broadcast %add3A_484 : i32 to vector<16xi32>
    %add3A_486 = arith.addi %iota3A, %add3A_485 : vector<16xi32>
    %lt3A_487 = arith.constant 40 : i32
    %lt3A_488 = vector.broadcast %lt3A_487 : i32 to vector<16xi32>
    %lt3A_489 = arith.cmpi slt, %add3A_486, %lt3A_488 : vector<16xi32>
    %div3A_490 = arith.constant 20 : i32
    %div3A_491 = vector.broadcast %div3A_490 : i32 to vector<16xi32>
    %div3A_492 = arith.divsi %add3A_486, %div3A_491 : vector<16xi32>
    %min3A_493 = arith.constant 1 : i32
    %min3A_494 = vector.broadcast %min3A_493 : i32 to vector<16xi32>
    %min3A_495 = arith.minsi %div3A_492, %min3A_494 : vector<16xi32>
    %rem3A_496 = arith.constant 20 : i32
    %rem3A_497 = vector.broadcast %rem3A_496 : i32 to vector<16xi32>
    %rem3A_498 = arith.remsi %add3A_486, %rem3A_497 : vector<16xi32>
    %add3A_499 = arith.constant 8 : i32
    %add3A_500 = vector.broadcast %add3A_499 : i32 to vector<16xi32>
    %add3A_501 = arith.addi %add3A_500, %min3A_495 : vector<16xi32>
    %add3A_502 = arith.constant 8 : i32
    %add3A_503 = vector.broadcast %add3A_502 : i32 to vector<16xi32>
    %add3A_504 = arith.addi %add3A_501, %add3A_503 : vector<16xi32>
    %gather3A_505 = tpu.vector_load_idx %arg9[%add3A_504] : memref<40xi32, #tpu.memory_space<vmem>>[vector<16xi32>], vector<16xi32>,
    %lt3A_506 = arith.cmpi slt, %rem3A_498, %gather3A_505 : vector<16xi32>
    %convert_element_type3A_507 = arith.extui %lt3A_506 : vector<16xi1> to vector<16xi32>
    %convert_element_type3A_508 = arith.extui %lt3A_489 : vector<16xi1> to vector<16xi32>
    %mul3A_509 = arith.muli %convert_element_type3A_507, %convert_element_type3A_508 : vector<16xi32>
    %get3A_510 = arith.constant 192 : index
    %get3A_511 = tpu.vector_load %arg8[%get3A_510] {strides = array<i32>} : memref<656xi32, #tpu.memory_space<vmem>>, vector<16xi32>,
    %mul3A_512 = arith.muli %get3A_511, %mul3A_509 : vector<16xi32>
    tpu.vector_store_idx %arg6[%min3A_437, %rem3A_440, %mul3A_454], %broadcast_in_dim3A_13 masked %lt3A_431 : memref<2x20x1000xf32, #tpu.memory_space<vmem>>[vector<16xi32>, vector<16xi32>, vector<16xi32>], vector<16xf32>, vector<16xi1>
    %swap3A_513 = arith.constant 160 : index
    %swap3A_514 = tpu.vector_load %arg10[%swap3A_513] {strides = array<i32>} : memref<656xi32, #tpu.memory_space<vmem>>, vector<16xi32>,
    tpu.vector_store %arg10[%swap3A_513], %mul3A_451 {strides = array<i32>} : memref<656xi32, #tpu.memory_space<vmem>>, vector<16xi32>,
    tpu.vector_store_idx %arg6[%min3A_466, %rem3A_469, %mul3A_483], %broadcast_in_dim3A_13 masked %lt3A_460 : memref<2x20x1000xf32, #tpu.memory_space<vmem>>[vector<16xi32>, vector<16xi32>, vector<16xi32>], vector<16xf32>, vector<16xi1>
    %swap3A_515 = arith.constant 176 : index
    %swap3A_516 = tpu.vector_load %arg10[%swap3A_515] {strides = array<i32>} : memref<656xi32, #tpu.memory_space<vmem>>, vector<16xi32>,
    tpu.vector_store %arg10[%swap3A_515], %mul3A_480 {strides = array<i32>} : memref<656xi32, #tpu.memory_space<vmem>>, vector<16xi32>,
    tpu.vector_store_idx %arg6[%min3A_495, %rem3A_498, %mul3A_512], %broadcast_in_dim3A_13 masked %lt3A_489 : memref<2x20x1000xf32, #tpu.memory_space<vmem>>[vector<16xi32>, vector<16xi32>, vector<16xi32>], vector<16xf32>, vector<16xi1>
    %swap3A_517 = arith.constant 192 : index
    %swap3A_518 = tpu.vector_load %arg10[%swap3A_517] {strides = array<i32>} : memref<656xi32, #tpu.memory_space<vmem>>, vector<16xi32>,
    tpu.vector_store %arg10[%swap3A_517], %mul3A_509 {strides = array<i32>} : memref<656xi32, #tpu.memory_space<vmem>>, vector<16xi32>,
    %add3A_519 = arith.constant 8 : i32
    %add3A_520 = arith.addi %mul3A_2, %add3A_519 : i32
    %dma_start3A_521 = arith.constant 0 : i32
    %dma_start3A_522 = arith.constant 0 : i32
    %dma_start3A_523 = tpu.memref_slice %arg4[%add3A_520, %dma_start3A_521, %dma_start3A_522] : memref<1024x20x1000xf32, #tpu.memory_space<hbm>> -> memref<2x20x1000xf32, #tpu.memory_space<hbm>>
    %dma_start3A_524 = arith.constant 0 : i32
    %dma_start3A_525 = arith.constant 0 : i32
    %dma_start3A_526 = tpu.memref_slice %arg4[%add3A_520, %dma_start3A_524, %dma_start3A_525] : memref<1024x20x1000xf32, #tpu.memory_space<hbm>> -> memref<2x20x1000xf32, #tpu.memory_space<hbm>>
    tpu.enqueue_dma source(%arg6 : memref<2x20x1000xf32, #tpu.memory_space<vmem>>) target(%dma_start3A_526 : memref<2x20x1000xf32, #tpu.memory_space<hbm>>) target_semaphore(%arg11 : memref<!tpu.dma_semaphore, #tpu.memory_space<semaphore_mem>>)
    %dma_wait3A_527 = arith.constant 0 : i32
    %dma_wait3A_528 = arith.constant 0 : i32
    %dma_wait3A_529 = tpu.memref_slice %arg4[%add3A_413, %dma_wait3A_527, %dma_wait3A_528] : memref<1024x20x1000xf32, #tpu.memory_space<hbm>> -> memref<2x20x1000xf32, #tpu.memory_space<hbm>>
    %dma_wait3A_530 = arith.constant 0 : i32
    %dma_wait3A_531 = arith.constant 0 : i32
    %dma_wait3A_532 = tpu.memref_slice %arg4[%add3A_413, %dma_wait3A_530, %dma_wait3A_531] : memref<1024x20x1000xf32, #tpu.memory_space<hbm>> -> memref<2x20x1000xf32, #tpu.memory_space<hbm>>
    tpu.wait_dma2 semaphore(%arg12 : memref<!tpu.dma_semaphore, #tpu.memory_space<semaphore_mem>>) src(%arg7 : memref<2x20x1000xf32, #tpu.memory_space<vmem>>) dst(%dma_wait3A_532 : memref<2x20x1000xf32, #tpu.memory_space<hbm>>)
    tpu.vector_store_idx %arg7[%min3A_330, %rem3A_333, %mul3A_347], %broadcast_in_dim3A_5 masked %lt3A_324 : memref<2x20x1000xf32, #tpu.memory_space<vmem>>[vector<16xi32>, vector<16xi32>, vector<16xi32>], vector<16xf32>, vector<16xi1>
    tpu.vector_store_idx %arg7[%min3A_359, %rem3A_362, %mul3A_376], %broadcast_in_dim3A_5 masked %lt3A_353 : memref<2x20x1000xf32, #tpu.memory_space<vmem>>[vector<16xi32>, vector<16xi32>, vector<16xi32>], vector<16xf32>, vector<16xi1>
    tpu.vector_store_idx %arg7[%min3A_388, %rem3A_391, %mul3A_405], %broadcast_in_dim3A_5 masked %lt3A_382 : memref<2x20x1000xf32, #tpu.memory_space<vmem>>[vector<16xi32>, vector<16xi32>, vector<16xi32>], vector<16xf32>, vector<16xi1>
    %add3A_533 = arith.constant 0 : i32
    %add3A_534 = vector.broadcast %add3A_533 : i32 to vector<16xi32>
    %add3A_535 = arith.addi %iota3A, %add3A_534 : vector<16xi32>
    %lt3A_536 = arith.constant 40 : i32
    %lt3A_537 = vector.broadcast %lt3A_536 : i32 to vector<16xi32>
    %lt3A_538 = arith.cmpi slt, %add3A_535, %lt3A_537 : vector<16xi32>
    %div3A_539 = arith.constant 20 : i32
    %div3A_540 = vector.broadcast %div3A_539 : i32 to vector<16xi32>
    %div3A_541 = arith.divsi %add3A_535, %div3A_540 : vector<16xi32>
    %min3A_542 = arith.constant 1 : i32
    %min3A_543 = vector.broadcast %min3A_542 : i32 to vector<16xi32>
    %min3A_544 = arith.minsi %div3A_541, %min3A_543 : vector<16xi32>
    %rem3A_545 = arith.constant 20 : i32
    %rem3A_546 = vector.broadcast %rem3A_545 : i32 to vector<16xi32>
    %rem3A_547 = arith.remsi %add3A_535, %rem3A_546 : vector<16xi32>
    %add3A_548 = arith.constant 10 : i32
    %add3A_549 = vector.broadcast %add3A_548 : i32 to vector<16xi32>
    %add3A_550 = arith.addi %add3A_549, %min3A_544 : vector<16xi32>
    %add3A_551 = arith.constant 8 : i32
    %add3A_552 = vector.broadcast %add3A_551 : i32 to vector<16xi32>
    %add3A_553 = arith.addi %add3A_550, %add3A_552 : vector<16xi32>
    %gather3A_554 = tpu.vector_load_idx %arg9[%add3A_553] : memref<40xi32, #tpu.memory_space<vmem>>[vector<16xi32>], vector<16xi32>,
    %lt3A_555 = arith.cmpi slt, %rem3A_547, %gather3A_554 : vector<16xi32>
    %convert_element_type3A_556 = arith.extui %lt3A_555 : vector<16xi1> to vector<16xi32>
    %convert_element_type3A_557 = arith.extui %lt3A_538 : vector<16xi1> to vector<16xi32>
    %mul3A_558 = arith.muli %convert_element_type3A_556, %convert_element_type3A_557 : vector<16xi32>
    %get3A_559 = arith.constant 200 : index
    %get3A_560 = tpu.vector_load %arg8[%get3A_559] {strides = array<i32>} : memref<656xi32, #tpu.memory_space<vmem>>, vector<16xi32>,
    %mul3A_561 = arith.muli %get3A_560, %mul3A_558 : vector<16xi32>
    %add3A_562 = arith.constant 16 : i32
    %add3A_563 = vector.broadcast %add3A_562 : i32 to vector<16xi32>
    %add3A_564 = arith.addi %iota3A, %add3A_563 : vector<16xi32>
    %lt3A_565 = arith.constant 40 : i32
    %lt3A_566 = vector.broadcast %lt3A_565 : i32 to vector<16xi32>
    %lt3A_567 = arith.cmpi slt, %add3A_564, %lt3A_566 : vector<16xi32>
    %div3A_568 = arith.constant 20 : i32
    %div3A_569 = vector.broadcast %div3A_568 : i32 to vector<16xi32>
    %div3A_570 = arith.divsi %add3A_564, %div3A_569 : vector<16xi32>
    %min3A_571 = arith.constant 1 : i32
    %min3A_572 = vector.broadcast %min3A_571 : i32 to vector<16xi32>
    %min3A_573 = arith.minsi %div3A_570, %min3A_572 : vector<16xi32>
    %rem3A_574 = arith.constant 20 : i32
    %rem3A_575 = vector.broadcast %rem3A_574 : i32 to vector<16xi32>
    %rem3A_576 = arith.remsi %add3A_564, %rem3A_575 : vector<16xi32>
    %add3A_577 = arith.constant 10 : i32
    %add3A_578 = vector.broadcast %add3A_577 : i32 to vector<16xi32>
    %add3A_579 = arith.addi %add3A_578, %min3A_573 : vector<16xi32>
    %add3A_580 = arith.constant 8 : i32
    %add3A_581 = vector.broadcast %add3A_580 : i32 to vector<16xi32>
    %add3A_582 = arith.addi %add3A_579, %add3A_581 : vector<16xi32>
    %gather3A_583 = tpu.vector_load_idx %arg9[%add3A_582] : memref<40xi32, #tpu.memory_space<vmem>>[vector<16xi32>], vector<16xi32>,
    %lt3A_584 = arith.cmpi slt, %rem3A_576, %gather3A_583 : vector<16xi32>
    %convert_element_type3A_585 = arith.extui %lt3A_584 : vector<16xi1> to vector<16xi32>
    %convert_element_type3A_586 = arith.extui %lt3A_567 : vector<16xi1> to vector<16xi32>
    %mul3A_587 = arith.muli %convert_element_type3A_585, %convert_element_type3A_586 : vector<16xi32>
    %get3A_588 = arith.constant 216 : index
    %get3A_589 = tpu.vector_load %arg8[%get3A_588] {strides = array<i32>} : memref<656xi32, #tpu.memory_space<vmem>>, vector<16xi32>,
    %mul3A_590 = arith.muli %get3A_589, %mul3A_587 : vector<16xi32>
    %add3A_591 = arith.constant 32 : i32
    %add3A_592 = vector.broadcast %add3A_591 : i32 to vector<16xi32>
    %add3A_593 = arith.addi %iota3A, %add3A_592 : vector<16xi32>
    %lt3A_594 = arith.constant 40 : i32
    %lt3A_595 = vector.broadcast %lt3A_594 : i32 to vector<16xi32>
    %lt3A_596 = arith.cmpi slt, %add3A_593, %lt3A_595 : vector<16xi32>
    %div3A_597 = arith.constant 20 : i32
    %div3A_598 = vector.broadcast %div3A_597 : i32 to vector<16xi32>
    %div3A_599 = arith.divsi %add3A_593, %div3A_598 : vector<16xi32>
    %min3A_600 = arith.constant 1 : i32
    %min3A_601 = vector.broadcast %min3A_600 : i32 to vector<16xi32>
    %min3A_602 = arith.minsi %div3A_599, %min3A_601 : vector<16xi32>
    %rem3A_603 = arith.constant 20 : i32
    %rem3A_604 = vector.broadcast %rem3A_603 : i32 to vector<16xi32>
    %rem3A_605 = arith.remsi %add3A_593, %rem3A_604 : vector<16xi32>
    %add3A_606 = arith.constant 10 : i32
    %add3A_607 = vector.broadcast %add3A_606 : i32 to vector<16xi32>
    %add3A_608 = arith.addi %add3A_607, %min3A_602 : vector<16xi32>
    %add3A_609 = arith.constant 8 : i32
    %add3A_610 = vector.broadcast %add3A_609 : i32 to vector<16xi32>
    %add3A_611 = arith.addi %add3A_608, %add3A_610 : vector<16xi32>
    %gather3A_612 = tpu.vector_load_idx %arg9[%add3A_611] : memref<40xi32, #tpu.memory_space<vmem>>[vector<16xi32>], vector<16xi32>,
    %lt3A_613 = arith.cmpi slt, %rem3A_605, %gather3A_612 : vector<16xi32>
    %convert_element_type3A_614 = arith.extui %lt3A_613 : vector<16xi1> to vector<16xi32>
    %convert_element_type3A_615 = arith.extui %lt3A_596 : vector<16xi1> to vector<16xi32>
    %mul3A_616 = arith.muli %convert_element_type3A_614, %convert_element_type3A_615 : vector<16xi32>
    %get3A_617 = arith.constant 232 : index
    %get3A_618 = tpu.vector_load %arg8[%get3A_617] {strides = array<i32>} : memref<656xi32, #tpu.memory_space<vmem>>, vector<16xi32>,
    %mul3A_619 = arith.muli %get3A_618, %mul3A_616 : vector<16xi32>
    tpu.vector_store_idx %arg7[%min3A_544, %rem3A_547, %mul3A_561], %broadcast_in_dim3A_13 masked %lt3A_538 : memref<2x20x1000xf32, #tpu.memory_space<vmem>>[vector<16xi32>, vector<16xi32>, vector<16xi32>], vector<16xf32>, vector<16xi1>
    %swap3A_620 = arith.constant 200 : index
    %swap3A_621 = tpu.vector_load %arg10[%swap3A_620] {strides = array<i32>} : memref<656xi32, #tpu.memory_space<vmem>>, vector<16xi32>,
    tpu.vector_store %arg10[%swap3A_620], %mul3A_558 {strides = array<i32>} : memref<656xi32, #tpu.memory_space<vmem>>, vector<16xi32>,
    tpu.vector_store_idx %arg7[%min3A_573, %rem3A_576, %mul3A_590], %broadcast_in_dim3A_13 masked %lt3A_567 : memref<2x20x1000xf32, #tpu.memory_space<vmem>>[vector<16xi32>, vector<16xi32>, vector<16xi32>], vector<16xf32>, vector<16xi1>
    %swap3A_622 = arith.constant 216 : index
    %swap3A_623 = tpu.vector_load %arg10[%swap3A_622] {strides = array<i32>} : memref<656xi32, #tpu.memory_space<vmem>>, vector<16xi32>,
    tpu.vector_store %arg10[%swap3A_622], %mul3A_587 {strides = array<i32>} : memref<656xi32, #tpu.memory_space<vmem>>, vector<16xi32>,
    tpu.vector_store_idx %arg7[%min3A_602, %rem3A_605, %mul3A_619], %broadcast_in_dim3A_13 masked %lt3A_596 : memref<2x20x1000xf32, #tpu.memory_space<vmem>>[vector<16xi32>, vector<16xi32>, vector<16xi32>], vector<16xf32>, vector<16xi1>
    %swap3A_624 = arith.constant 232 : index
    %swap3A_625 = tpu.vector_load %arg10[%swap3A_624] {strides = array<i32>} : memref<656xi32, #tpu.memory_space<vmem>>, vector<16xi32>,
    tpu.vector_store %arg10[%swap3A_624], %mul3A_616 {strides = array<i32>} : memref<656xi32, #tpu.memory_space<vmem>>, vector<16xi32>,
    %add3A_626 = arith.constant 10 : i32
    %add3A_627 = arith.addi %mul3A_2, %add3A_626 : i32
    %dma_start3A_628 = arith.constant 0 : i32
    %dma_start3A_629 = arith.constant 0 : i32
    %dma_start3A_630 = tpu.memref_slice %arg4[%add3A_627, %dma_start3A_628, %dma_start3A_629] : memref<1024x20x1000xf32, #tpu.memory_space<hbm>> -> memref<2x20x1000xf32, #tpu.memory_space<hbm>>
    %dma_start3A_631 = arith.constant 0 : i32
    %dma_start3A_632 = arith.constant 0 : i32
    %dma_start3A_633 = tpu.memref_slice %arg4[%add3A_627, %dma_start3A_631, %dma_start3A_632] : memref<1024x20x1000xf32, #tpu.memory_space<hbm>> -> memref<2x20x1000xf32, #tpu.memory_space<hbm>>
    tpu.enqueue_dma source(%arg7 : memref<2x20x1000xf32, #tpu.memory_space<vmem>>) target(%dma_start3A_633 : memref<2x20x1000xf32, #tpu.memory_space<hbm>>) target_semaphore(%arg12 : memref<!tpu.dma_semaphore, #tpu.memory_space<semaphore_mem>>)
    %dma_wait3A_634 = arith.constant 0 : i32
    %dma_wait3A_635 = arith.constant 0 : i32
    %dma_wait3A_636 = tpu.memref_slice %arg4[%add3A_520, %dma_wait3A_634, %dma_wait3A_635] : memref<1024x20x1000xf32, #tpu.memory_space<hbm>> -> memref<2x20x1000xf32, #tpu.memory_space<hbm>>
    %dma_wait3A_637 = arith.constant 0 : i32
    %dma_wait3A_638 = arith.constant 0 : i32
    %dma_wait3A_639 = tpu.memref_slice %arg4[%add3A_520, %dma_wait3A_637, %dma_wait3A_638] : memref<1024x20x1000xf32, #tpu.memory_space<hbm>> -> memref<2x20x1000xf32, #tpu.memory_space<hbm>>
    tpu.wait_dma2 semaphore(%arg11 : memref<!tpu.dma_semaphore, #tpu.memory_space<semaphore_mem>>) src(%arg6 : memref<2x20x1000xf32, #tpu.memory_space<vmem>>) dst(%dma_wait3A_639 : memref<2x20x1000xf32, #tpu.memory_space<hbm>>)
    tpu.vector_store_idx %arg6[%min3A_437, %rem3A_440, %mul3A_454], %broadcast_in_dim3A_5 masked %lt3A_431 : memref<2x20x1000xf32, #tpu.memory_space<vmem>>[vector<16xi32>, vector<16xi32>, vector<16xi32>], vector<16xf32>, vector<16xi1>
    tpu.vector_store_idx %arg6[%min3A_466, %rem3A_469, %mul3A_483], %broadcast_in_dim3A_5 masked %lt3A_460 : memref<2x20x1000xf32, #tpu.memory_space<vmem>>[vector<16xi32>, vector<16xi32>, vector<16xi32>], vector<16xf32>, vector<16xi1>
    tpu.vector_store_idx %arg6[%min3A_495, %rem3A_498, %mul3A_512], %broadcast_in_dim3A_5 masked %lt3A_489 : memref<2x20x1000xf32, #tpu.memory_space<vmem>>[vector<16xi32>, vector<16xi32>, vector<16xi32>], vector<16xf32>, vector<16xi1>
    %add3A_640 = arith.constant 0 : i32
    %add3A_641 = vector.broadcast %add3A_640 : i32 to vector<16xi32>
    %add3A_642 = arith.addi %iota3A, %add3A_641 : vector<16xi32>
    %lt3A_643 = arith.constant 40 : i32
    %lt3A_644 = vector.broadcast %lt3A_643 : i32 to vector<16xi32>
    %lt3A_645 = arith.cmpi slt, %add3A_642, %lt3A_644 : vector<16xi32>
    %div3A_646 = arith.constant 20 : i32
    %div3A_647 = vector.broadcast %div3A_646 : i32 to vector<16xi32>
    %div3A_648 = arith.divsi %add3A_642, %div3A_647 : vector<16xi32>
    %min3A_649 = arith.constant 1 : i32
    %min3A_650 = vector.broadcast %min3A_649 : i32 to vector<16xi32>
    %min3A_651 = arith.minsi %div3A_648, %min3A_650 : vector<16xi32>
    %rem3A_652 = arith.constant 20 : i32
    %rem3A_653 = vector.broadcast %rem3A_652 : i32 to vector<16xi32>
    %rem3A_654 = arith.remsi %add3A_642, %rem3A_653 : vector<16xi32>
    %add3A_655 = arith.constant 12 : i32
    %add3A_656 = vector.broadcast %add3A_655 : i32 to vector<16xi32>
    %add3A_657 = arith.addi %add3A_656, %min3A_651 : vector<16xi32>
    %add3A_658 = arith.constant 8 : i32
    %add3A_659 = vector.broadcast %add3A_658 : i32 to vector<16xi32>
    %add3A_660 = arith.addi %add3A_657, %add3A_659 : vector<16xi32>
    %gather3A_661 = tpu.vector_load_idx %arg9[%add3A_660] : memref<40xi32, #tpu.memory_space<vmem>>[vector<16xi32>], vector<16xi32>,
    %lt3A_662 = arith.cmpi slt, %rem3A_654, %gather3A_661 : vector<16xi32>
    %convert_element_type3A_663 = arith.extui %lt3A_662 : vector<16xi1> to vector<16xi32>
    %convert_element_type3A_664 = arith.extui %lt3A_645 : vector<16xi1> to vector<16xi32>
    %mul3A_665 = arith.muli %convert_element_type3A_663, %convert_element_type3A_664 : vector<16xi32>
    %get3A_666 = arith.constant 240 : index
    %get3A_667 = tpu.vector_load %arg8[%get3A_666] {strides = array<i32>} : memref<656xi32, #tpu.memory_space<vmem>>, vector<16xi32>,
    %mul3A_668 = arith.muli %get3A_667, %mul3A_665 : vector<16xi32>
    %add3A_669 = arith.constant 16 : i32
    %add3A_670 = vector.broadcast %add3A_669 : i32 to vector<16xi32>
    %add3A_671 = arith.addi %iota3A, %add3A_670 : vector<16xi32>
    %lt3A_672 = arith.constant 40 : i32
    %lt3A_673 = vector.broadcast %lt3A_672 : i32 to vector<16xi32>
    %lt3A_674 = arith.cmpi slt, %add3A_671, %lt3A_673 : vector<16xi32>
    %div3A_675 = arith.constant 20 : i32
    %div3A_676 = vector.broadcast %div3A_675 : i32 to vector<16xi32>
    %div3A_677 = arith.divsi %add3A_671, %div3A_676 : vector<16xi32>
    %min3A_678 = arith.constant 1 : i32
    %min3A_679 = vector.broadcast %min3A_678 : i32 to vector<16xi32>
    %min3A_680 = arith.minsi %div3A_677, %min3A_679 : vector<16xi32>
    %rem3A_681 = arith.constant 20 : i32
    %rem3A_682 = vector.broadcast %rem3A_681 : i32 to vector<16xi32>
    %rem3A_683 = arith.remsi %add3A_671, %rem3A_682 : vector<16xi32>
    %add3A_684 = arith.constant 12 : i32
    %add3A_685 = vector.broadcast %add3A_684 : i32 to vector<16xi32>
    %add3A_686 = arith.addi %add3A_685, %min3A_680 : vector<16xi32>
    %add3A_687 = arith.constant 8 : i32
    %add3A_688 = vector.broadcast %add3A_687 : i32 to vector<16xi32>
    %add3A_689 = arith.addi %add3A_686, %add3A_688 : vector<16xi32>
    %gather3A_690 = tpu.vector_load_idx %arg9[%add3A_689] : memref<40xi32, #tpu.memory_space<vmem>>[vector<16xi32>], vector<16xi32>,
    %lt3A_691 = arith.cmpi slt, %rem3A_683, %gather3A_690 : vector<16xi32>
    %convert_element_type3A_692 = arith.extui %lt3A_691 : vector<16xi1> to vector<16xi32>
    %convert_element_type3A_693 = arith.extui %lt3A_674 : vector<16xi1> to vector<16xi32>
    %mul3A_694 = arith.muli %convert_element_type3A_692, %convert_element_type3A_693 : vector<16xi32>
    %get3A_695 = arith.constant 256 : index
    %get3A_696 = tpu.vector_load %arg8[%get3A_695] {strides = array<i32>} : memref<656xi32, #tpu.memory_space<vmem>>, vector<16xi32>,
    %mul3A_697 = arith.muli %get3A_696, %mul3A_694 : vector<16xi32>
    %add3A_698 = arith.constant 32 : i32
    %add3A_699 = vector.broadcast %add3A_698 : i32 to vector<16xi32>
    %add3A_700 = arith.addi %iota3A, %add3A_699 : vector<16xi32>
    %lt3A_701 = arith.constant 40 : i32
    %lt3A_702 = vector.broadcast %lt3A_701 : i32 to vector<16xi32>
    %lt3A_703 = arith.cmpi slt, %add3A_700, %lt3A_702 : vector<16xi32>
    %div3A_704 = arith.constant 20 : i32
    %div3A_705 = vector.broadcast %div3A_704 : i32 to vector<16xi32>
    %div3A_706 = arith.divsi %add3A_700, %div3A_705 : vector<16xi32>
    %min3A_707 = arith.constant 1 : i32
    %min3A_708 = vector.broadcast %min3A_707 : i32 to vector<16xi32>
    %min3A_709 = arith.minsi %div3A_706, %min3A_708 : vector<16xi32>
    %rem3A_710 = arith.constant 20 : i32
    %rem3A_711 = vector.broadcast %rem3A_710 : i32 to vector<16xi32>
    %rem3A_712 = arith.remsi %add3A_700, %rem3A_711 : vector<16xi32>
    %add3A_713 = arith.constant 12 : i32
    %add3A_714 = vector.broadcast %add3A_713 : i32 to vector<16xi32>
    %add3A_715 = arith.addi %add3A_714, %min3A_709 : vector<16xi32>
    %add3A_716 = arith.constant 8 : i32
    %add3A_717 = vector.broadcast %add3A_716 : i32 to vector<16xi32>
    %add3A_718 = arith.addi %add3A_715, %add3A_717 : vector<16xi32>
    %gather3A_719 = tpu.vector_load_idx %arg9[%add3A_718] : memref<40xi32, #tpu.memory_space<vmem>>[vector<16xi32>], vector<16xi32>,
    %lt3A_720 = arith.cmpi slt, %rem3A_712, %gather3A_719 : vector<16xi32>
    %convert_element_type3A_721 = arith.extui %lt3A_720 : vector<16xi1> to vector<16xi32>
    %convert_element_type3A_722 = arith.extui %lt3A_703 : vector<16xi1> to vector<16xi32>
    %mul3A_723 = arith.muli %convert_element_type3A_721, %convert_element_type3A_722 : vector<16xi32>
    %get3A_724 = arith.constant 272 : index
    %get3A_725 = tpu.vector_load %arg8[%get3A_724] {strides = array<i32>} : memref<656xi32, #tpu.memory_space<vmem>>, vector<16xi32>,
    %mul3A_726 = arith.muli %get3A_725, %mul3A_723 : vector<16xi32>
    tpu.vector_store_idx %arg6[%min3A_651, %rem3A_654, %mul3A_668], %broadcast_in_dim3A_13 masked %lt3A_645 : memref<2x20x1000xf32, #tpu.memory_space<vmem>>[vector<16xi32>, vector<16xi32>, vector<16xi32>], vector<16xf32>, vector<16xi1>
    %swap3A_727 = arith.constant 240 : index
    %swap3A_728 = tpu.vector_load %arg10[%swap3A_727] {strides = array<i32>} : memref<656xi32, #tpu.memory_space<vmem>>, vector<16xi32>,
    tpu.vector_store %arg10[%swap3A_727], %mul3A_665 {strides = array<i32>} : memref<656xi32, #tpu.memory_space<vmem>>, vector<16xi32>,
    tpu.vector_store_idx %arg6[%min3A_680, %rem3A_683, %mul3A_697], %broadcast_in_dim3A_13 masked %lt3A_674 : memref<2x20x1000xf32, #tpu.memory_space<vmem>>[vector<16xi32>, vector<16xi32>, vector<16xi32>], vector<16xf32>, vector<16xi1>
    %swap3A_729 = arith.constant 256 : index
    %swap3A_730 = tpu.vector_load %arg10[%swap3A_729] {strides = array<i32>} : memref<656xi32, #tpu.memory_space<vmem>>, vector<16xi32>,
    tpu.vector_store %arg10[%swap3A_729], %mul3A_694 {strides = array<i32>} : memref<656xi32, #tpu.memory_space<vmem>>, vector<16xi32>,
    tpu.vector_store_idx %arg6[%min3A_709, %rem3A_712, %mul3A_726], %broadcast_in_dim3A_13 masked %lt3A_703 : memref<2x20x1000xf32, #tpu.memory_space<vmem>>[vector<16xi32>, vector<16xi32>, vector<16xi32>], vector<16xf32>, vector<16xi1>
    %swap3A_731 = arith.constant 272 : index
    %swap3A_732 = tpu.vector_load %arg10[%swap3A_731] {strides = array<i32>} : memref<656xi32, #tpu.memory_space<vmem>>, vector<16xi32>,
    tpu.vector_store %arg10[%swap3A_731], %mul3A_723 {strides = array<i32>} : memref<656xi32, #tpu.memory_space<vmem>>, vector<16xi32>,
    %add3A_733 = arith.constant 12 : i32
    %add3A_734 = arith.addi %mul3A_2, %add3A_733 : i32
    %dma_start3A_735 = arith.constant 0 : i32
    %dma_start3A_736 = arith.constant 0 : i32
    %dma_start3A_737 = tpu.memref_slice %arg4[%add3A_734, %dma_start3A_735, %dma_start3A_736] : memref<1024x20x1000xf32, #tpu.memory_space<hbm>> -> memref<2x20x1000xf32, #tpu.memory_space<hbm>>
    %dma_start3A_738 = arith.constant 0 : i32
    %dma_start3A_739 = arith.constant 0 : i32
    %dma_start3A_740 = tpu.memref_slice %arg4[%add3A_734, %dma_start3A_738, %dma_start3A_739] : memref<1024x20x1000xf32, #tpu.memory_space<hbm>> -> memref<2x20x1000xf32, #tpu.memory_space<hbm>>
    tpu.enqueue_dma source(%arg6 : memref<2x20x1000xf32, #tpu.memory_space<vmem>>) target(%dma_start3A_740 : memref<2x20x1000xf32, #tpu.memory_space<hbm>>) target_semaphore(%arg11 : memref<!tpu.dma_semaphore, #tpu.memory_space<semaphore_mem>>)
    %dma_wait3A_741 = arith.constant 0 : i32
    %dma_wait3A_742 = arith.constant 0 : i32
    %dma_wait3A_743 = tpu.memref_slice %arg4[%add3A_627, %dma_wait3A_741, %dma_wait3A_742] : memref<1024x20x1000xf32, #tpu.memory_space<hbm>> -> memref<2x20x1000xf32, #tpu.memory_space<hbm>>
    %dma_wait3A_744 = arith.constant 0 : i32
    %dma_wait3A_745 = arith.constant 0 : i32
    %dma_wait3A_746 = tpu.memref_slice %arg4[%add3A_627, %dma_wait3A_744, %dma_wait3A_745] : memref<1024x20x1000xf32, #tpu.memory_space<hbm>> -> memref<2x20x1000xf32, #tpu.memory_space<hbm>>
    tpu.wait_dma2 semaphore(%arg12 : memref<!tpu.dma_semaphore, #tpu.memory_space<semaphore_mem>>) src(%arg7 : memref<2x20x1000xf32, #tpu.memory_space<vmem>>) dst(%dma_wait3A_746 : memref<2x20x1000xf32, #tpu.memory_space<hbm>>)
    tpu.vector_store_idx %arg7[%min3A_544, %rem3A_547, %mul3A_561], %broadcast_in_dim3A_5 masked %lt3A_538 : memref<2x20x1000xf32, #tpu.memory_space<vmem>>[vector<16xi32>, vector<16xi32>, vector<16xi32>], vector<16xf32>, vector<16xi1>
    tpu.vector_store_idx %arg7[%min3A_573, %rem3A_576, %mul3A_590], %broadcast_in_dim3A_5 masked %lt3A_567 : memref<2x20x1000xf32, #tpu.memory_space<vmem>>[vector<16xi32>, vector<16xi32>, vector<16xi32>], vector<16xf32>, vector<16xi1>
    tpu.vector_store_idx %arg7[%min3A_602, %rem3A_605, %mul3A_619], %broadcast_in_dim3A_5 masked %lt3A_596 : memref<2x20x1000xf32, #tpu.memory_space<vmem>>[vector<16xi32>, vector<16xi32>, vector<16xi32>], vector<16xf32>, vector<16xi1>
    %add3A_747 = arith.constant 0 : i32
    %add3A_748 = vector.broadcast %add3A_747 : i32 to vector<16xi32>
    %add3A_749 = arith.addi %iota3A, %add3A_748 : vector<16xi32>
    %lt3A_750 = arith.constant 40 : i32
    %lt3A_751 = vector.broadcast %lt3A_750 : i32 to vector<16xi32>
    %lt3A_752 = arith.cmpi slt, %add3A_749, %lt3A_751 : vector<16xi32>
    %div3A_753 = arith.constant 20 : i32
    %div3A_754 = vector.broadcast %div3A_753 : i32 to vector<16xi32>
    %div3A_755 = arith.divsi %add3A_749, %div3A_754 : vector<16xi32>
    %min3A_756 = arith.constant 1 : i32
    %min3A_757 = vector.broadcast %min3A_756 : i32 to vector<16xi32>
    %min3A_758 = arith.minsi %div3A_755, %min3A_757 : vector<16xi32>
    %rem3A_759 = arith.constant 20 : i32
    %rem3A_760 = vector.broadcast %rem3A_759 : i32 to vector<16xi32>
    %rem3A_761 = arith.remsi %add3A_749, %rem3A_760 : vector<16xi32>
    %add3A_762 = arith.constant 14 : i32
    %add3A_763 = vector.broadcast %add3A_762 : i32 to vector<16xi32>
    %add3A_764 = arith.addi %add3A_763, %min3A_758 : vector<16xi32>
    %add3A_765 = arith.constant 8 : i32
    %add3A_766 = vector.broadcast %add3A_765 : i32 to vector<16xi32>
    %add3A_767 = arith.addi %add3A_764, %add3A_766 : vector<16xi32>
    %gather3A_768 = tpu.vector_load_idx %arg9[%add3A_767] : memref<40xi32, #tpu.memory_space<vmem>>[vector<16xi32>], vector<16xi32>,
    %lt3A_769 = arith.cmpi slt, %rem3A_761, %gather3A_768 : vector<16xi32>
    %convert_element_type3A_770 = arith.extui %lt3A_769 : vector<16xi1> to vector<16xi32>
    %convert_element_type3A_771 = arith.extui %lt3A_752 : vector<16xi1> to vector<16xi32>
    %mul3A_772 = arith.muli %convert_element_type3A_770, %convert_element_type3A_771 : vector<16xi32>
    %get3A_773 = arith.constant 280 : index
    %get3A_774 = tpu.vector_load %arg8[%get3A_773] {strides = array<i32>} : memref<656xi32, #tpu.memory_space<vmem>>, vector<16xi32>,
    %mul3A_775 = arith.muli %get3A_774, %mul3A_772 : vector<16xi32>
    %add3A_776 = arith.constant 16 : i32
    %add3A_777 = vector.broadcast %add3A_776 : i32 to vector<16xi32>
    %add3A_778 = arith.addi %iota3A, %add3A_777 : vector<16xi32>
    %lt3A_779 = arith.constant 40 : i32
    %lt3A_780 = vector.broadcast %lt3A_779 : i32 to vector<16xi32>
    %lt3A_781 = arith.cmpi slt, %add3A_778, %lt3A_780 : vector<16xi32>
    %div3A_782 = arith.constant 20 : i32
    %div3A_783 = vector.broadcast %div3A_782 : i32 to vector<16xi32>
    %div3A_784 = arith.divsi %add3A_778, %div3A_783 : vector<16xi32>
    %min3A_785 = arith.constant 1 : i32
    %min3A_786 = vector.broadcast %min3A_785 : i32 to vector<16xi32>
    %min3A_787 = arith.minsi %div3A_784, %min3A_786 : vector<16xi32>
    %rem3A_788 = arith.constant 20 : i32
    %rem3A_789 = vector.broadcast %rem3A_788 : i32 to vector<16xi32>
    %rem3A_790 = arith.remsi %add3A_778, %rem3A_789 : vector<16xi32>
    %add3A_791 = arith.constant 14 : i32
    %add3A_792 = vector.broadcast %add3A_791 : i32 to vector<16xi32>
    %add3A_793 = arith.addi %add3A_792, %min3A_787 : vector<16xi32>
    %add3A_794 = arith.constant 8 : i32
    %add3A_795 = vector.broadcast %add3A_794 : i32 to vector<16xi32>
    %add3A_796 = arith.addi %add3A_793, %add3A_795 : vector<16xi32>
    %gather3A_797 = tpu.vector_load_idx %arg9[%add3A_796] : memref<40xi32, #tpu.memory_space<vmem>>[vector<16xi32>], vector<16xi32>,
    %lt3A_798 = arith.cmpi slt, %rem3A_790, %gather3A_797 : vector<16xi32>
    %convert_element_type3A_799 = arith.extui %lt3A_798 : vector<16xi1> to vector<16xi32>
    %convert_element_type3A_800 = arith.extui %lt3A_781 : vector<16xi1> to vector<16xi32>
    %mul3A_801 = arith.muli %convert_element_type3A_799, %convert_element_type3A_800 : vector<16xi32>
    %get3A_802 = arith.constant 296 : index
    %get3A_803 = tpu.vector_load %arg8[%get3A_802] {strides = array<i32>} : memref<656xi32, #tpu.memory_space<vmem>>, vector<16xi32>,
    %mul3A_804 = arith.muli %get3A_803, %mul3A_801 : vector<16xi32>
    %add3A_805 = arith.constant 32 : i32
    %add3A_806 = vector.broadcast %add3A_805 : i32 to vector<16xi32>
    %add3A_807 = arith.addi %iota3A, %add3A_806 : vector<16xi32>
    %lt3A_808 = arith.constant 40 : i32
    %lt3A_809 = vector.broadcast %lt3A_808 : i32 to vector<16xi32>
    %lt3A_810 = arith.cmpi slt, %add3A_807, %lt3A_809 : vector<16xi32>
    %div3A_811 = arith.constant 20 : i32
    %div3A_812 = vector.broadcast %div3A_811 : i32 to vector<16xi32>
    %div3A_813 = arith.divsi %add3A_807, %div3A_812 : vector<16xi32>
    %min3A_814 = arith.constant 1 : i32
    %min3A_815 = vector.broadcast %min3A_814 : i32 to vector<16xi32>
    %min3A_816 = arith.minsi %div3A_813, %min3A_815 : vector<16xi32>
    %rem3A_817 = arith.constant 20 : i32
    %rem3A_818 = vector.broadcast %rem3A_817 : i32 to vector<16xi32>
    %rem3A_819 = arith.remsi %add3A_807, %rem3A_818 : vector<16xi32>
    %add3A_820 = arith.constant 14 : i32
    %add3A_821 = vector.broadcast %add3A_820 : i32 to vector<16xi32>
    %add3A_822 = arith.addi %add3A_821, %min3A_816 : vector<16xi32>
    %add3A_823 = arith.constant 8 : i32
    %add3A_824 = vector.broadcast %add3A_823 : i32 to vector<16xi32>
    %add3A_825 = arith.addi %add3A_822, %add3A_824 : vector<16xi32>
    %gather3A_826 = tpu.vector_load_idx %arg9[%add3A_825] : memref<40xi32, #tpu.memory_space<vmem>>[vector<16xi32>], vector<16xi32>,
    %lt3A_827 = arith.cmpi slt, %rem3A_819, %gather3A_826 : vector<16xi32>
    %convert_element_type3A_828 = arith.extui %lt3A_827 : vector<16xi1> to vector<16xi32>
    %convert_element_type3A_829 = arith.extui %lt3A_810 : vector<16xi1> to vector<16xi32>
    %mul3A_830 = arith.muli %convert_element_type3A_828, %convert_element_type3A_829 : vector<16xi32>
    %get3A_831 = arith.constant 312 : index
    %get3A_832 = tpu.vector_load %arg8[%get3A_831] {strides = array<i32>} : memref<656xi32, #tpu.memory_space<vmem>>, vector<16xi32>,
    %mul3A_833 = arith.muli %get3A_832, %mul3A_830 : vector<16xi32>
    tpu.vector_store_idx %arg7[%min3A_758, %rem3A_761, %mul3A_775], %broadcast_in_dim3A_13 masked %lt3A_752 : memref<2x20x1000xf32, #tpu.memory_space<vmem>>[vector<16xi32>, vector<16xi32>, vector<16xi32>], vector<16xf32>, vector<16xi1>
    %swap3A_834 = arith.constant 280 : index
    %swap3A_835 = tpu.vector_load %arg10[%swap3A_834] {strides = array<i32>} : memref<656xi32, #tpu.memory_space<vmem>>, vector<16xi32>,
    tpu.vector_store %arg10[%swap3A_834], %mul3A_772 {strides = array<i32>} : memref<656xi32, #tpu.memory_space<vmem>>, vector<16xi32>,
    tpu.vector_store_idx %arg7[%min3A_787, %rem3A_790, %mul3A_804], %broadcast_in_dim3A_13 masked %lt3A_781 : memref<2x20x1000xf32, #tpu.memory_space<vmem>>[vector<16xi32>, vector<16xi32>, vector<16xi32>], vector<16xf32>, vector<16xi1>
    %swap3A_836 = arith.constant 296 : index
    %swap3A_837 = tpu.vector_load %arg10[%swap3A_836] {strides = array<i32>} : memref<656xi32, #tpu.memory_space<vmem>>, vector<16xi32>,
    tpu.vector_store %arg10[%swap3A_836], %mul3A_801 {strides = array<i32>} : memref<656xi32, #tpu.memory_space<vmem>>, vector<16xi32>,
    tpu.vector_store_idx %arg7[%min3A_816, %rem3A_819, %mul3A_833], %broadcast_in_dim3A_13 masked %lt3A_810 : memref<2x20x1000xf32, #tpu.memory_space<vmem>>[vector<16xi32>, vector<16xi32>, vector<16xi32>], vector<16xf32>, vector<16xi1>
    %swap3A_838 = arith.constant 312 : index
    %swap3A_839 = tpu.vector_load %arg10[%swap3A_838] {strides = array<i32>} : memref<656xi32, #tpu.memory_space<vmem>>, vector<16xi32>,
    tpu.vector_store %arg10[%swap3A_838], %mul3A_830 {strides = array<i32>} : memref<656xi32, #tpu.memory_space<vmem>>, vector<16xi32>,
    %add3A_840 = arith.constant 14 : i32
    %add3A_841 = arith.addi %mul3A_2, %add3A_840 : i32
    %dma_start3A_842 = arith.constant 0 : i32
    %dma_start3A_843 = arith.constant 0 : i32
    %dma_start3A_844 = tpu.memref_slice %arg4[%add3A_841, %dma_start3A_842, %dma_start3A_843] : memref<1024x20x1000xf32, #tpu.memory_space<hbm>> -> memref<2x20x1000xf32, #tpu.memory_space<hbm>>
    %dma_start3A_845 = arith.constant 0 : i32
    %dma_start3A_846 = arith.constant 0 : i32
    %dma_start3A_847 = tpu.memref_slice %arg4[%add3A_841, %dma_start3A_845, %dma_start3A_846] : memref<1024x20x1000xf32, #tpu.memory_space<hbm>> -> memref<2x20x1000xf32, #tpu.memory_space<hbm>>
    tpu.enqueue_dma source(%arg7 : memref<2x20x1000xf32, #tpu.memory_space<vmem>>) target(%dma_start3A_847 : memref<2x20x1000xf32, #tpu.memory_space<hbm>>) target_semaphore(%arg12 : memref<!tpu.dma_semaphore, #tpu.memory_space<semaphore_mem>>)
    %dma_wait3A_848 = arith.constant 0 : i32
    %dma_wait3A_849 = arith.constant 0 : i32
    %dma_wait3A_850 = tpu.memref_slice %arg4[%add3A_734, %dma_wait3A_848, %dma_wait3A_849] : memref<1024x20x1000xf32, #tpu.memory_space<hbm>> -> memref<2x20x1000xf32, #tpu.memory_space<hbm>>
    %dma_wait3A_851 = arith.constant 0 : i32
    %dma_wait3A_852 = arith.constant 0 : i32
    %dma_wait3A_853 = tpu.memref_slice %arg4[%add3A_734, %dma_wait3A_851, %dma_wait3A_852] : memref<1024x20x1000xf32, #tpu.memory_space<hbm>> -> memref<2x20x1000xf32, #tpu.memory_space<hbm>>
    tpu.wait_dma2 semaphore(%arg11 : memref<!tpu.dma_semaphore, #tpu.memory_space<semaphore_mem>>) src(%arg6 : memref<2x20x1000xf32, #tpu.memory_space<vmem>>) dst(%dma_wait3A_853 : memref<2x20x1000xf32, #tpu.memory_space<hbm>>)
    tpu.vector_store_idx %arg6[%min3A_651, %rem3A_654, %mul3A_668], %broadcast_in_dim3A_5 masked %lt3A_645 : memref<2x20x1000xf32, #tpu.memory_space<vmem>>[vector<16xi32>, vector<16xi32>, vector<16xi32>], vector<16xf32>, vector<16xi1>
    tpu.vector_store_idx %arg6[%min3A_680, %rem3A_683, %mul3A_697], %broadcast_in_dim3A_5 masked %lt3A_674 : memref<2x20x1000xf32, #tpu.memory_space<vmem>>[vector<16xi32>, vector<16xi32>, vector<16xi32>], vector<16xf32>, vector<16xi1>
    tpu.vector_store_idx %arg6[%min3A_709, %rem3A_712, %mul3A_726], %broadcast_in_dim3A_5 masked %lt3A_703 : memref<2x20x1000xf32, #tpu.memory_space<vmem>>[vector<16xi32>, vector<16xi32>, vector<16xi32>], vector<16xf32>, vector<16xi1>
    %add3A_854 = arith.constant 0 : i32
    %add3A_855 = vector.broadcast %add3A_854 : i32 to vector<16xi32>
    %add3A_856 = arith.addi %iota3A, %add3A_855 : vector<16xi32>
    %lt3A_857 = arith.constant 40 : i32
    %lt3A_858 = vector.broadcast %lt3A_857 : i32 to vector<16xi32>
    %lt3A_859 = arith.cmpi slt, %add3A_856, %lt3A_858 : vector<16xi32>
    %div3A_860 = arith.constant 20 : i32
    %div3A_861 = vector.broadcast %div3A_860 : i32 to vector<16xi32>
    %div3A_862 = arith.divsi %add3A_856, %div3A_861 : vector<16xi32>
    %min3A_863 = arith.constant 1 : i32
    %min3A_864 = vector.broadcast %min3A_863 : i32 to vector<16xi32>
    %min3A_865 = arith.minsi %div3A_862, %min3A_864 : vector<16xi32>
    %rem3A_866 = arith.constant 20 : i32
    %rem3A_867 = vector.broadcast %rem3A_866 : i32 to vector<16xi32>
    %rem3A_868 = arith.remsi %add3A_856, %rem3A_867 : vector<16xi32>
    %add3A_869 = arith.constant 16 : i32
    %add3A_870 = vector.broadcast %add3A_869 : i32 to vector<16xi32>
    %add3A_871 = arith.addi %add3A_870, %min3A_865 : vector<16xi32>
    %add3A_872 = arith.constant 8 : i32
    %add3A_873 = vector.broadcast %add3A_872 : i32 to vector<16xi32>
    %add3A_874 = arith.addi %add3A_871, %add3A_873 : vector<16xi32>
    %gather3A_875 = tpu.vector_load_idx %arg9[%add3A_874] : memref<40xi32, #tpu.memory_space<vmem>>[vector<16xi32>], vector<16xi32>,
    %lt3A_876 = arith.cmpi slt, %rem3A_868, %gather3A_875 : vector<16xi32>
    %convert_element_type3A_877 = arith.extui %lt3A_876 : vector<16xi1> to vector<16xi32>
    %convert_element_type3A_878 = arith.extui %lt3A_859 : vector<16xi1> to vector<16xi32>
    %mul3A_879 = arith.muli %convert_element_type3A_877, %convert_element_type3A_878 : vector<16xi32>
    %get3A_880 = arith.constant 320 : index
    %get3A_881 = tpu.vector_load %arg8[%get3A_880] {strides = array<i32>} : memref<656xi32, #tpu.memory_space<vmem>>, vector<16xi32>,
    %mul3A_882 = arith.muli %get3A_881, %mul3A_879 : vector<16xi32>
    %add3A_883 = arith.constant 16 : i32
    %add3A_884 = vector.broadcast %add3A_883 : i32 to vector<16xi32>
    %add3A_885 = arith.addi %iota3A, %add3A_884 : vector<16xi32>
    %lt3A_886 = arith.constant 40 : i32
    %lt3A_887 = vector.broadcast %lt3A_886 : i32 to vector<16xi32>
    %lt3A_888 = arith.cmpi slt, %add3A_885, %lt3A_887 : vector<16xi32>
    %div3A_889 = arith.constant 20 : i32
    %div3A_890 = vector.broadcast %div3A_889 : i32 to vector<16xi32>
    %div3A_891 = arith.divsi %add3A_885, %div3A_890 : vector<16xi32>
    %min3A_892 = arith.constant 1 : i32
    %min3A_893 = vector.broadcast %min3A_892 : i32 to vector<16xi32>
    %min3A_894 = arith.minsi %div3A_891, %min3A_893 : vector<16xi32>
    %rem3A_895 = arith.constant 20 : i32
    %rem3A_896 = vector.broadcast %rem3A_895 : i32 to vector<16xi32>
    %rem3A_897 = arith.remsi %add3A_885, %rem3A_896 : vector<16xi32>
    %add3A_898 = arith.constant 16 : i32
    %add3A_899 = vector.broadcast %add3A_898 : i32 to vector<16xi32>
    %add3A_900 = arith.addi %add3A_899, %min3A_894 : vector<16xi32>
    %add3A_901 = arith.constant 8 : i32
    %add3A_902 = vector.broadcast %add3A_901 : i32 to vector<16xi32>
    %add3A_903 = arith.addi %add3A_900, %add3A_902 : vector<16xi32>
    %gather3A_904 = tpu.vector_load_idx %arg9[%add3A_903] : memref<40xi32, #tpu.memory_space<vmem>>[vector<16xi32>], vector<16xi32>,
    %lt3A_905 = arith.cmpi slt, %rem3A_897, %gather3A_904 : vector<16xi32>
    %convert_element_type3A_906 = arith.extui %lt3A_905 : vector<16xi1> to vector<16xi32>
    %convert_element_type3A_907 = arith.extui %lt3A_888 : vector<16xi1> to vector<16xi32>
    %mul3A_908 = arith.muli %convert_element_type3A_906, %convert_element_type3A_907 : vector<16xi32>
    %get3A_909 = arith.constant 336 : index
    %get3A_910 = tpu.vector_load %arg8[%get3A_909] {strides = array<i32>} : memref<656xi32, #tpu.memory_space<vmem>>, vector<16xi32>,
    %mul3A_911 = arith.muli %get3A_910, %mul3A_908 : vector<16xi32>
    %add3A_912 = arith.constant 32 : i32
    %add3A_913 = vector.broadcast %add3A_912 : i32 to vector<16xi32>
    %add3A_914 = arith.addi %iota3A, %add3A_913 : vector<16xi32>
    %lt3A_915 = arith.constant 40 : i32
    %lt3A_916 = vector.broadcast %lt3A_915 : i32 to vector<16xi32>
    %lt3A_917 = arith.cmpi slt, %add3A_914, %lt3A_916 : vector<16xi32>
    %div3A_918 = arith.constant 20 : i32
    %div3A_919 = vector.broadcast %div3A_918 : i32 to vector<16xi32>
    %div3A_920 = arith.divsi %add3A_914, %div3A_919 : vector<16xi32>
    %min3A_921 = arith.constant 1 : i32
    %min3A_922 = vector.broadcast %min3A_921 : i32 to vector<16xi32>
    %min3A_923 = arith.minsi %div3A_920, %min3A_922 : vector<16xi32>
    %rem3A_924 = arith.constant 20 : i32
    %rem3A_925 = vector.broadcast %rem3A_924 : i32 to vector<16xi32>
    %rem3A_926 = arith.remsi %add3A_914, %rem3A_925 : vector<16xi32>
    %add3A_927 = arith.constant 16 : i32
    %add3A_928 = vector.broadcast %add3A_927 : i32 to vector<16xi32>
    %add3A_929 = arith.addi %add3A_928, %min3A_923 : vector<16xi32>
    %add3A_930 = arith.constant 8 : i32
    %add3A_931 = vector.broadcast %add3A_930 : i32 to vector<16xi32>
    %add3A_932 = arith.addi %add3A_929, %add3A_931 : vector<16xi32>
    %gather3A_933 = tpu.vector_load_idx %arg9[%add3A_932] : memref<40xi32, #tpu.memory_space<vmem>>[vector<16xi32>], vector<16xi32>,
    %lt3A_934 = arith.cmpi slt, %rem3A_926, %gather3A_933 : vector<16xi32>
    %convert_element_type3A_935 = arith.extui %lt3A_934 : vector<16xi1> to vector<16xi32>
    %convert_element_type3A_936 = arith.extui %lt3A_917 : vector<16xi1> to vector<16xi32>
    %mul3A_937 = arith.muli %convert_element_type3A_935, %convert_element_type3A_936 : vector<16xi32>
    %get3A_938 = arith.constant 352 : index
    %get3A_939 = tpu.vector_load %arg8[%get3A_938] {strides = array<i32>} : memref<656xi32, #tpu.memory_space<vmem>>, vector<16xi32>,
    %mul3A_940 = arith.muli %get3A_939, %mul3A_937 : vector<16xi32>
    tpu.vector_store_idx %arg6[%min3A_865, %rem3A_868, %mul3A_882], %broadcast_in_dim3A_13 masked %lt3A_859 : memref<2x20x1000xf32, #tpu.memory_space<vmem>>[vector<16xi32>, vector<16xi32>, vector<16xi32>], vector<16xf32>, vector<16xi1>
    %swap3A_941 = arith.constant 320 : index
    %swap3A_942 = tpu.vector_load %arg10[%swap3A_941] {strides = array<i32>} : memref<656xi32, #tpu.memory_space<vmem>>, vector<16xi32>,
    tpu.vector_store %arg10[%swap3A_941], %mul3A_879 {strides = array<i32>} : memref<656xi32, #tpu.memory_space<vmem>>, vector<16xi32>,
    tpu.vector_store_idx %arg6[%min3A_894, %rem3A_897, %mul3A_911], %broadcast_in_dim3A_13 masked %lt3A_888 : memref<2x20x1000xf32, #tpu.memory_space<vmem>>[vector<16xi32>, vector<16xi32>, vector<16xi32>], vector<16xf32>, vector<16xi1>
    %swap3A_943 = arith.constant 336 : index
    %swap3A_944 = tpu.vector_load %arg10[%swap3A_943] {strides = array<i32>} : memref<656xi32, #tpu.memory_space<vmem>>, vector<16xi32>,
    tpu.vector_store %arg10[%swap3A_943], %mul3A_908 {strides = array<i32>} : memref<656xi32, #tpu.memory_space<vmem>>, vector<16xi32>,
    tpu.vector_store_idx %arg6[%min3A_923, %rem3A_926, %mul3A_940], %broadcast_in_dim3A_13 masked %lt3A_917 : memref<2x20x1000xf32, #tpu.memory_space<vmem>>[vector<16xi32>, vector<16xi32>, vector<16xi32>], vector<16xf32>, vector<16xi1>
    %swap3A_945 = arith.constant 352 : index
    %swap3A_946 = tpu.vector_load %arg10[%swap3A_945] {strides = array<i32>} : memref<656xi32, #tpu.memory_space<vmem>>, vector<16xi32>,
    tpu.vector_store %arg10[%swap3A_945], %mul3A_937 {strides = array<i32>} : memref<656xi32, #tpu.memory_space<vmem>>, vector<16xi32>,
    %add3A_947 = arith.constant 16 : i32
    %add3A_948 = arith.addi %mul3A_2, %add3A_947 : i32
    %dma_start3A_949 = arith.constant 0 : i32
    %dma_start3A_950 = arith.constant 0 : i32
    %dma_start3A_951 = tpu.memref_slice %arg4[%add3A_948, %dma_start3A_949, %dma_start3A_950] : memref<1024x20x1000xf32, #tpu.memory_space<hbm>> -> memref<2x20x1000xf32, #tpu.memory_space<hbm>>
    %dma_start3A_952 = arith.constant 0 : i32
    %dma_start3A_953 = arith.constant 0 : i32
    %dma_start3A_954 = tpu.memref_slice %arg4[%add3A_948, %dma_start3A_952, %dma_start3A_953] : memref<1024x20x1000xf32, #tpu.memory_space<hbm>> -> memref<2x20x1000xf32, #tpu.memory_space<hbm>>
    tpu.enqueue_dma source(%arg6 : memref<2x20x1000xf32, #tpu.memory_space<vmem>>) target(%dma_start3A_954 : memref<2x20x1000xf32, #tpu.memory_space<hbm>>) target_semaphore(%arg11 : memref<!tpu.dma_semaphore, #tpu.memory_space<semaphore_mem>>)
    %dma_wait3A_955 = arith.constant 0 : i32
    %dma_wait3A_956 = arith.constant 0 : i32
    %dma_wait3A_957 = tpu.memref_slice %arg4[%add3A_841, %dma_wait3A_955, %dma_wait3A_956] : memref<1024x20x1000xf32, #tpu.memory_space<hbm>> -> memref<2x20x1000xf32, #tpu.memory_space<hbm>>
    %dma_wait3A_958 = arith.constant 0 : i32
    %dma_wait3A_959 = arith.constant 0 : i32
    %dma_wait3A_960 = tpu.memref_slice %arg4[%add3A_841, %dma_wait3A_958, %dma_wait3A_959] : memref<1024x20x1000xf32, #tpu.memory_space<hbm>> -> memref<2x20x1000xf32, #tpu.memory_space<hbm>>
    tpu.wait_dma2 semaphore(%arg12 : memref<!tpu.dma_semaphore, #tpu.memory_space<semaphore_mem>>) src(%arg7 : memref<2x20x1000xf32, #tpu.memory_space<vmem>>) dst(%dma_wait3A_960 : memref<2x20x1000xf32, #tpu.memory_space<hbm>>)
    tpu.vector_store_idx %arg7[%min3A_758, %rem3A_761, %mul3A_775], %broadcast_in_dim3A_5 masked %lt3A_752 : memref<2x20x1000xf32, #tpu.memory_space<vmem>>[vector<16xi32>, vector<16xi32>, vector<16xi32>], vector<16xf32>, vector<16xi1>
    tpu.vector_store_idx %arg7[%min3A_787, %rem3A_790, %mul3A_804], %broadcast_in_dim3A_5 masked %lt3A_781 : memref<2x20x1000xf32, #tpu.memory_space<vmem>>[vector<16xi32>, vector<16xi32>, vector<16xi32>], vector<16xf32>, vector<16xi1>
    tpu.vector_store_idx %arg7[%min3A_816, %rem3A_819, %mul3A_833], %broadcast_in_dim3A_5 masked %lt3A_810 : memref<2x20x1000xf32, #tpu.memory_space<vmem>>[vector<16xi32>, vector<16xi32>, vector<16xi32>], vector<16xf32>, vector<16xi1>
    %add3A_961 = arith.constant 0 : i32
    %add3A_962 = vector.broadcast %add3A_961 : i32 to vector<16xi32>
    %add3A_963 = arith.addi %iota3A, %add3A_962 : vector<16xi32>
    %lt3A_964 = arith.constant 40 : i32
    %lt3A_965 = vector.broadcast %lt3A_964 : i32 to vector<16xi32>
    %lt3A_966 = arith.cmpi slt, %add3A_963, %lt3A_965 : vector<16xi32>
    %div3A_967 = arith.constant 20 : i32
    %div3A_968 = vector.broadcast %div3A_967 : i32 to vector<16xi32>
    %div3A_969 = arith.divsi %add3A_963, %div3A_968 : vector<16xi32>
    %min3A_970 = arith.constant 1 : i32
    %min3A_971 = vector.broadcast %min3A_970 : i32 to vector<16xi32>
    %min3A_972 = arith.minsi %div3A_969, %min3A_971 : vector<16xi32>
    %rem3A_973 = arith.constant 20 : i32
    %rem3A_974 = vector.broadcast %rem3A_973 : i32 to vector<16xi32>
    %rem3A_975 = arith.remsi %add3A_963, %rem3A_974 : vector<16xi32>
    %add3A_976 = arith.constant 18 : i32
    %add3A_977 = vector.broadcast %add3A_976 : i32 to vector<16xi32>
    %add3A_978 = arith.addi %add3A_977, %min3A_972 : vector<16xi32>
    %add3A_979 = arith.constant 8 : i32
    %add3A_980 = vector.broadcast %add3A_979 : i32 to vector<16xi32>
    %add3A_981 = arith.addi %add3A_978, %add3A_980 : vector<16xi32>
    %gather3A_982 = tpu.vector_load_idx %arg9[%add3A_981] : memref<40xi32, #tpu.memory_space<vmem>>[vector<16xi32>], vector<16xi32>,
    %lt3A_983 = arith.cmpi slt, %rem3A_975, %gather3A_982 : vector<16xi32>
    %convert_element_type3A_984 = arith.extui %lt3A_983 : vector<16xi1> to vector<16xi32>
    %convert_element_type3A_985 = arith.extui %lt3A_966 : vector<16xi1> to vector<16xi32>
    %mul3A_986 = arith.muli %convert_element_type3A_984, %convert_element_type3A_985 : vector<16xi32>
    %get3A_987 = arith.constant 360 : index
    %get3A_988 = tpu.vector_load %arg8[%get3A_987] {strides = array<i32>} : memref<656xi32, #tpu.memory_space<vmem>>, vector<16xi32>,
    %mul3A_989 = arith.muli %get3A_988, %mul3A_986 : vector<16xi32>
    %add3A_990 = arith.constant 16 : i32
    %add3A_991 = vector.broadcast %add3A_990 : i32 to vector<16xi32>
    %add3A_992 = arith.addi %iota3A, %add3A_991 : vector<16xi32>
    %lt3A_993 = arith.constant 40 : i32
    %lt3A_994 = vector.broadcast %lt3A_993 : i32 to vector<16xi32>
    %lt3A_995 = arith.cmpi slt, %add3A_992, %lt3A_994 : vector<16xi32>
    %div3A_996 = arith.constant 20 : i32
    %div3A_997 = vector.broadcast %div3A_996 : i32 to vector<16xi32>
    %div3A_998 = arith.divsi %add3A_992, %div3A_997 : vector<16xi32>
    %min3A_999 = arith.constant 1 : i32
    %min3A_1000 = vector.broadcast %min3A_999 : i32 to vector<16xi32>
    %min3A_1001 = arith.minsi %div3A_998, %min3A_1000 : vector<16xi32>
    %rem3A_1002 = arith.constant 20 : i32
    %rem3A_1003 = vector.broadcast %rem3A_1002 : i32 to vector<16xi32>
    %rem3A_1004 = arith.remsi %add3A_992, %rem3A_1003 : vector<16xi32>
    %add3A_1005 = arith.constant 18 : i32
    %add3A_1006 = vector.broadcast %add3A_1005 : i32 to vector<16xi32>
    %add3A_1007 = arith.addi %add3A_1006, %min3A_1001 : vector<16xi32>
    %add3A_1008 = arith.constant 8 : i32
    %add3A_1009 = vector.broadcast %add3A_1008 : i32 to vector<16xi32>
    %add3A_1010 = arith.addi %add3A_1007, %add3A_1009 : vector<16xi32>
    %gather3A_1011 = tpu.vector_load_idx %arg9[%add3A_1010] : memref<40xi32, #tpu.memory_space<vmem>>[vector<16xi32>], vector<16xi32>,
    %lt3A_1012 = arith.cmpi slt, %rem3A_1004, %gather3A_1011 : vector<16xi32>
    %convert_element_type3A_1013 = arith.extui %lt3A_1012 : vector<16xi1> to vector<16xi32>
    %convert_element_type3A_1014 = arith.extui %lt3A_995 : vector<16xi1> to vector<16xi32>
    %mul3A_1015 = arith.muli %convert_element_type3A_1013, %convert_element_type3A_1014 : vector<16xi32>
    %get3A_1016 = arith.constant 376 : index
    %get3A_1017 = tpu.vector_load %arg8[%get3A_1016] {strides = array<i32>} : memref<656xi32, #tpu.memory_space<vmem>>, vector<16xi32>,
    %mul3A_1018 = arith.muli %get3A_1017, %mul3A_1015 : vector<16xi32>
    %add3A_1019 = arith.constant 32 : i32
    %add3A_1020 = vector.broadcast %add3A_1019 : i32 to vector<16xi32>
    %add3A_1021 = arith.addi %iota3A, %add3A_1020 : vector<16xi32>
    %lt3A_1022 = arith.constant 40 : i32
    %lt3A_1023 = vector.broadcast %lt3A_1022 : i32 to vector<16xi32>
    %lt3A_1024 = arith.cmpi slt, %add3A_1021, %lt3A_1023 : vector<16xi32>
    %div3A_1025 = arith.constant 20 : i32
    %div3A_1026 = vector.broadcast %div3A_1025 : i32 to vector<16xi32>
    %div3A_1027 = arith.divsi %add3A_1021, %div3A_1026 : vector<16xi32>
    %min3A_1028 = arith.constant 1 : i32
    %min3A_1029 = vector.broadcast %min3A_1028 : i32 to vector<16xi32>
    %min3A_1030 = arith.minsi %div3A_1027, %min3A_1029 : vector<16xi32>
    %rem3A_1031 = arith.constant 20 : i32
    %rem3A_1032 = vector.broadcast %rem3A_1031 : i32 to vector<16xi32>
    %rem3A_1033 = arith.remsi %add3A_1021, %rem3A_1032 : vector<16xi32>
    %add3A_1034 = arith.constant 18 : i32
    %add3A_1035 = vector.broadcast %add3A_1034 : i32 to vector<16xi32>
    %add3A_1036 = arith.addi %add3A_1035, %min3A_1030 : vector<16xi32>
    %add3A_1037 = arith.constant 8 : i32
    %add3A_1038 = vector.broadcast %add3A_1037 : i32 to vector<16xi32>
    %add3A_1039 = arith.addi %add3A_1036, %add3A_1038 : vector<16xi32>
    %gather3A_1040 = tpu.vector_load_idx %arg9[%add3A_1039] : memref<40xi32, #tpu.memory_space<vmem>>[vector<16xi32>], vector<16xi32>,
    %lt3A_1041 = arith.cmpi slt, %rem3A_1033, %gather3A_1040 : vector<16xi32>
    %convert_element_type3A_1042 = arith.extui %lt3A_1041 : vector<16xi1> to vector<16xi32>
    %convert_element_type3A_1043 = arith.extui %lt3A_1024 : vector<16xi1> to vector<16xi32>
    %mul3A_1044 = arith.muli %convert_element_type3A_1042, %convert_element_type3A_1043 : vector<16xi32>
    %get3A_1045 = arith.constant 392 : index
    %get3A_1046 = tpu.vector_load %arg8[%get3A_1045] {strides = array<i32>} : memref<656xi32, #tpu.memory_space<vmem>>, vector<16xi32>,
    %mul3A_1047 = arith.muli %get3A_1046, %mul3A_1044 : vector<16xi32>
    tpu.vector_store_idx %arg7[%min3A_972, %rem3A_975, %mul3A_989], %broadcast_in_dim3A_13 masked %lt3A_966 : memref<2x20x1000xf32, #tpu.memory_space<vmem>>[vector<16xi32>, vector<16xi32>, vector<16xi32>], vector<16xf32>, vector<16xi1>
    %swap3A_1048 = arith.constant 360 : index
    %swap3A_1049 = tpu.vector_load %arg10[%swap3A_1048] {strides = array<i32>} : memref<656xi32, #tpu.memory_space<vmem>>, vector<16xi32>,
    tpu.vector_store %arg10[%swap3A_1048], %mul3A_986 {strides = array<i32>} : memref<656xi32, #tpu.memory_space<vmem>>, vector<16xi32>,
    tpu.vector_store_idx %arg7[%min3A_1001, %rem3A_1004, %mul3A_1018], %broadcast_in_dim3A_13 masked %lt3A_995 : memref<2x20x1000xf32, #tpu.memory_space<vmem>>[vector<16xi32>, vector<16xi32>, vector<16xi32>], vector<16xf32>, vector<16xi1>
    %swap3A_1050 = arith.constant 376 : index
    %swap3A_1051 = tpu.vector_load %arg10[%swap3A_1050] {strides = array<i32>} : memref<656xi32, #tpu.memory_space<vmem>>, vector<16xi32>,
    tpu.vector_store %arg10[%swap3A_1050], %mul3A_1015 {strides = array<i32>} : memref<656xi32, #tpu.memory_space<vmem>>, vector<16xi32>,
    tpu.vector_store_idx %arg7[%min3A_1030, %rem3A_1033, %mul3A_1047], %broadcast_in_dim3A_13 masked %lt3A_1024 : memref<2x20x1000xf32, #tpu.memory_space<vmem>>[vector<16xi32>, vector<16xi32>, vector<16xi32>], vector<16xf32>, vector<16xi1>
    %swap3A_1052 = arith.constant 392 : index
    %swap3A_1053 = tpu.vector_load %arg10[%swap3A_1052] {strides = array<i32>} : memref<656xi32, #tpu.memory_space<vmem>>, vector<16xi32>,
    tpu.vector_store %arg10[%swap3A_1052], %mul3A_1044 {strides = array<i32>} : memref<656xi32, #tpu.memory_space<vmem>>, vector<16xi32>,
    %add3A_1054 = arith.constant 18 : i32
    %add3A_1055 = arith.addi %mul3A_2, %add3A_1054 : i32
    %dma_start3A_1056 = arith.constant 0 : i32
    %dma_start3A_1057 = arith.constant 0 : i32
    %dma_start3A_1058 = tpu.memref_slice %arg4[%add3A_1055, %dma_start3A_1056, %dma_start3A_1057] : memref<1024x20x1000xf32, #tpu.memory_space<hbm>> -> memref<2x20x1000xf32, #tpu.memory_space<hbm>>
    %dma_start3A_1059 = arith.constant 0 : i32
    %dma_start3A_1060 = arith.constant 0 : i32
    %dma_start3A_1061 = tpu.memref_slice %arg4[%add3A_1055, %dma_start3A_1059, %dma_start3A_1060] : memref<1024x20x1000xf32, #tpu.memory_space<hbm>> -> memref<2x20x1000xf32, #tpu.memory_space<hbm>>
    tpu.enqueue_dma source(%arg7 : memref<2x20x1000xf32, #tpu.memory_space<vmem>>) target(%dma_start3A_1061 : memref<2x20x1000xf32, #tpu.memory_space<hbm>>) target_semaphore(%arg12 : memref<!tpu.dma_semaphore, #tpu.memory_space<semaphore_mem>>)
    %dma_wait3A_1062 = arith.constant 0 : i32
    %dma_wait3A_1063 = arith.constant 0 : i32
    %dma_wait3A_1064 = tpu.memref_slice %arg4[%add3A_948, %dma_wait3A_1062, %dma_wait3A_1063] : memref<1024x20x1000xf32, #tpu.memory_space<hbm>> -> memref<2x20x1000xf32, #tpu.memory_space<hbm>>
    %dma_wait3A_1065 = arith.constant 0 : i32
    %dma_wait3A_1066 = arith.constant 0 : i32
    %dma_wait3A_1067 = tpu.memref_slice %arg4[%add3A_948, %dma_wait3A_1065, %dma_wait3A_1066] : memref<1024x20x1000xf32, #tpu.memory_space<hbm>> -> memref<2x20x1000xf32, #tpu.memory_space<hbm>>
    tpu.wait_dma2 semaphore(%arg11 : memref<!tpu.dma_semaphore, #tpu.memory_space<semaphore_mem>>) src(%arg6 : memref<2x20x1000xf32, #tpu.memory_space<vmem>>) dst(%dma_wait3A_1067 : memref<2x20x1000xf32, #tpu.memory_space<hbm>>)
    tpu.vector_store_idx %arg6[%min3A_865, %rem3A_868, %mul3A_882], %broadcast_in_dim3A_5 masked %lt3A_859 : memref<2x20x1000xf32, #tpu.memory_space<vmem>>[vector<16xi32>, vector<16xi32>, vector<16xi32>], vector<16xf32>, vector<16xi1>
    tpu.vector_store_idx %arg6[%min3A_894, %rem3A_897, %mul3A_911], %broadcast_in_dim3A_5 masked %lt3A_888 : memref<2x20x1000xf32, #tpu.memory_space<vmem>>[vector<16xi32>, vector<16xi32>, vector<16xi32>], vector<16xf32>, vector<16xi1>
    tpu.vector_store_idx %arg6[%min3A_923, %rem3A_926, %mul3A_940], %broadcast_in_dim3A_5 masked %lt3A_917 : memref<2x20x1000xf32, #tpu.memory_space<vmem>>[vector<16xi32>, vector<16xi32>, vector<16xi32>], vector<16xf32>, vector<16xi1>
    %add3A_1068 = arith.constant 0 : i32
    %add3A_1069 = vector.broadcast %add3A_1068 : i32 to vector<16xi32>
    %add3A_1070 = arith.addi %iota3A, %add3A_1069 : vector<16xi32>
    %lt3A_1071 = arith.constant 40 : i32
    %lt3A_1072 = vector.broadcast %lt3A_1071 : i32 to vector<16xi32>
    %lt3A_1073 = arith.cmpi slt, %add3A_1070, %lt3A_1072 : vector<16xi32>
    %div3A_1074 = arith.constant 20 : i32
    %div3A_1075 = vector.broadcast %div3A_1074 : i32 to vector<16xi32>
    %div3A_1076 = arith.divsi %add3A_1070, %div3A_1075 : vector<16xi32>
    %min3A_1077 = arith.constant 1 : i32
    %min3A_1078 = vector.broadcast %min3A_1077 : i32 to vector<16xi32>
    %min3A_1079 = arith.minsi %div3A_1076, %min3A_1078 : vector<16xi32>
    %rem3A_1080 = arith.constant 20 : i32
    %rem3A_1081 = vector.broadcast %rem3A_1080 : i32 to vector<16xi32>
    %rem3A_1082 = arith.remsi %add3A_1070, %rem3A_1081 : vector<16xi32>
    %add3A_1083 = arith.constant 20 : i32
    %add3A_1084 = vector.broadcast %add3A_1083 : i32 to vector<16xi32>
    %add3A_1085 = arith.addi %add3A_1084, %min3A_1079 : vector<16xi32>
    %add3A_1086 = arith.constant 8 : i32
    %add3A_1087 = vector.broadcast %add3A_1086 : i32 to vector<16xi32>
    %add3A_1088 = arith.addi %add3A_1085, %add3A_1087 : vector<16xi32>
    %gather3A_1089 = tpu.vector_load_idx %arg9[%add3A_1088] : memref<40xi32, #tpu.memory_space<vmem>>[vector<16xi32>], vector<16xi32>,
    %lt3A_1090 = arith.cmpi slt, %rem3A_1082, %gather3A_1089 : vector<16xi32>
    %convert_element_type3A_1091 = arith.extui %lt3A_1090 : vector<16xi1> to vector<16xi32>
    %convert_element_type3A_1092 = arith.extui %lt3A_1073 : vector<16xi1> to vector<16xi32>
    %mul3A_1093 = arith.muli %convert_element_type3A_1091, %convert_element_type3A_1092 : vector<16xi32>
    %get3A_1094 = arith.constant 400 : index
    %get3A_1095 = tpu.vector_load %arg8[%get3A_1094] {strides = array<i32>} : memref<656xi32, #tpu.memory_space<vmem>>, vector<16xi32>,
    %mul3A_1096 = arith.muli %get3A_1095, %mul3A_1093 : vector<16xi32>
    %add3A_1097 = arith.constant 16 : i32
    %add3A_1098 = vector.broadcast %add3A_1097 : i32 to vector<16xi32>
    %add3A_1099 = arith.addi %iota3A, %add3A_1098 : vector<16xi32>
    %lt3A_1100 = arith.constant 40 : i32
    %lt3A_1101 = vector.broadcast %lt3A_1100 : i32 to vector<16xi32>
    %lt3A_1102 = arith.cmpi slt, %add3A_1099, %lt3A_1101 : vector<16xi32>
    %div3A_1103 = arith.constant 20 : i32
    %div3A_1104 = vector.broadcast %div3A_1103 : i32 to vector<16xi32>
    %div3A_1105 = arith.divsi %add3A_1099, %div3A_1104 : vector<16xi32>
    %min3A_1106 = arith.constant 1 : i32
    %min3A_1107 = vector.broadcast %min3A_1106 : i32 to vector<16xi32>
    %min3A_1108 = arith.minsi %div3A_1105, %min3A_1107 : vector<16xi32>
    %rem3A_1109 = arith.constant 20 : i32
    %rem3A_1110 = vector.broadcast %rem3A_1109 : i32 to vector<16xi32>
    %rem3A_1111 = arith.remsi %add3A_1099, %rem3A_1110 : vector<16xi32>
    %add3A_1112 = arith.constant 20 : i32
    %add3A_1113 = vector.broadcast %add3A_1112 : i32 to vector<16xi32>
    %add3A_1114 = arith.addi %add3A_1113, %min3A_1108 : vector<16xi32>
    %add3A_1115 = arith.constant 8 : i32
    %add3A_1116 = vector.broadcast %add3A_1115 : i32 to vector<16xi32>
    %add3A_1117 = arith.addi %add3A_1114, %add3A_1116 : vector<16xi32>
    %gather3A_1118 = tpu.vector_load_idx %arg9[%add3A_1117] : memref<40xi32, #tpu.memory_space<vmem>>[vector<16xi32>], vector<16xi32>,
    %lt3A_1119 = arith.cmpi slt, %rem3A_1111, %gather3A_1118 : vector<16xi32>
    %convert_element_type3A_1120 = arith.extui %lt3A_1119 : vector<16xi1> to vector<16xi32>
    %convert_element_type3A_1121 = arith.extui %lt3A_1102 : vector<16xi1> to vector<16xi32>
    %mul3A_1122 = arith.muli %convert_element_type3A_1120, %convert_element_type3A_1121 : vector<16xi32>
    %get3A_1123 = arith.constant 416 : index
    %get3A_1124 = tpu.vector_load %arg8[%get3A_1123] {strides = array<i32>} : memref<656xi32, #tpu.memory_space<vmem>>, vector<16xi32>,
    %mul3A_1125 = arith.muli %get3A_1124, %mul3A_1122 : vector<16xi32>
    %add3A_1126 = arith.constant 32 : i32
    %add3A_1127 = vector.broadcast %add3A_1126 : i32 to vector<16xi32>
    %add3A_1128 = arith.addi %iota3A, %add3A_1127 : vector<16xi32>
    %lt3A_1129 = arith.constant 40 : i32
    %lt3A_1130 = vector.broadcast %lt3A_1129 : i32 to vector<16xi32>
    %lt3A_1131 = arith.cmpi slt, %add3A_1128, %lt3A_1130 : vector<16xi32>
    %div3A_1132 = arith.constant 20 : i32
    %div3A_1133 = vector.broadcast %div3A_1132 : i32 to vector<16xi32>
    %div3A_1134 = arith.divsi %add3A_1128, %div3A_1133 : vector<16xi32>
    %min3A_1135 = arith.constant 1 : i32
    %min3A_1136 = vector.broadcast %min3A_1135 : i32 to vector<16xi32>
    %min3A_1137 = arith.minsi %div3A_1134, %min3A_1136 : vector<16xi32>
    %rem3A_1138 = arith.constant 20 : i32
    %rem3A_1139 = vector.broadcast %rem3A_1138 : i32 to vector<16xi32>
    %rem3A_1140 = arith.remsi %add3A_1128, %rem3A_1139 : vector<16xi32>
    %add3A_1141 = arith.constant 20 : i32
    %add3A_1142 = vector.broadcast %add3A_1141 : i32 to vector<16xi32>
    %add3A_1143 = arith.addi %add3A_1142, %min3A_1137 : vector<16xi32>
    %add3A_1144 = arith.constant 8 : i32
    %add3A_1145 = vector.broadcast %add3A_1144 : i32 to vector<16xi32>
    %add3A_1146 = arith.addi %add3A_1143, %add3A_1145 : vector<16xi32>
    %gather3A_1147 = tpu.vector_load_idx %arg9[%add3A_1146] : memref<40xi32, #tpu.memory_space<vmem>>[vector<16xi32>], vector<16xi32>,
    %lt3A_1148 = arith.cmpi slt, %rem3A_1140, %gather3A_1147 : vector<16xi32>
    %convert_element_type3A_1149 = arith.extui %lt3A_1148 : vector<16xi1> to vector<16xi32>
    %convert_element_type3A_1150 = arith.extui %lt3A_1131 : vector<16xi1> to vector<16xi32>
    %mul3A_1151 = arith.muli %convert_element_type3A_1149, %convert_element_type3A_1150 : vector<16xi32>
    %get3A_1152 = arith.constant 432 : index
    %get3A_1153 = tpu.vector_load %arg8[%get3A_1152] {strides = array<i32>} : memref<656xi32, #tpu.memory_space<vmem>>, vector<16xi32>,
    %mul3A_1154 = arith.muli %get3A_1153, %mul3A_1151 : vector<16xi32>
    tpu.vector_store_idx %arg6[%min3A_1079, %rem3A_1082, %mul3A_1096], %broadcast_in_dim3A_13 masked %lt3A_1073 : memref<2x20x1000xf32, #tpu.memory_space<vmem>>[vector<16xi32>, vector<16xi32>, vector<16xi32>], vector<16xf32>, vector<16xi1>
    %swap3A_1155 = arith.constant 400 : index
    %swap3A_1156 = tpu.vector_load %arg10[%swap3A_1155] {strides = array<i32>} : memref<656xi32, #tpu.memory_space<vmem>>, vector<16xi32>,
    tpu.vector_store %arg10[%swap3A_1155], %mul3A_1093 {strides = array<i32>} : memref<656xi32, #tpu.memory_space<vmem>>, vector<16xi32>,
    tpu.vector_store_idx %arg6[%min3A_1108, %rem3A_1111, %mul3A_1125], %broadcast_in_dim3A_13 masked %lt3A_1102 : memref<2x20x1000xf32, #tpu.memory_space<vmem>>[vector<16xi32>, vector<16xi32>, vector<16xi32>], vector<16xf32>, vector<16xi1>
    %swap3A_1157 = arith.constant 416 : index
    %swap3A_1158 = tpu.vector_load %arg10[%swap3A_1157] {strides = array<i32>} : memref<656xi32, #tpu.memory_space<vmem>>, vector<16xi32>,
    tpu.vector_store %arg10[%swap3A_1157], %mul3A_1122 {strides = array<i32>} : memref<656xi32, #tpu.memory_space<vmem>>, vector<16xi32>,
    tpu.vector_store_idx %arg6[%min3A_1137, %rem3A_1140, %mul3A_1154], %broadcast_in_dim3A_13 masked %lt3A_1131 : memref<2x20x1000xf32, #tpu.memory_space<vmem>>[vector<16xi32>, vector<16xi32>, vector<16xi32>], vector<16xf32>, vector<16xi1>
    %swap3A_1159 = arith.constant 432 : index
    %swap3A_1160 = tpu.vector_load %arg10[%swap3A_1159] {strides = array<i32>} : memref<656xi32, #tpu.memory_space<vmem>>, vector<16xi32>,
    tpu.vector_store %arg10[%swap3A_1159], %mul3A_1151 {strides = array<i32>} : memref<656xi32, #tpu.memory_space<vmem>>, vector<16xi32>,
    %add3A_1161 = arith.constant 20 : i32
    %add3A_1162 = arith.addi %mul3A_2, %add3A_1161 : i32
    %dma_start3A_1163 = arith.constant 0 : i32
    %dma_start3A_1164 = arith.constant 0 : i32
    %dma_start3A_1165 = tpu.memref_slice %arg4[%add3A_1162, %dma_start3A_1163, %dma_start3A_1164] : memref<1024x20x1000xf32, #tpu.memory_space<hbm>> -> memref<2x20x1000xf32, #tpu.memory_space<hbm>>
    %dma_start3A_1166 = arith.constant 0 : i32
    %dma_start3A_1167 = arith.constant 0 : i32
    %dma_start3A_1168 = tpu.memref_slice %arg4[%add3A_1162, %dma_start3A_1166, %dma_start3A_1167] : memref<1024x20x1000xf32, #tpu.memory_space<hbm>> -> memref<2x20x1000xf32, #tpu.memory_space<hbm>>
    tpu.enqueue_dma source(%arg6 : memref<2x20x1000xf32, #tpu.memory_space<vmem>>) target(%dma_start3A_1168 : memref<2x20x1000xf32, #tpu.memory_space<hbm>>) target_semaphore(%arg11 : memref<!tpu.dma_semaphore, #tpu.memory_space<semaphore_mem>>)
    %dma_wait3A_1169 = arith.constant 0 : i32
    %dma_wait3A_1170 = arith.constant 0 : i32
    %dma_wait3A_1171 = tpu.memref_slice %arg4[%add3A_1055, %dma_wait3A_1169, %dma_wait3A_1170] : memref<1024x20x1000xf32, #tpu.memory_space<hbm>> -> memref<2x20x1000xf32, #tpu.memory_space<hbm>>
    %dma_wait3A_1172 = arith.constant 0 : i32
    %dma_wait3A_1173 = arith.constant 0 : i32
    %dma_wait3A_1174 = tpu.memref_slice %arg4[%add3A_1055, %dma_wait3A_1172, %dma_wait3A_1173] : memref<1024x20x1000xf32, #tpu.memory_space<hbm>> -> memref<2x20x1000xf32, #tpu.memory_space<hbm>>
    tpu.wait_dma2 semaphore(%arg12 : memref<!tpu.dma_semaphore, #tpu.memory_space<semaphore_mem>>) src(%arg7 : memref<2x20x1000xf32, #tpu.memory_space<vmem>>) dst(%dma_wait3A_1174 : memref<2x20x1000xf32, #tpu.memory_space<hbm>>)
    tpu.vector_store_idx %arg7[%min3A_972, %rem3A_975, %mul3A_989], %broadcast_in_dim3A_5 masked %lt3A_966 : memref<2x20x1000xf32, #tpu.memory_space<vmem>>[vector<16xi32>, vector<16xi32>, vector<16xi32>], vector<16xf32>, vector<16xi1>
    tpu.vector_store_idx %arg7[%min3A_1001, %rem3A_1004, %mul3A_1018], %broadcast_in_dim3A_5 masked %lt3A_995 : memref<2x20x1000xf32, #tpu.memory_space<vmem>>[vector<16xi32>, vector<16xi32>, vector<16xi32>], vector<16xf32>, vector<16xi1>
    tpu.vector_store_idx %arg7[%min3A_1030, %rem3A_1033, %mul3A_1047], %broadcast_in_dim3A_5 masked %lt3A_1024 : memref<2x20x1000xf32, #tpu.memory_space<vmem>>[vector<16xi32>, vector<16xi32>, vector<16xi32>], vector<16xf32>, vector<16xi1>
    %add3A_1175 = arith.constant 0 : i32
    %add3A_1176 = vector.broadcast %add3A_1175 : i32 to vector<16xi32>
    %add3A_1177 = arith.addi %iota3A, %add3A_1176 : vector<16xi32>
    %lt3A_1178 = arith.constant 40 : i32
    %lt3A_1179 = vector.broadcast %lt3A_1178 : i32 to vector<16xi32>
    %lt3A_1180 = arith.cmpi slt, %add3A_1177, %lt3A_1179 : vector<16xi32>
    %div3A_1181 = arith.constant 20 : i32
    %div3A_1182 = vector.broadcast %div3A_1181 : i32 to vector<16xi32>
    %div3A_1183 = arith.divsi %add3A_1177, %div3A_1182 : vector<16xi32>
    %min3A_1184 = arith.constant 1 : i32
    %min3A_1185 = vector.broadcast %min3A_1184 : i32 to vector<16xi32>
    %min3A_1186 = arith.minsi %div3A_1183, %min3A_1185 : vector<16xi32>
    %rem3A_1187 = arith.constant 20 : i32
    %rem3A_1188 = vector.broadcast %rem3A_1187 : i32 to vector<16xi32>
    %rem3A_1189 = arith.remsi %add3A_1177, %rem3A_1188 : vector<16xi32>
    %add3A_1190 = arith.constant 22 : i32
    %add3A_1191 = vector.broadcast %add3A_1190 : i32 to vector<16xi32>
    %add3A_1192 = arith.addi %add3A_1191, %min3A_1186 : vector<16xi32>
    %add3A_1193 = arith.constant 8 : i32
    %add3A_1194 = vector.broadcast %add3A_1193 : i32 to vector<16xi32>
    %add3A_1195 = arith.addi %add3A_1192, %add3A_1194 : vector<16xi32>
    %gather3A_1196 = tpu.vector_load_idx %arg9[%add3A_1195] : memref<40xi32, #tpu.memory_space<vmem>>[vector<16xi32>], vector<16xi32>,
    %lt3A_1197 = arith.cmpi slt, %rem3A_1189, %gather3A_1196 : vector<16xi32>
    %convert_element_type3A_1198 = arith.extui %lt3A_1197 : vector<16xi1> to vector<16xi32>
    %convert_element_type3A_1199 = arith.extui %lt3A_1180 : vector<16xi1> to vector<16xi32>
    %mul3A_1200 = arith.muli %convert_element_type3A_1198, %convert_element_type3A_1199 : vector<16xi32>
    %get3A_1201 = arith.constant 440 : index
    %get3A_1202 = tpu.vector_load %arg8[%get3A_1201] {strides = array<i32>} : memref<656xi32, #tpu.memory_space<vmem>>, vector<16xi32>,
    %mul3A_1203 = arith.muli %get3A_1202, %mul3A_1200 : vector<16xi32>
    %add3A_1204 = arith.constant 16 : i32
    %add3A_1205 = vector.broadcast %add3A_1204 : i32 to vector<16xi32>
    %add3A_1206 = arith.addi %iota3A, %add3A_1205 : vector<16xi32>
    %lt3A_1207 = arith.constant 40 : i32
    %lt3A_1208 = vector.broadcast %lt3A_1207 : i32 to vector<16xi32>
    %lt3A_1209 = arith.cmpi slt, %add3A_1206, %lt3A_1208 : vector<16xi32>
    %div3A_1210 = arith.constant 20 : i32
    %div3A_1211 = vector.broadcast %div3A_1210 : i32 to vector<16xi32>
    %div3A_1212 = arith.divsi %add3A_1206, %div3A_1211 : vector<16xi32>
    %min3A_1213 = arith.constant 1 : i32
    %min3A_1214 = vector.broadcast %min3A_1213 : i32 to vector<16xi32>
    %min3A_1215 = arith.minsi %div3A_1212, %min3A_1214 : vector<16xi32>
    %rem3A_1216 = arith.constant 20 : i32
    %rem3A_1217 = vector.broadcast %rem3A_1216 : i32 to vector<16xi32>
    %rem3A_1218 = arith.remsi %add3A_1206, %rem3A_1217 : vector<16xi32>
    %add3A_1219 = arith.constant 22 : i32
    %add3A_1220 = vector.broadcast %add3A_1219 : i32 to vector<16xi32>
    %add3A_1221 = arith.addi %add3A_1220, %min3A_1215 : vector<16xi32>
    %add3A_1222 = arith.constant 8 : i32
    %add3A_1223 = vector.broadcast %add3A_1222 : i32 to vector<16xi32>
    %add3A_1224 = arith.addi %add3A_1221, %add3A_1223 : vector<16xi32>
    %gather3A_1225 = tpu.vector_load_idx %arg9[%add3A_1224] : memref<40xi32, #tpu.memory_space<vmem>>[vector<16xi32>], vector<16xi32>,
    %lt3A_1226 = arith.cmpi slt, %rem3A_1218, %gather3A_1225 : vector<16xi32>
    %convert_element_type3A_1227 = arith.extui %lt3A_1226 : vector<16xi1> to vector<16xi32>
    %convert_element_type3A_1228 = arith.extui %lt3A_1209 : vector<16xi1> to vector<16xi32>
    %mul3A_1229 = arith.muli %convert_element_type3A_1227, %convert_element_type3A_1228 : vector<16xi32>
    %get3A_1230 = arith.constant 456 : index
    %get3A_1231 = tpu.vector_load %arg8[%get3A_1230] {strides = array<i32>} : memref<656xi32, #tpu.memory_space<vmem>>, vector<16xi32>,
    %mul3A_1232 = arith.muli %get3A_1231, %mul3A_1229 : vector<16xi32>
    %add3A_1233 = arith.constant 32 : i32
    %add3A_1234 = vector.broadcast %add3A_1233 : i32 to vector<16xi32>
    %add3A_1235 = arith.addi %iota3A, %add3A_1234 : vector<16xi32>
    %lt3A_1236 = arith.constant 40 : i32
    %lt3A_1237 = vector.broadcast %lt3A_1236 : i32 to vector<16xi32>
    %lt3A_1238 = arith.cmpi slt, %add3A_1235, %lt3A_1237 : vector<16xi32>
    %div3A_1239 = arith.constant 20 : i32
    %div3A_1240 = vector.broadcast %div3A_1239 : i32 to vector<16xi32>
    %div3A_1241 = arith.divsi %add3A_1235, %div3A_1240 : vector<16xi32>
    %min3A_1242 = arith.constant 1 : i32
    %min3A_1243 = vector.broadcast %min3A_1242 : i32 to vector<16xi32>
    %min3A_1244 = arith.minsi %div3A_1241, %min3A_1243 : vector<16xi32>
    %rem3A_1245 = arith.constant 20 : i32
    %rem3A_1246 = vector.broadcast %rem3A_1245 : i32 to vector<16xi32>
    %rem3A_1247 = arith.remsi %add3A_1235, %rem3A_1246 : vector<16xi32>
    %add3A_1248 = arith.constant 22 : i32
    %add3A_1249 = vector.broadcast %add3A_1248 : i32 to vector<16xi32>
    %add3A_1250 = arith.addi %add3A_1249, %min3A_1244 : vector<16xi32>
    %add3A_1251 = arith.constant 8 : i32
    %add3A_1252 = vector.broadcast %add3A_1251 : i32 to vector<16xi32>
    %add3A_1253 = arith.addi %add3A_1250, %add3A_1252 : vector<16xi32>
    %gather3A_1254 = tpu.vector_load_idx %arg9[%add3A_1253] : memref<40xi32, #tpu.memory_space<vmem>>[vector<16xi32>], vector<16xi32>,
    %lt3A_1255 = arith.cmpi slt, %rem3A_1247, %gather3A_1254 : vector<16xi32>
    %convert_element_type3A_1256 = arith.extui %lt3A_1255 : vector<16xi1> to vector<16xi32>
    %convert_element_type3A_1257 = arith.extui %lt3A_1238 : vector<16xi1> to vector<16xi32>
    %mul3A_1258 = arith.muli %convert_element_type3A_1256, %convert_element_type3A_1257 : vector<16xi32>
    %get3A_1259 = arith.constant 472 : index
    %get3A_1260 = tpu.vector_load %arg8[%get3A_1259] {strides = array<i32>} : memref<656xi32, #tpu.memory_space<vmem>>, vector<16xi32>,
    %mul3A_1261 = arith.muli %get3A_1260, %mul3A_1258 : vector<16xi32>
    tpu.vector_store_idx %arg7[%min3A_1186, %rem3A_1189, %mul3A_1203], %broadcast_in_dim3A_13 masked %lt3A_1180 : memref<2x20x1000xf32, #tpu.memory_space<vmem>>[vector<16xi32>, vector<16xi32>, vector<16xi32>], vector<16xf32>, vector<16xi1>
    %swap3A_1262 = arith.constant 440 : index
    %swap3A_1263 = tpu.vector_load %arg10[%swap3A_1262] {strides = array<i32>} : memref<656xi32, #tpu.memory_space<vmem>>, vector<16xi32>,
    tpu.vector_store %arg10[%swap3A_1262], %mul3A_1200 {strides = array<i32>} : memref<656xi32, #tpu.memory_space<vmem>>, vector<16xi32>,
    tpu.vector_store_idx %arg7[%min3A_1215, %rem3A_1218, %mul3A_1232], %broadcast_in_dim3A_13 masked %lt3A_1209 : memref<2x20x1000xf32, #tpu.memory_space<vmem>>[vector<16xi32>, vector<16xi32>, vector<16xi32>], vector<16xf32>, vector<16xi1>
    %swap3A_1264 = arith.constant 456 : index
    %swap3A_1265 = tpu.vector_load %arg10[%swap3A_1264] {strides = array<i32>} : memref<656xi32, #tpu.memory_space<vmem>>, vector<16xi32>,
    tpu.vector_store %arg10[%swap3A_1264], %mul3A_1229 {strides = array<i32>} : memref<656xi32, #tpu.memory_space<vmem>>, vector<16xi32>,
    tpu.vector_store_idx %arg7[%min3A_1244, %rem3A_1247, %mul3A_1261], %broadcast_in_dim3A_13 masked %lt3A_1238 : memref<2x20x1000xf32, #tpu.memory_space<vmem>>[vector<16xi32>, vector<16xi32>, vector<16xi32>], vector<16xf32>, vector<16xi1>
    %swap3A_1266 = arith.constant 472 : index
    %swap3A_1267 = tpu.vector_load %arg10[%swap3A_1266] {strides = array<i32>} : memref<656xi32, #tpu.memory_space<vmem>>, vector<16xi32>,
    tpu.vector_store %arg10[%swap3A_1266], %mul3A_1258 {strides = array<i32>} : memref<656xi32, #tpu.memory_space<vmem>>, vector<16xi32>,
    %add3A_1268 = arith.constant 22 : i32
    %add3A_1269 = arith.addi %mul3A_2, %add3A_1268 : i32
    %dma_start3A_1270 = arith.constant 0 : i32
    %dma_start3A_1271 = arith.constant 0 : i32
    %dma_start3A_1272 = tpu.memref_slice %arg4[%add3A_1269, %dma_start3A_1270, %dma_start3A_1271] : memref<1024x20x1000xf32, #tpu.memory_space<hbm>> -> memref<2x20x1000xf32, #tpu.memory_space<hbm>>
    %dma_start3A_1273 = arith.constant 0 : i32
    %dma_start3A_1274 = arith.constant 0 : i32
    %dma_start3A_1275 = tpu.memref_slice %arg4[%add3A_1269, %dma_start3A_1273, %dma_start3A_1274] : memref<1024x20x1000xf32, #tpu.memory_space<hbm>> -> memref<2x20x1000xf32, #tpu.memory_space<hbm>>
    tpu.enqueue_dma source(%arg7 : memref<2x20x1000xf32, #tpu.memory_space<vmem>>) target(%dma_start3A_1275 : memref<2x20x1000xf32, #tpu.memory_space<hbm>>) target_semaphore(%arg12 : memref<!tpu.dma_semaphore, #tpu.memory_space<semaphore_mem>>)
    %dma_wait3A_1276 = arith.constant 0 : i32
    %dma_wait3A_1277 = arith.constant 0 : i32
    %dma_wait3A_1278 = tpu.memref_slice %arg4[%add3A_1162, %dma_wait3A_1276, %dma_wait3A_1277] : memref<1024x20x1000xf32, #tpu.memory_space<hbm>> -> memref<2x20x1000xf32, #tpu.memory_space<hbm>>
    %dma_wait3A_1279 = arith.constant 0 : i32
    %dma_wait3A_1280 = arith.constant 0 : i32
    %dma_wait3A_1281 = tpu.memref_slice %arg4[%add3A_1162, %dma_wait3A_1279, %dma_wait3A_1280] : memref<1024x20x1000xf32, #tpu.memory_space<hbm>> -> memref<2x20x1000xf32, #tpu.memory_space<hbm>>
    tpu.wait_dma2 semaphore(%arg11 : memref<!tpu.dma_semaphore, #tpu.memory_space<semaphore_mem>>) src(%arg6 : memref<2x20x1000xf32, #tpu.memory_space<vmem>>) dst(%dma_wait3A_1281 : memref<2x20x1000xf32, #tpu.memory_space<hbm>>)
    tpu.vector_store_idx %arg6[%min3A_1079, %rem3A_1082, %mul3A_1096], %broadcast_in_dim3A_5 masked %lt3A_1073 : memref<2x20x1000xf32, #tpu.memory_space<vmem>>[vector<16xi32>, vector<16xi32>, vector<16xi32>], vector<16xf32>, vector<16xi1>
    tpu.vector_store_idx %arg6[%min3A_1108, %rem3A_1111, %mul3A_1125], %broadcast_in_dim3A_5 masked %lt3A_1102 : memref<2x20x1000xf32, #tpu.memory_space<vmem>>[vector<16xi32>, vector<16xi32>, vector<16xi32>], vector<16xf32>, vector<16xi1>
    tpu.vector_store_idx %arg6[%min3A_1137, %rem3A_1140, %mul3A_1154], %broadcast_in_dim3A_5 masked %lt3A_1131 : memref<2x20x1000xf32, #tpu.memory_space<vmem>>[vector<16xi32>, vector<16xi32>, vector<16xi32>], vector<16xf32>, vector<16xi1>
    %add3A_1282 = arith.constant 0 : i32
    %add3A_1283 = vector.broadcast %add3A_1282 : i32 to vector<16xi32>
    %add3A_1284 = arith.addi %iota3A, %add3A_1283 : vector<16xi32>
    %lt3A_1285 = arith.constant 40 : i32
    %lt3A_1286 = vector.broadcast %lt3A_1285 : i32 to vector<16xi32>
    %lt3A_1287 = arith.cmpi slt, %add3A_1284, %lt3A_1286 : vector<16xi32>
    %div3A_1288 = arith.constant 20 : i32
    %div3A_1289 = vector.broadcast %div3A_1288 : i32 to vector<16xi32>
    %div3A_1290 = arith.divsi %add3A_1284, %div3A_1289 : vector<16xi32>
    %min3A_1291 = arith.constant 1 : i32
    %min3A_1292 = vector.broadcast %min3A_1291 : i32 to vector<16xi32>
    %min3A_1293 = arith.minsi %div3A_1290, %min3A_1292 : vector<16xi32>
    %rem3A_1294 = arith.constant 20 : i32
    %rem3A_1295 = vector.broadcast %rem3A_1294 : i32 to vector<16xi32>
    %rem3A_1296 = arith.remsi %add3A_1284, %rem3A_1295 : vector<16xi32>
    %add3A_1297 = arith.constant 24 : i32
    %add3A_1298 = vector.broadcast %add3A_1297 : i32 to vector<16xi32>
    %add3A_1299 = arith.addi %add3A_1298, %min3A_1293 : vector<16xi32>
    %add3A_1300 = arith.constant 8 : i32
    %add3A_1301 = vector.broadcast %add3A_1300 : i32 to vector<16xi32>
    %add3A_1302 = arith.addi %add3A_1299, %add3A_1301 : vector<16xi32>
    %gather3A_1303 = tpu.vector_load_idx %arg9[%add3A_1302] : memref<40xi32, #tpu.memory_space<vmem>>[vector<16xi32>], vector<16xi32>,
    %lt3A_1304 = arith.cmpi slt, %rem3A_1296, %gather3A_1303 : vector<16xi32>
    %convert_element_type3A_1305 = arith.extui %lt3A_1304 : vector<16xi1> to vector<16xi32>
    %convert_element_type3A_1306 = arith.extui %lt3A_1287 : vector<16xi1> to vector<16xi32>
    %mul3A_1307 = arith.muli %convert_element_type3A_1305, %convert_element_type3A_1306 : vector<16xi32>
    %get3A_1308 = arith.constant 480 : index
    %get3A_1309 = tpu.vector_load %arg8[%get3A_1308] {strides = array<i32>} : memref<656xi32, #tpu.memory_space<vmem>>, vector<16xi32>,
    %mul3A_1310 = arith.muli %get3A_1309, %mul3A_1307 : vector<16xi32>
    %add3A_1311 = arith.constant 16 : i32
    %add3A_1312 = vector.broadcast %add3A_1311 : i32 to vector<16xi32>
    %add3A_1313 = arith.addi %iota3A, %add3A_1312 : vector<16xi32>
    %lt3A_1314 = arith.constant 40 : i32
    %lt3A_1315 = vector.broadcast %lt3A_1314 : i32 to vector<16xi32>
    %lt3A_1316 = arith.cmpi slt, %add3A_1313, %lt3A_1315 : vector<16xi32>
    %div3A_1317 = arith.constant 20 : i32
    %div3A_1318 = vector.broadcast %div3A_1317 : i32 to vector<16xi32>
    %div3A_1319 = arith.divsi %add3A_1313, %div3A_1318 : vector<16xi32>
    %min3A_1320 = arith.constant 1 : i32
    %min3A_1321 = vector.broadcast %min3A_1320 : i32 to vector<16xi32>
    %min3A_1322 = arith.minsi %div3A_1319, %min3A_1321 : vector<16xi32>
    %rem3A_1323 = arith.constant 20 : i32
    %rem3A_1324 = vector.broadcast %rem3A_1323 : i32 to vector<16xi32>
    %rem3A_1325 = arith.remsi %add3A_1313, %rem3A_1324 : vector<16xi32>
    %add3A_1326 = arith.constant 24 : i32
    %add3A_1327 = vector.broadcast %add3A_1326 : i32 to vector<16xi32>
    %add3A_1328 = arith.addi %add3A_1327, %min3A_1322 : vector<16xi32>
    %add3A_1329 = arith.constant 8 : i32
    %add3A_1330 = vector.broadcast %add3A_1329 : i32 to vector<16xi32>
    %add3A_1331 = arith.addi %add3A_1328, %add3A_1330 : vector<16xi32>
    %gather3A_1332 = tpu.vector_load_idx %arg9[%add3A_1331] : memref<40xi32, #tpu.memory_space<vmem>>[vector<16xi32>], vector<16xi32>,
    %lt3A_1333 = arith.cmpi slt, %rem3A_1325, %gather3A_1332 : vector<16xi32>
    %convert_element_type3A_1334 = arith.extui %lt3A_1333 : vector<16xi1> to vector<16xi32>
    %convert_element_type3A_1335 = arith.extui %lt3A_1316 : vector<16xi1> to vector<16xi32>
    %mul3A_1336 = arith.muli %convert_element_type3A_1334, %convert_element_type3A_1335 : vector<16xi32>
    %get3A_1337 = arith.constant 496 : index
    %get3A_1338 = tpu.vector_load %arg8[%get3A_1337] {strides = array<i32>} : memref<656xi32, #tpu.memory_space<vmem>>, vector<16xi32>,
    %mul3A_1339 = arith.muli %get3A_1338, %mul3A_1336 : vector<16xi32>
    %add3A_1340 = arith.constant 32 : i32
    %add3A_1341 = vector.broadcast %add3A_1340 : i32 to vector<16xi32>
    %add3A_1342 = arith.addi %iota3A, %add3A_1341 : vector<16xi32>
    %lt3A_1343 = arith.constant 40 : i32
    %lt3A_1344 = vector.broadcast %lt3A_1343 : i32 to vector<16xi32>
    %lt3A_1345 = arith.cmpi slt, %add3A_1342, %lt3A_1344 : vector<16xi32>
    %div3A_1346 = arith.constant 20 : i32
    %div3A_1347 = vector.broadcast %div3A_1346 : i32 to vector<16xi32>
    %div3A_1348 = arith.divsi %add3A_1342, %div3A_1347 : vector<16xi32>
    %min3A_1349 = arith.constant 1 : i32
    %min3A_1350 = vector.broadcast %min3A_1349 : i32 to vector<16xi32>
    %min3A_1351 = arith.minsi %div3A_1348, %min3A_1350 : vector<16xi32>
    %rem3A_1352 = arith.constant 20 : i32
    %rem3A_1353 = vector.broadcast %rem3A_1352 : i32 to vector<16xi32>
    %rem3A_1354 = arith.remsi %add3A_1342, %rem3A_1353 : vector<16xi32>
    %add3A_1355 = arith.constant 24 : i32
    %add3A_1356 = vector.broadcast %add3A_1355 : i32 to vector<16xi32>
    %add3A_1357 = arith.addi %add3A_1356, %min3A_1351 : vector<16xi32>
    %add3A_1358 = arith.constant 8 : i32
    %add3A_1359 = vector.broadcast %add3A_1358 : i32 to vector<16xi32>
    %add3A_1360 = arith.addi %add3A_1357, %add3A_1359 : vector<16xi32>
    %gather3A_1361 = tpu.vector_load_idx %arg9[%add3A_1360] : memref<40xi32, #tpu.memory_space<vmem>>[vector<16xi32>], vector<16xi32>,
    %lt3A_1362 = arith.cmpi slt, %rem3A_1354, %gather3A_1361 : vector<16xi32>
    %convert_element_type3A_1363 = arith.extui %lt3A_1362 : vector<16xi1> to vector<16xi32>
    %convert_element_type3A_1364 = arith.extui %lt3A_1345 : vector<16xi1> to vector<16xi32>
    %mul3A_1365 = arith.muli %convert_element_type3A_1363, %convert_element_type3A_1364 : vector<16xi32>
    %get3A_1366 = arith.constant 512 : index
    %get3A_1367 = tpu.vector_load %arg8[%get3A_1366] {strides = array<i32>} : memref<656xi32, #tpu.memory_space<vmem>>, vector<16xi32>,
    %mul3A_1368 = arith.muli %get3A_1367, %mul3A_1365 : vector<16xi32>
    tpu.vector_store_idx %arg6[%min3A_1293, %rem3A_1296, %mul3A_1310], %broadcast_in_dim3A_13 masked %lt3A_1287 : memref<2x20x1000xf32, #tpu.memory_space<vmem>>[vector<16xi32>, vector<16xi32>, vector<16xi32>], vector<16xf32>, vector<16xi1>
    %swap3A_1369 = arith.constant 480 : index
    %swap3A_1370 = tpu.vector_load %arg10[%swap3A_1369] {strides = array<i32>} : memref<656xi32, #tpu.memory_space<vmem>>, vector<16xi32>,
    tpu.vector_store %arg10[%swap3A_1369], %mul3A_1307 {strides = array<i32>} : memref<656xi32, #tpu.memory_space<vmem>>, vector<16xi32>,
    tpu.vector_store_idx %arg6[%min3A_1322, %rem3A_1325, %mul3A_1339], %broadcast_in_dim3A_13 masked %lt3A_1316 : memref<2x20x1000xf32, #tpu.memory_space<vmem>>[vector<16xi32>, vector<16xi32>, vector<16xi32>], vector<16xf32>, vector<16xi1>
    %swap3A_1371 = arith.constant 496 : index
    %swap3A_1372 = tpu.vector_load %arg10[%swap3A_1371] {strides = array<i32>} : memref<656xi32, #tpu.memory_space<vmem>>, vector<16xi32>,
    tpu.vector_store %arg10[%swap3A_1371], %mul3A_1336 {strides = array<i32>} : memref<656xi32, #tpu.memory_space<vmem>>, vector<16xi32>,
    tpu.vector_store_idx %arg6[%min3A_1351, %rem3A_1354, %mul3A_1368], %broadcast_in_dim3A_13 masked %lt3A_1345 : memref<2x20x1000xf32, #tpu.memory_space<vmem>>[vector<16xi32>, vector<16xi32>, vector<16xi32>], vector<16xf32>, vector<16xi1>
    %swap3A_1373 = arith.constant 512 : index
    %swap3A_1374 = tpu.vector_load %arg10[%swap3A_1373] {strides = array<i32>} : memref<656xi32, #tpu.memory_space<vmem>>, vector<16xi32>,
    tpu.vector_store %arg10[%swap3A_1373], %mul3A_1365 {strides = array<i32>} : memref<656xi32, #tpu.memory_space<vmem>>, vector<16xi32>,
    %add3A_1375 = arith.constant 24 : i32
    %add3A_1376 = arith.addi %mul3A_2, %add3A_1375 : i32
    %dma_start3A_1377 = arith.constant 0 : i32
    %dma_start3A_1378 = arith.constant 0 : i32
    %dma_start3A_1379 = tpu.memref_slice %arg4[%add3A_1376, %dma_start3A_1377, %dma_start3A_1378] : memref<1024x20x1000xf32, #tpu.memory_space<hbm>> -> memref<2x20x1000xf32, #tpu.memory_space<hbm>>
    %dma_start3A_1380 = arith.constant 0 : i32
    %dma_start3A_1381 = arith.constant 0 : i32
    %dma_start3A_1382 = tpu.memref_slice %arg4[%add3A_1376, %dma_start3A_1380, %dma_start3A_1381] : memref<1024x20x1000xf32, #tpu.memory_space<hbm>> -> memref<2x20x1000xf32, #tpu.memory_space<hbm>>
    tpu.enqueue_dma source(%arg6 : memref<2x20x1000xf32, #tpu.memory_space<vmem>>) target(%dma_start3A_1382 : memref<2x20x1000xf32, #tpu.memory_space<hbm>>) target_semaphore(%arg11 : memref<!tpu.dma_semaphore, #tpu.memory_space<semaphore_mem>>)
    %dma_wait3A_1383 = arith.constant 0 : i32
    %dma_wait3A_1384 = arith.constant 0 : i32
    %dma_wait3A_1385 = tpu.memref_slice %arg4[%add3A_1269, %dma_wait3A_1383, %dma_wait3A_1384] : memref<1024x20x1000xf32, #tpu.memory_space<hbm>> -> memref<2x20x1000xf32, #tpu.memory_space<hbm>>
    %dma_wait3A_1386 = arith.constant 0 : i32
    %dma_wait3A_1387 = arith.constant 0 : i32
    %dma_wait3A_1388 = tpu.memref_slice %arg4[%add3A_1269, %dma_wait3A_1386, %dma_wait3A_1387] : memref<1024x20x1000xf32, #tpu.memory_space<hbm>> -> memref<2x20x1000xf32, #tpu.memory_space<hbm>>
    tpu.wait_dma2 semaphore(%arg12 : memref<!tpu.dma_semaphore, #tpu.memory_space<semaphore_mem>>) src(%arg7 : memref<2x20x1000xf32, #tpu.memory_space<vmem>>) dst(%dma_wait3A_1388 : memref<2x20x1000xf32, #tpu.memory_space<hbm>>)
    tpu.vector_store_idx %arg7[%min3A_1186, %rem3A_1189, %mul3A_1203], %broadcast_in_dim3A_5 masked %lt3A_1180 : memref<2x20x1000xf32, #tpu.memory_space<vmem>>[vector<16xi32>, vector<16xi32>, vector<16xi32>], vector<16xf32>, vector<16xi1>
    tpu.vector_store_idx %arg7[%min3A_1215, %rem3A_1218, %mul3A_1232], %broadcast_in_dim3A_5 masked %lt3A_1209 : memref<2x20x1000xf32, #tpu.memory_space<vmem>>[vector<16xi32>, vector<16xi32>, vector<16xi32>], vector<16xf32>, vector<16xi1>
    tpu.vector_store_idx %arg7[%min3A_1244, %rem3A_1247, %mul3A_1261], %broadcast_in_dim3A_5 masked %lt3A_1238 : memref<2x20x1000xf32, #tpu.memory_space<vmem>>[vector<16xi32>, vector<16xi32>, vector<16xi32>], vector<16xf32>, vector<16xi1>
    %add3A_1389 = arith.constant 0 : i32
    %add3A_1390 = vector.broadcast %add3A_1389 : i32 to vector<16xi32>
    %add3A_1391 = arith.addi %iota3A, %add3A_1390 : vector<16xi32>
    %lt3A_1392 = arith.constant 40 : i32
    %lt3A_1393 = vector.broadcast %lt3A_1392 : i32 to vector<16xi32>
    %lt3A_1394 = arith.cmpi slt, %add3A_1391, %lt3A_1393 : vector<16xi32>
    %div3A_1395 = arith.constant 20 : i32
    %div3A_1396 = vector.broadcast %div3A_1395 : i32 to vector<16xi32>
    %div3A_1397 = arith.divsi %add3A_1391, %div3A_1396 : vector<16xi32>
    %min3A_1398 = arith.constant 1 : i32
    %min3A_1399 = vector.broadcast %min3A_1398 : i32 to vector<16xi32>
    %min3A_1400 = arith.minsi %div3A_1397, %min3A_1399 : vector<16xi32>
    %rem3A_1401 = arith.constant 20 : i32
    %rem3A_1402 = vector.broadcast %rem3A_1401 : i32 to vector<16xi32>
    %rem3A_1403 = arith.remsi %add3A_1391, %rem3A_1402 : vector<16xi32>
    %add3A_1404 = arith.constant 26 : i32
    %add3A_1405 = vector.broadcast %add3A_1404 : i32 to vector<16xi32>
    %add3A_1406 = arith.addi %add3A_1405, %min3A_1400 : vector<16xi32>
    %add3A_1407 = arith.constant 8 : i32
    %add3A_1408 = vector.broadcast %add3A_1407 : i32 to vector<16xi32>
    %add3A_1409 = arith.addi %add3A_1406, %add3A_1408 : vector<16xi32>
    %gather3A_1410 = tpu.vector_load_idx %arg9[%add3A_1409] : memref<40xi32, #tpu.memory_space<vmem>>[vector<16xi32>], vector<16xi32>,
    %lt3A_1411 = arith.cmpi slt, %rem3A_1403, %gather3A_1410 : vector<16xi32>
    %convert_element_type3A_1412 = arith.extui %lt3A_1411 : vector<16xi1> to vector<16xi32>
    %convert_element_type3A_1413 = arith.extui %lt3A_1394 : vector<16xi1> to vector<16xi32>
    %mul3A_1414 = arith.muli %convert_element_type3A_1412, %convert_element_type3A_1413 : vector<16xi32>
    %get3A_1415 = arith.constant 520 : index
    %get3A_1416 = tpu.vector_load %arg8[%get3A_1415] {strides = array<i32>} : memref<656xi32, #tpu.memory_space<vmem>>, vector<16xi32>,
    %mul3A_1417 = arith.muli %get3A_1416, %mul3A_1414 : vector<16xi32>
    %add3A_1418 = arith.constant 16 : i32
    %add3A_1419 = vector.broadcast %add3A_1418 : i32 to vector<16xi32>
    %add3A_1420 = arith.addi %iota3A, %add3A_1419 : vector<16xi32>
    %lt3A_1421 = arith.constant 40 : i32
    %lt3A_1422 = vector.broadcast %lt3A_1421 : i32 to vector<16xi32>
    %lt3A_1423 = arith.cmpi slt, %add3A_1420, %lt3A_1422 : vector<16xi32>
    %div3A_1424 = arith.constant 20 : i32
    %div3A_1425 = vector.broadcast %div3A_1424 : i32 to vector<16xi32>
    %div3A_1426 = arith.divsi %add3A_1420, %div3A_1425 : vector<16xi32>
    %min3A_1427 = arith.constant 1 : i32
    %min3A_1428 = vector.broadcast %min3A_1427 : i32 to vector<16xi32>
    %min3A_1429 = arith.minsi %div3A_1426, %min3A_1428 : vector<16xi32>
    %rem3A_1430 = arith.constant 20 : i32
    %rem3A_1431 = vector.broadcast %rem3A_1430 : i32 to vector<16xi32>
    %rem3A_1432 = arith.remsi %add3A_1420, %rem3A_1431 : vector<16xi32>
    %add3A_1433 = arith.constant 26 : i32
    %add3A_1434 = vector.broadcast %add3A_1433 : i32 to vector<16xi32>
    %add3A_1435 = arith.addi %add3A_1434, %min3A_1429 : vector<16xi32>
    %add3A_1436 = arith.constant 8 : i32
    %add3A_1437 = vector.broadcast %add3A_1436 : i32 to vector<16xi32>
    %add3A_1438 = arith.addi %add3A_1435, %add3A_1437 : vector<16xi32>
    %gather3A_1439 = tpu.vector_load_idx %arg9[%add3A_1438] : memref<40xi32, #tpu.memory_space<vmem>>[vector<16xi32>], vector<16xi32>,
    %lt3A_1440 = arith.cmpi slt, %rem3A_1432, %gather3A_1439 : vector<16xi32>
    %convert_element_type3A_1441 = arith.extui %lt3A_1440 : vector<16xi1> to vector<16xi32>
    %convert_element_type3A_1442 = arith.extui %lt3A_1423 : vector<16xi1> to vector<16xi32>
    %mul3A_1443 = arith.muli %convert_element_type3A_1441, %convert_element_type3A_1442 : vector<16xi32>
    %get3A_1444 = arith.constant 536 : index
    %get3A_1445 = tpu.vector_load %arg8[%get3A_1444] {strides = array<i32>} : memref<656xi32, #tpu.memory_space<vmem>>, vector<16xi32>,
    %mul3A_1446 = arith.muli %get3A_1445, %mul3A_1443 : vector<16xi32>
    %add3A_1447 = arith.constant 32 : i32
    %add3A_1448 = vector.broadcast %add3A_1447 : i32 to vector<16xi32>
    %add3A_1449 = arith.addi %iota3A, %add3A_1448 : vector<16xi32>
    %lt3A_1450 = arith.constant 40 : i32
    %lt3A_1451 = vector.broadcast %lt3A_1450 : i32 to vector<16xi32>
    %lt3A_1452 = arith.cmpi slt, %add3A_1449, %lt3A_1451 : vector<16xi32>
    %div3A_1453 = arith.constant 20 : i32
    %div3A_1454 = vector.broadcast %div3A_1453 : i32 to vector<16xi32>
    %div3A_1455 = arith.divsi %add3A_1449, %div3A_1454 : vector<16xi32>
    %min3A_1456 = arith.constant 1 : i32
    %min3A_1457 = vector.broadcast %min3A_1456 : i32 to vector<16xi32>
    %min3A_1458 = arith.minsi %div3A_1455, %min3A_1457 : vector<16xi32>
    %rem3A_1459 = arith.constant 20 : i32
    %rem3A_1460 = vector.broadcast %rem3A_1459 : i32 to vector<16xi32>
    %rem3A_1461 = arith.remsi %add3A_1449, %rem3A_1460 : vector<16xi32>
    %add3A_1462 = arith.constant 26 : i32
    %add3A_1463 = vector.broadcast %add3A_1462 : i32 to vector<16xi32>
    %add3A_1464 = arith.addi %add3A_1463, %min3A_1458 : vector<16xi32>
    %add3A_1465 = arith.constant 8 : i32
    %add3A_1466 = vector.broadcast %add3A_1465 : i32 to vector<16xi32>
    %add3A_1467 = arith.addi %add3A_1464, %add3A_1466 : vector<16xi32>
    %gather3A_1468 = tpu.vector_load_idx %arg9[%add3A_1467] : memref<40xi32, #tpu.memory_space<vmem>>[vector<16xi32>], vector<16xi32>,
    %lt3A_1469 = arith.cmpi slt, %rem3A_1461, %gather3A_1468 : vector<16xi32>
    %convert_element_type3A_1470 = arith.extui %lt3A_1469 : vector<16xi1> to vector<16xi32>
    %convert_element_type3A_1471 = arith.extui %lt3A_1452 : vector<16xi1> to vector<16xi32>
    %mul3A_1472 = arith.muli %convert_element_type3A_1470, %convert_element_type3A_1471 : vector<16xi32>
    %get3A_1473 = arith.constant 552 : index
    %get3A_1474 = tpu.vector_load %arg8[%get3A_1473] {strides = array<i32>} : memref<656xi32, #tpu.memory_space<vmem>>, vector<16xi32>,
    %mul3A_1475 = arith.muli %get3A_1474, %mul3A_1472 : vector<16xi32>
    tpu.vector_store_idx %arg7[%min3A_1400, %rem3A_1403, %mul3A_1417], %broadcast_in_dim3A_13 masked %lt3A_1394 : memref<2x20x1000xf32, #tpu.memory_space<vmem>>[vector<16xi32>, vector<16xi32>, vector<16xi32>], vector<16xf32>, vector<16xi1>
    %swap3A_1476 = arith.constant 520 : index
    %swap3A_1477 = tpu.vector_load %arg10[%swap3A_1476] {strides = array<i32>} : memref<656xi32, #tpu.memory_space<vmem>>, vector<16xi32>,
    tpu.vector_store %arg10[%swap3A_1476], %mul3A_1414 {strides = array<i32>} : memref<656xi32, #tpu.memory_space<vmem>>, vector<16xi32>,
    tpu.vector_store_idx %arg7[%min3A_1429, %rem3A_1432, %mul3A_1446], %broadcast_in_dim3A_13 masked %lt3A_1423 : memref<2x20x1000xf32, #tpu.memory_space<vmem>>[vector<16xi32>, vector<16xi32>, vector<16xi32>], vector<16xf32>, vector<16xi1>
    %swap3A_1478 = arith.constant 536 : index
    %swap3A_1479 = tpu.vector_load %arg10[%swap3A_1478] {strides = array<i32>} : memref<656xi32, #tpu.memory_space<vmem>>, vector<16xi32>,
    tpu.vector_store %arg10[%swap3A_1478], %mul3A_1443 {strides = array<i32>} : memref<656xi32, #tpu.memory_space<vmem>>, vector<16xi32>,
    tpu.vector_store_idx %arg7[%min3A_1458, %rem3A_1461, %mul3A_1475], %broadcast_in_dim3A_13 masked %lt3A_1452 : memref<2x20x1000xf32, #tpu.memory_space<vmem>>[vector<16xi32>, vector<16xi32>, vector<16xi32>], vector<16xf32>, vector<16xi1>
    %swap3A_1480 = arith.constant 552 : index
    %swap3A_1481 = tpu.vector_load %arg10[%swap3A_1480] {strides = array<i32>} : memref<656xi32, #tpu.memory_space<vmem>>, vector<16xi32>,
    tpu.vector_store %arg10[%swap3A_1480], %mul3A_1472 {strides = array<i32>} : memref<656xi32, #tpu.memory_space<vmem>>, vector<16xi32>,
    %add3A_1482 = arith.constant 26 : i32
    %add3A_1483 = arith.addi %mul3A_2, %add3A_1482 : i32
    %dma_start3A_1484 = arith.constant 0 : i32
    %dma_start3A_1485 = arith.constant 0 : i32
    %dma_start3A_1486 = tpu.memref_slice %arg4[%add3A_1483, %dma_start3A_1484, %dma_start3A_1485] : memref<1024x20x1000xf32, #tpu.memory_space<hbm>> -> memref<2x20x1000xf32, #tpu.memory_space<hbm>>
    %dma_start3A_1487 = arith.constant 0 : i32
    %dma_start3A_1488 = arith.constant 0 : i32
    %dma_start3A_1489 = tpu.memref_slice %arg4[%add3A_1483, %dma_start3A_1487, %dma_start3A_1488] : memref<1024x20x1000xf32, #tpu.memory_space<hbm>> -> memref<2x20x1000xf32, #tpu.memory_space<hbm>>
    tpu.enqueue_dma source(%arg7 : memref<2x20x1000xf32, #tpu.memory_space<vmem>>) target(%dma_start3A_1489 : memref<2x20x1000xf32, #tpu.memory_space<hbm>>) target_semaphore(%arg12 : memref<!tpu.dma_semaphore, #tpu.memory_space<semaphore_mem>>)
    %dma_wait3A_1490 = arith.constant 0 : i32
    %dma_wait3A_1491 = arith.constant 0 : i32
    %dma_wait3A_1492 = tpu.memref_slice %arg4[%add3A_1376, %dma_wait3A_1490, %dma_wait3A_1491] : memref<1024x20x1000xf32, #tpu.memory_space<hbm>> -> memref<2x20x1000xf32, #tpu.memory_space<hbm>>
    %dma_wait3A_1493 = arith.constant 0 : i32
    %dma_wait3A_1494 = arith.constant 0 : i32
    %dma_wait3A_1495 = tpu.memref_slice %arg4[%add3A_1376, %dma_wait3A_1493, %dma_wait3A_1494] : memref<1024x20x1000xf32, #tpu.memory_space<hbm>> -> memref<2x20x1000xf32, #tpu.memory_space<hbm>>
    tpu.wait_dma2 semaphore(%arg11 : memref<!tpu.dma_semaphore, #tpu.memory_space<semaphore_mem>>) src(%arg6 : memref<2x20x1000xf32, #tpu.memory_space<vmem>>) dst(%dma_wait3A_1495 : memref<2x20x1000xf32, #tpu.memory_space<hbm>>)
    tpu.vector_store_idx %arg6[%min3A_1293, %rem3A_1296, %mul3A_1310], %broadcast_in_dim3A_5 masked %lt3A_1287 : memref<2x20x1000xf32, #tpu.memory_space<vmem>>[vector<16xi32>, vector<16xi32>, vector<16xi32>], vector<16xf32>, vector<16xi1>
    tpu.vector_store_idx %arg6[%min3A_1322, %rem3A_1325, %mul3A_1339], %broadcast_in_dim3A_5 masked %lt3A_1316 : memref<2x20x1000xf32, #tpu.memory_space<vmem>>[vector<16xi32>, vector<16xi32>, vector<16xi32>], vector<16xf32>, vector<16xi1>
    tpu.vector_store_idx %arg6[%min3A_1351, %rem3A_1354, %mul3A_1368], %broadcast_in_dim3A_5 masked %lt3A_1345 : memref<2x20x1000xf32, #tpu.memory_space<vmem>>[vector<16xi32>, vector<16xi32>, vector<16xi32>], vector<16xf32>, vector<16xi1>
    %add3A_1496 = arith.constant 0 : i32
    %add3A_1497 = vector.broadcast %add3A_1496 : i32 to vector<16xi32>
    %add3A_1498 = arith.addi %iota3A, %add3A_1497 : vector<16xi32>
    %lt3A_1499 = arith.constant 40 : i32
    %lt3A_1500 = vector.broadcast %lt3A_1499 : i32 to vector<16xi32>
    %lt3A_1501 = arith.cmpi slt, %add3A_1498, %lt3A_1500 : vector<16xi32>
    %div3A_1502 = arith.constant 20 : i32
    %div3A_1503 = vector.broadcast %div3A_1502 : i32 to vector<16xi32>
    %div3A_1504 = arith.divsi %add3A_1498, %div3A_1503 : vector<16xi32>
    %min3A_1505 = arith.constant 1 : i32
    %min3A_1506 = vector.broadcast %min3A_1505 : i32 to vector<16xi32>
    %min3A_1507 = arith.minsi %div3A_1504, %min3A_1506 : vector<16xi32>
    %rem3A_1508 = arith.constant 20 : i32
    %rem3A_1509 = vector.broadcast %rem3A_1508 : i32 to vector<16xi32>
    %rem3A_1510 = arith.remsi %add3A_1498, %rem3A_1509 : vector<16xi32>
    %add3A_1511 = arith.constant 28 : i32
    %add3A_1512 = vector.broadcast %add3A_1511 : i32 to vector<16xi32>
    %add3A_1513 = arith.addi %add3A_1512, %min3A_1507 : vector<16xi32>
    %add3A_1514 = arith.constant 8 : i32
    %add3A_1515 = vector.broadcast %add3A_1514 : i32 to vector<16xi32>
    %add3A_1516 = arith.addi %add3A_1513, %add3A_1515 : vector<16xi32>
    %gather3A_1517 = tpu.vector_load_idx %arg9[%add3A_1516] : memref<40xi32, #tpu.memory_space<vmem>>[vector<16xi32>], vector<16xi32>,
    %lt3A_1518 = arith.cmpi slt, %rem3A_1510, %gather3A_1517 : vector<16xi32>
    %convert_element_type3A_1519 = arith.extui %lt3A_1518 : vector<16xi1> to vector<16xi32>
    %convert_element_type3A_1520 = arith.extui %lt3A_1501 : vector<16xi1> to vector<16xi32>
    %mul3A_1521 = arith.muli %convert_element_type3A_1519, %convert_element_type3A_1520 : vector<16xi32>
    %get3A_1522 = arith.constant 560 : index
    %get3A_1523 = tpu.vector_load %arg8[%get3A_1522] {strides = array<i32>} : memref<656xi32, #tpu.memory_space<vmem>>, vector<16xi32>,
    %mul3A_1524 = arith.muli %get3A_1523, %mul3A_1521 : vector<16xi32>
    %add3A_1525 = arith.constant 16 : i32
    %add3A_1526 = vector.broadcast %add3A_1525 : i32 to vector<16xi32>
    %add3A_1527 = arith.addi %iota3A, %add3A_1526 : vector<16xi32>
    %lt3A_1528 = arith.constant 40 : i32
    %lt3A_1529 = vector.broadcast %lt3A_1528 : i32 to vector<16xi32>
    %lt3A_1530 = arith.cmpi slt, %add3A_1527, %lt3A_1529 : vector<16xi32>
    %div3A_1531 = arith.constant 20 : i32
    %div3A_1532 = vector.broadcast %div3A_1531 : i32 to vector<16xi32>
    %div3A_1533 = arith.divsi %add3A_1527, %div3A_1532 : vector<16xi32>
    %min3A_1534 = arith.constant 1 : i32
    %min3A_1535 = vector.broadcast %min3A_1534 : i32 to vector<16xi32>
    %min3A_1536 = arith.minsi %div3A_1533, %min3A_1535 : vector<16xi32>
    %rem3A_1537 = arith.constant 20 : i32
    %rem3A_1538 = vector.broadcast %rem3A_1537 : i32 to vector<16xi32>
    %rem3A_1539 = arith.remsi %add3A_1527, %rem3A_1538 : vector<16xi32>
    %add3A_1540 = arith.constant 28 : i32
    %add3A_1541 = vector.broadcast %add3A_1540 : i32 to vector<16xi32>
    %add3A_1542 = arith.addi %add3A_1541, %min3A_1536 : vector<16xi32>
    %add3A_1543 = arith.constant 8 : i32
    %add3A_1544 = vector.broadcast %add3A_1543 : i32 to vector<16xi32>
    %add3A_1545 = arith.addi %add3A_1542, %add3A_1544 : vector<16xi32>
    %gather3A_1546 = tpu.vector_load_idx %arg9[%add3A_1545] : memref<40xi32, #tpu.memory_space<vmem>>[vector<16xi32>], vector<16xi32>,
    %lt3A_1547 = arith.cmpi slt, %rem3A_1539, %gather3A_1546 : vector<16xi32>
    %convert_element_type3A_1548 = arith.extui %lt3A_1547 : vector<16xi1> to vector<16xi32>
    %convert_element_type3A_1549 = arith.extui %lt3A_1530 : vector<16xi1> to vector<16xi32>
    %mul3A_1550 = arith.muli %convert_element_type3A_1548, %convert_element_type3A_1549 : vector<16xi32>
    %get3A_1551 = arith.constant 576 : index
    %get3A_1552 = tpu.vector_load %arg8[%get3A_1551] {strides = array<i32>} : memref<656xi32, #tpu.memory_space<vmem>>, vector<16xi32>,
    %mul3A_1553 = arith.muli %get3A_1552, %mul3A_1550 : vector<16xi32>
    %add3A_1554 = arith.constant 32 : i32
    %add3A_1555 = vector.broadcast %add3A_1554 : i32 to vector<16xi32>
    %add3A_1556 = arith.addi %iota3A, %add3A_1555 : vector<16xi32>
    %lt3A_1557 = arith.constant 40 : i32
    %lt3A_1558 = vector.broadcast %lt3A_1557 : i32 to vector<16xi32>
    %lt3A_1559 = arith.cmpi slt, %add3A_1556, %lt3A_1558 : vector<16xi32>
    %div3A_1560 = arith.constant 20 : i32
    %div3A_1561 = vector.broadcast %div3A_1560 : i32 to vector<16xi32>
    %div3A_1562 = arith.divsi %add3A_1556, %div3A_1561 : vector<16xi32>
    %min3A_1563 = arith.constant 1 : i32
    %min3A_1564 = vector.broadcast %min3A_1563 : i32 to vector<16xi32>
    %min3A_1565 = arith.minsi %div3A_1562, %min3A_1564 : vector<16xi32>
    %rem3A_1566 = arith.constant 20 : i32
    %rem3A_1567 = vector.broadcast %rem3A_1566 : i32 to vector<16xi32>
    %rem3A_1568 = arith.remsi %add3A_1556, %rem3A_1567 : vector<16xi32>
    %add3A_1569 = arith.constant 28 : i32
    %add3A_1570 = vector.broadcast %add3A_1569 : i32 to vector<16xi32>
    %add3A_1571 = arith.addi %add3A_1570, %min3A_1565 : vector<16xi32>
    %add3A_1572 = arith.constant 8 : i32
    %add3A_1573 = vector.broadcast %add3A_1572 : i32 to vector<16xi32>
    %add3A_1574 = arith.addi %add3A_1571, %add3A_1573 : vector<16xi32>
    %gather3A_1575 = tpu.vector_load_idx %arg9[%add3A_1574] : memref<40xi32, #tpu.memory_space<vmem>>[vector<16xi32>], vector<16xi32>,
    %lt3A_1576 = arith.cmpi slt, %rem3A_1568, %gather3A_1575 : vector<16xi32>
    %convert_element_type3A_1577 = arith.extui %lt3A_1576 : vector<16xi1> to vector<16xi32>
    %convert_element_type3A_1578 = arith.extui %lt3A_1559 : vector<16xi1> to vector<16xi32>
    %mul3A_1579 = arith.muli %convert_element_type3A_1577, %convert_element_type3A_1578 : vector<16xi32>
    %get3A_1580 = arith.constant 592 : index
    %get3A_1581 = tpu.vector_load %arg8[%get3A_1580] {strides = array<i32>} : memref<656xi32, #tpu.memory_space<vmem>>, vector<16xi32>,
    %mul3A_1582 = arith.muli %get3A_1581, %mul3A_1579 : vector<16xi32>
    tpu.vector_store_idx %arg6[%min3A_1507, %rem3A_1510, %mul3A_1524], %broadcast_in_dim3A_13 masked %lt3A_1501 : memref<2x20x1000xf32, #tpu.memory_space<vmem>>[vector<16xi32>, vector<16xi32>, vector<16xi32>], vector<16xf32>, vector<16xi1>
    %swap3A_1583 = arith.constant 560 : index
    %swap3A_1584 = tpu.vector_load %arg10[%swap3A_1583] {strides = array<i32>} : memref<656xi32, #tpu.memory_space<vmem>>, vector<16xi32>,
    tpu.vector_store %arg10[%swap3A_1583], %mul3A_1521 {strides = array<i32>} : memref<656xi32, #tpu.memory_space<vmem>>, vector<16xi32>,
    tpu.vector_store_idx %arg6[%min3A_1536, %rem3A_1539, %mul3A_1553], %broadcast_in_dim3A_13 masked %lt3A_1530 : memref<2x20x1000xf32, #tpu.memory_space<vmem>>[vector<16xi32>, vector<16xi32>, vector<16xi32>], vector<16xf32>, vector<16xi1>
    %swap3A_1585 = arith.constant 576 : index
    %swap3A_1586 = tpu.vector_load %arg10[%swap3A_1585] {strides = array<i32>} : memref<656xi32, #tpu.memory_space<vmem>>, vector<16xi32>,
    tpu.vector_store %arg10[%swap3A_1585], %mul3A_1550 {strides = array<i32>} : memref<656xi32, #tpu.memory_space<vmem>>, vector<16xi32>,
    tpu.vector_store_idx %arg6[%min3A_1565, %rem3A_1568, %mul3A_1582], %broadcast_in_dim3A_13 masked %lt3A_1559 : memref<2x20x1000xf32, #tpu.memory_space<vmem>>[vector<16xi32>, vector<16xi32>, vector<16xi32>], vector<16xf32>, vector<16xi1>
    %swap3A_1587 = arith.constant 592 : index
    %swap3A_1588 = tpu.vector_load %arg10[%swap3A_1587] {strides = array<i32>} : memref<656xi32, #tpu.memory_space<vmem>>, vector<16xi32>,
    tpu.vector_store %arg10[%swap3A_1587], %mul3A_1579 {strides = array<i32>} : memref<656xi32, #tpu.memory_space<vmem>>, vector<16xi32>,
    %add3A_1589 = arith.constant 28 : i32
    %add3A_1590 = arith.addi %mul3A_2, %add3A_1589 : i32
    %dma_start3A_1591 = arith.constant 0 : i32
    %dma_start3A_1592 = arith.constant 0 : i32
    %dma_start3A_1593 = tpu.memref_slice %arg4[%add3A_1590, %dma_start3A_1591, %dma_start3A_1592] : memref<1024x20x1000xf32, #tpu.memory_space<hbm>> -> memref<2x20x1000xf32, #tpu.memory_space<hbm>>
    %dma_start3A_1594 = arith.constant 0 : i32
    %dma_start3A_1595 = arith.constant 0 : i32
    %dma_start3A_1596 = tpu.memref_slice %arg4[%add3A_1590, %dma_start3A_1594, %dma_start3A_1595] : memref<1024x20x1000xf32, #tpu.memory_space<hbm>> -> memref<2x20x1000xf32, #tpu.memory_space<hbm>>
    tpu.enqueue_dma source(%arg6 : memref<2x20x1000xf32, #tpu.memory_space<vmem>>) target(%dma_start3A_1596 : memref<2x20x1000xf32, #tpu.memory_space<hbm>>) target_semaphore(%arg11 : memref<!tpu.dma_semaphore, #tpu.memory_space<semaphore_mem>>)
    %dma_wait3A_1597 = arith.constant 0 : i32
    %dma_wait3A_1598 = arith.constant 0 : i32
    %dma_wait3A_1599 = tpu.memref_slice %arg4[%add3A_1483, %dma_wait3A_1597, %dma_wait3A_1598] : memref<1024x20x1000xf32, #tpu.memory_space<hbm>> -> memref<2x20x1000xf32, #tpu.memory_space<hbm>>
    %dma_wait3A_1600 = arith.constant 0 : i32
    %dma_wait3A_1601 = arith.constant 0 : i32
    %dma_wait3A_1602 = tpu.memref_slice %arg4[%add3A_1483, %dma_wait3A_1600, %dma_wait3A_1601] : memref<1024x20x1000xf32, #tpu.memory_space<hbm>> -> memref<2x20x1000xf32, #tpu.memory_space<hbm>>
    tpu.wait_dma2 semaphore(%arg12 : memref<!tpu.dma_semaphore, #tpu.memory_space<semaphore_mem>>) src(%arg7 : memref<2x20x1000xf32, #tpu.memory_space<vmem>>) dst(%dma_wait3A_1602 : memref<2x20x1000xf32, #tpu.memory_space<hbm>>)
    tpu.vector_store_idx %arg7[%min3A_1400, %rem3A_1403, %mul3A_1417], %broadcast_in_dim3A_5 masked %lt3A_1394 : memref<2x20x1000xf32, #tpu.memory_space<vmem>>[vector<16xi32>, vector<16xi32>, vector<16xi32>], vector<16xf32>, vector<16xi1>
    tpu.vector_store_idx %arg7[%min3A_1429, %rem3A_1432, %mul3A_1446], %broadcast_in_dim3A_5 masked %lt3A_1423 : memref<2x20x1000xf32, #tpu.memory_space<vmem>>[vector<16xi32>, vector<16xi32>, vector<16xi32>], vector<16xf32>, vector<16xi1>
    tpu.vector_store_idx %arg7[%min3A_1458, %rem3A_1461, %mul3A_1475], %broadcast_in_dim3A_5 masked %lt3A_1452 : memref<2x20x1000xf32, #tpu.memory_space<vmem>>[vector<16xi32>, vector<16xi32>, vector<16xi32>], vector<16xf32>, vector<16xi1>
    %add3A_1603 = arith.constant 0 : i32
    %add3A_1604 = vector.broadcast %add3A_1603 : i32 to vector<16xi32>
    %add3A_1605 = arith.addi %iota3A, %add3A_1604 : vector<16xi32>
    %lt3A_1606 = arith.constant 40 : i32
    %lt3A_1607 = vector.broadcast %lt3A_1606 : i32 to vector<16xi32>
    %lt3A_1608 = arith.cmpi slt, %add3A_1605, %lt3A_1607 : vector<16xi32>
    %div3A_1609 = arith.constant 20 : i32
    %div3A_1610 = vector.broadcast %div3A_1609 : i32 to vector<16xi32>
    %div3A_1611 = arith.divsi %add3A_1605, %div3A_1610 : vector<16xi32>
    %min3A_1612 = arith.constant 1 : i32
    %min3A_1613 = vector.broadcast %min3A_1612 : i32 to vector<16xi32>
    %min3A_1614 = arith.minsi %div3A_1611, %min3A_1613 : vector<16xi32>
    %rem3A_1615 = arith.constant 20 : i32
    %rem3A_1616 = vector.broadcast %rem3A_1615 : i32 to vector<16xi32>
    %rem3A_1617 = arith.remsi %add3A_1605, %rem3A_1616 : vector<16xi32>
    %add3A_1618 = arith.constant 30 : i32
    %add3A_1619 = vector.broadcast %add3A_1618 : i32 to vector<16xi32>
    %add3A_1620 = arith.addi %add3A_1619, %min3A_1614 : vector<16xi32>
    %add3A_1621 = arith.constant 8 : i32
    %add3A_1622 = vector.broadcast %add3A_1621 : i32 to vector<16xi32>
    %add3A_1623 = arith.addi %add3A_1620, %add3A_1622 : vector<16xi32>
    %gather3A_1624 = tpu.vector_load_idx %arg9[%add3A_1623] : memref<40xi32, #tpu.memory_space<vmem>>[vector<16xi32>], vector<16xi32>,
    %lt3A_1625 = arith.cmpi slt, %rem3A_1617, %gather3A_1624 : vector<16xi32>
    %convert_element_type3A_1626 = arith.extui %lt3A_1625 : vector<16xi1> to vector<16xi32>
    %convert_element_type3A_1627 = arith.extui %lt3A_1608 : vector<16xi1> to vector<16xi32>
    %mul3A_1628 = arith.muli %convert_element_type3A_1626, %convert_element_type3A_1627 : vector<16xi32>
    %get3A_1629 = arith.constant 600 : index
    %get3A_1630 = tpu.vector_load %arg8[%get3A_1629] {strides = array<i32>} : memref<656xi32, #tpu.memory_space<vmem>>, vector<16xi32>,
    %mul3A_1631 = arith.muli %get3A_1630, %mul3A_1628 : vector<16xi32>
    %add3A_1632 = arith.constant 16 : i32
    %add3A_1633 = vector.broadcast %add3A_1632 : i32 to vector<16xi32>
    %add3A_1634 = arith.addi %iota3A, %add3A_1633 : vector<16xi32>
    %lt3A_1635 = arith.constant 40 : i32
    %lt3A_1636 = vector.broadcast %lt3A_1635 : i32 to vector<16xi32>
    %lt3A_1637 = arith.cmpi slt, %add3A_1634, %lt3A_1636 : vector<16xi32>
    %div3A_1638 = arith.constant 20 : i32
    %div3A_1639 = vector.broadcast %div3A_1638 : i32 to vector<16xi32>
    %div3A_1640 = arith.divsi %add3A_1634, %div3A_1639 : vector<16xi32>
    %min3A_1641 = arith.constant 1 : i32
    %min3A_1642 = vector.broadcast %min3A_1641 : i32 to vector<16xi32>
    %min3A_1643 = arith.minsi %div3A_1640, %min3A_1642 : vector<16xi32>
    %rem3A_1644 = arith.constant 20 : i32
    %rem3A_1645 = vector.broadcast %rem3A_1644 : i32 to vector<16xi32>
    %rem3A_1646 = arith.remsi %add3A_1634, %rem3A_1645 : vector<16xi32>
    %add3A_1647 = arith.constant 30 : i32
    %add3A_1648 = vector.broadcast %add3A_1647 : i32 to vector<16xi32>
    %add3A_1649 = arith.addi %add3A_1648, %min3A_1643 : vector<16xi32>
    %add3A_1650 = arith.constant 8 : i32
    %add3A_1651 = vector.broadcast %add3A_1650 : i32 to vector<16xi32>
    %add3A_1652 = arith.addi %add3A_1649, %add3A_1651 : vector<16xi32>
    %gather3A_1653 = tpu.vector_load_idx %arg9[%add3A_1652] : memref<40xi32, #tpu.memory_space<vmem>>[vector<16xi32>], vector<16xi32>,
    %lt3A_1654 = arith.cmpi slt, %rem3A_1646, %gather3A_1653 : vector<16xi32>
    %convert_element_type3A_1655 = arith.extui %lt3A_1654 : vector<16xi1> to vector<16xi32>
    %convert_element_type3A_1656 = arith.extui %lt3A_1637 : vector<16xi1> to vector<16xi32>
    %mul3A_1657 = arith.muli %convert_element_type3A_1655, %convert_element_type3A_1656 : vector<16xi32>
    %get3A_1658 = arith.constant 616 : index
    %get3A_1659 = tpu.vector_load %arg8[%get3A_1658] {strides = array<i32>} : memref<656xi32, #tpu.memory_space<vmem>>, vector<16xi32>,
    %mul3A_1660 = arith.muli %get3A_1659, %mul3A_1657 : vector<16xi32>
    %add3A_1661 = arith.constant 32 : i32
    %add3A_1662 = vector.broadcast %add3A_1661 : i32 to vector<16xi32>
    %add3A_1663 = arith.addi %iota3A, %add3A_1662 : vector<16xi32>
    %lt3A_1664 = arith.constant 40 : i32
    %lt3A_1665 = vector.broadcast %lt3A_1664 : i32 to vector<16xi32>
    %lt3A_1666 = arith.cmpi slt, %add3A_1663, %lt3A_1665 : vector<16xi32>
    %div3A_1667 = arith.constant 20 : i32
    %div3A_1668 = vector.broadcast %div3A_1667 : i32 to vector<16xi32>
    %div3A_1669 = arith.divsi %add3A_1663, %div3A_1668 : vector<16xi32>
    %min3A_1670 = arith.constant 1 : i32
    %min3A_1671 = vector.broadcast %min3A_1670 : i32 to vector<16xi32>
    %min3A_1672 = arith.minsi %div3A_1669, %min3A_1671 : vector<16xi32>
    %rem3A_1673 = arith.constant 20 : i32
    %rem3A_1674 = vector.broadcast %rem3A_1673 : i32 to vector<16xi32>
    %rem3A_1675 = arith.remsi %add3A_1663, %rem3A_1674 : vector<16xi32>
    %add3A_1676 = arith.constant 30 : i32
    %add3A_1677 = vector.broadcast %add3A_1676 : i32 to vector<16xi32>
    %add3A_1678 = arith.addi %add3A_1677, %min3A_1672 : vector<16xi32>
    %add3A_1679 = arith.constant 8 : i32
    %add3A_1680 = vector.broadcast %add3A_1679 : i32 to vector<16xi32>
    %add3A_1681 = arith.addi %add3A_1678, %add3A_1680 : vector<16xi32>
    %gather3A_1682 = tpu.vector_load_idx %arg9[%add3A_1681] : memref<40xi32, #tpu.memory_space<vmem>>[vector<16xi32>], vector<16xi32>,
    %lt3A_1683 = arith.cmpi slt, %rem3A_1675, %gather3A_1682 : vector<16xi32>
    %convert_element_type3A_1684 = arith.extui %lt3A_1683 : vector<16xi1> to vector<16xi32>
    %convert_element_type3A_1685 = arith.extui %lt3A_1666 : vector<16xi1> to vector<16xi32>
    %mul3A_1686 = arith.muli %convert_element_type3A_1684, %convert_element_type3A_1685 : vector<16xi32>
    %get3A_1687 = arith.constant 632 : index
    %get3A_1688 = tpu.vector_load %arg8[%get3A_1687] {strides = array<i32>} : memref<656xi32, #tpu.memory_space<vmem>>, vector<16xi32>,
    %mul3A_1689 = arith.muli %get3A_1688, %mul3A_1686 : vector<16xi32>
    tpu.vector_store_idx %arg7[%min3A_1614, %rem3A_1617, %mul3A_1631], %broadcast_in_dim3A_13 masked %lt3A_1608 : memref<2x20x1000xf32, #tpu.memory_space<vmem>>[vector<16xi32>, vector<16xi32>, vector<16xi32>], vector<16xf32>, vector<16xi1>
    %swap3A_1690 = arith.constant 600 : index
    %swap3A_1691 = tpu.vector_load %arg10[%swap3A_1690] {strides = array<i32>} : memref<656xi32, #tpu.memory_space<vmem>>, vector<16xi32>,
    tpu.vector_store %arg10[%swap3A_1690], %mul3A_1628 {strides = array<i32>} : memref<656xi32, #tpu.memory_space<vmem>>, vector<16xi32>,
    tpu.vector_store_idx %arg7[%min3A_1643, %rem3A_1646, %mul3A_1660], %broadcast_in_dim3A_13 masked %lt3A_1637 : memref<2x20x1000xf32, #tpu.memory_space<vmem>>[vector<16xi32>, vector<16xi32>, vector<16xi32>], vector<16xf32>, vector<16xi1>
    %swap3A_1692 = arith.constant 616 : index
    %swap3A_1693 = tpu.vector_load %arg10[%swap3A_1692] {strides = array<i32>} : memref<656xi32, #tpu.memory_space<vmem>>, vector<16xi32>,
    tpu.vector_store %arg10[%swap3A_1692], %mul3A_1657 {strides = array<i32>} : memref<656xi32, #tpu.memory_space<vmem>>, vector<16xi32>,
    tpu.vector_store_idx %arg7[%min3A_1672, %rem3A_1675, %mul3A_1689], %broadcast_in_dim3A_13 masked %lt3A_1666 : memref<2x20x1000xf32, #tpu.memory_space<vmem>>[vector<16xi32>, vector<16xi32>, vector<16xi32>], vector<16xf32>, vector<16xi1>
    %swap3A_1694 = arith.constant 632 : index
    %swap3A_1695 = tpu.vector_load %arg10[%swap3A_1694] {strides = array<i32>} : memref<656xi32, #tpu.memory_space<vmem>>, vector<16xi32>,
    tpu.vector_store %arg10[%swap3A_1694], %mul3A_1686 {strides = array<i32>} : memref<656xi32, #tpu.memory_space<vmem>>, vector<16xi32>,
    %add3A_1696 = arith.constant 30 : i32
    %add3A_1697 = arith.addi %mul3A_2, %add3A_1696 : i32
    %dma_start3A_1698 = arith.constant 0 : i32
    %dma_start3A_1699 = arith.constant 0 : i32
    %dma_start3A_1700 = tpu.memref_slice %arg4[%add3A_1697, %dma_start3A_1698, %dma_start3A_1699] : memref<1024x20x1000xf32, #tpu.memory_space<hbm>> -> memref<2x20x1000xf32, #tpu.memory_space<hbm>>
    %dma_start3A_1701 = arith.constant 0 : i32
    %dma_start3A_1702 = arith.constant 0 : i32
    %dma_start3A_1703 = tpu.memref_slice %arg4[%add3A_1697, %dma_start3A_1701, %dma_start3A_1702] : memref<1024x20x1000xf32, #tpu.memory_space<hbm>> -> memref<2x20x1000xf32, #tpu.memory_space<hbm>>
    tpu.enqueue_dma source(%arg7 : memref<2x20x1000xf32, #tpu.memory_space<vmem>>) target(%dma_start3A_1703 : memref<2x20x1000xf32, #tpu.memory_space<hbm>>) target_semaphore(%arg12 : memref<!tpu.dma_semaphore, #tpu.memory_space<semaphore_mem>>)
    "tpu.region"() ({
      %run_scoped3A = tpu.sem_alloc : memref<!tpu.dma_semaphore, #tpu.memory_space<semaphore_mem>>
      %dma_start3A_1716 = arith.constant 0 : i32
      %dma_start3A_1717 = tpu.memref_slice %arg10[%dma_start3A_1716] : memref<656xi32, #tpu.memory_space<vmem>> -> memref<640xi32, #tpu.memory_space<vmem>>
      %dma_start3A_1718 = tpu.memref_slice %arg5[%mul3A_4] : memref<20480xi32, #tpu.memory_space<hbm>> -> memref<640xi32, #tpu.memory_space<hbm>>
      %dma_start3A_1719 = tpu.memref_slice %arg5[%mul3A_4] : memref<20480xi32, #tpu.memory_space<hbm>> -> memref<640xi32, #tpu.memory_space<hbm>>
      %dma_start3A_1720 = arith.constant 0 : i32
      %dma_start3A_1721 = tpu.memref_slice %arg10[%dma_start3A_1720] : memref<656xi32, #tpu.memory_space<vmem>> -> memref<640xi32, #tpu.memory_space<vmem>>
      tpu.enqueue_dma source(%dma_start3A_1721 : memref<640xi32, #tpu.memory_space<vmem>>) target(%dma_start3A_1719 : memref<640xi32, #tpu.memory_space<hbm>>) target_semaphore(%run_scoped3A : memref<!tpu.dma_semaphore, #tpu.memory_space<semaphore_mem>>)
      %dma_wait3A_1722 = arith.constant 0 : i32
      %dma_wait3A_1723 = tpu.memref_slice %arg10[%dma_wait3A_1722] : memref<656xi32, #tpu.memory_space<vmem>> -> memref<640xi32, #tpu.memory_space<vmem>>
      %dma_wait3A_1724 = tpu.memref_slice %arg5[%mul3A_4] : memref<20480xi32, #tpu.memory_space<hbm>> -> memref<640xi32, #tpu.memory_space<hbm>>
      %dma_wait3A_1725 = tpu.memref_slice %arg5[%mul3A_4] : memref<20480xi32, #tpu.memory_space<hbm>> -> memref<640xi32, #tpu.memory_space<hbm>>
      %dma_wait3A_1726 = arith.constant 0 : i32
      %dma_wait3A_1727 = tpu.memref_slice %arg10[%dma_wait3A_1726] : memref<656xi32, #tpu.memory_space<vmem>> -> memref<640xi32, #tpu.memory_space<vmem>>
      tpu.wait_dma2 semaphore(%run_scoped3A : memref<!tpu.dma_semaphore, #tpu.memory_space<semaphore_mem>>) src(%dma_wait3A_1727 : memref<640xi32, #tpu.memory_space<vmem>>) dst(%dma_wait3A_1725 : memref<640xi32, #tpu.memory_space<hbm>>)
      tpu.yield
    }) : () -> ()
    %dma_wait3A_1704 = arith.constant 0 : i32
    %dma_wait3A_1705 = arith.constant 0 : i32
    %dma_wait3A_1706 = tpu.memref_slice %arg4[%add3A_1590, %dma_wait3A_1704, %dma_wait3A_1705] : memref<1024x20x1000xf32, #tpu.memory_space<hbm>> -> memref<2x20x1000xf32, #tpu.memory_space<hbm>>
    %dma_wait3A_1707 = arith.constant 0 : i32
    %dma_wait3A_1708 = arith.constant 0 : i32
    %dma_wait3A_1709 = tpu.memref_slice %arg4[%add3A_1590, %dma_wait3A_1707, %dma_wait3A_1708] : memref<1024x20x1000xf32, #tpu.memory_space<hbm>> -> memref<2x20x1000xf32, #tpu.memory_space<hbm>>
    tpu.wait_dma2 semaphore(%arg11 : memref<!tpu.dma_semaphore, #tpu.memory_space<semaphore_mem>>) src(%arg6 : memref<2x20x1000xf32, #tpu.memory_space<vmem>>) dst(%dma_wait3A_1709 : memref<2x20x1000xf32, #tpu.memory_space<hbm>>)
    %dma_wait3A_1710 = arith.constant 0 : i32
    %dma_wait3A_1711 = arith.constant 0 : i32
    %dma_wait3A_1712 = tpu.memref_slice %arg4[%add3A_1697, %dma_wait3A_1710, %dma_wait3A_1711] : memref<1024x20x1000xf32, #tpu.memory_space<hbm>> -> memref<2x20x1000xf32, #tpu.memory_space<hbm>>
    %dma_wait3A_1713 = arith.constant 0 : i32
    %dma_wait3A_1714 = arith.constant 0 : i32
    %dma_wait3A_1715 = tpu.memref_slice %arg4[%add3A_1697, %dma_wait3A_1713, %dma_wait3A_1714] : memref<1024x20x1000xf32, #tpu.memory_space<hbm>> -> memref<2x20x1000xf32, #tpu.memory_space<hbm>>
    tpu.wait_dma2 semaphore(%arg12 : memref<!tpu.dma_semaphore, #tpu.memory_space<semaphore_mem>>) src(%arg7 : memref<2x20x1000xf32, #tpu.memory_space<vmem>>) dst(%dma_wait3A_1715 : memref<2x20x1000xf32, #tpu.memory_space<hbm>>)
    return
  }
}

</mosaic_0001>

<sc_bundles>
// kernel: _run.3.cloned.1.call-start
scs
__scs_entry_jumppad:
0x0: {  	(pc) =	sbr.rel $0x88, $3  }
0x1: {  	(tag) =	ssettag $0x0;
	lr =	simm.s32 $0x1  }
0x2: {  	[smem:$0x3F9F] =	sst lr;
	_ =	strace $0xD0000000  }
0x3: {  	_ = 	snop  }
0x4: {  	_ = 	snop  }
0x5: {  	_ = 	snop  }
0x6: {  	_ = 	snop  }
0x7: {  	_ = 	snop  }
__scs_overlays_trampoline_lowered:
0x8: {  	[smem:$0x3FAE] =	sst s0  }
0x9: {  	[smem:$0x3FAF] =	sst s1  }
0xa: {  	[smem:$0x3FB0] =	sst s2  }
0xb: {  	[smem:$0x3FB1] =	sst s3  }
0xc: {  	[smem:$0x3FB2] =	sst s4  }
0xd: {  	[smem:$0x3FB3] =	sst s5  }
0xe: {  	[smem:$0x3FB4] =	sst s6  }
0xf: {  	[smem:$0x3FB5] =	sst s7  }
0x10: {  	[smem:$0x3FB6] =	sst s8  }
0x11: {  	[smem:$0x3FB7] =	sst s9;
	s0 =	simm.s32 @!p0 $0x0  }
0x12: {  	s1 =	sld [smem:$0x3F9D];
	s0 =	simm.s32 @p0 $0x1  }
0x13: {  	[smem:$0x3FB8] =	sst s0;
	s0 =	simm.s32 @!p1 $0x0  }
0x14: {  	s2 =	sld [smem:$0x3F9C];
	s0 =	simm.s32 @p1 $0x1  }
0x15: {  	[smem:$0x3FB9] =	sst s0;
	s0 =	simm.s32 @!p2 $0x0  }
0x16: {  	s3 =	sld [smem:$0x3FDB];
	s0 =	simm.s32 @p2 $0x1  }
0x17: {  	s4 =	simm.s32 $0x1BF5;
	[smem:$0x3FBB] =	sst s0  }
0x18: {  	s0 =	sld [smem:$0x3F9E];
	_ =	swait.ge [sflag:s4], $0x0  }
0x19: {  	s7 =	sld [smem:$0x3F9F]  }
0x1a: {  	s8 =	sadd.s32 $0xFFFFE003, lr  }
0x1b: {  	s9 =	sadd.s32 $0xFFFFFEF7, lr;
	s5 =	simm.s32 $0xFFFFFFFF;
	p2 =	slt.u32 s8, $0xFFFFF086  }
0x1c: {  	p1 =	slt.u32 s9, $0xF7A;
	s5 =	simm.s32 @!p2 $0x0  }
0x1d: {  	s5 =	simm.s32 @p1 $0x1;
	p0 =	seq.s32 s7, s2  }
0x1e: {  	s7 =	smul.u32 @!p0 $0xF7A, s2;
	p2 =	seq.s32 @!p0 s5, $0x0  }
0x1f: {  	s9 =	smul.u32 $0xF7A, s1;
	s8 =	simm.s32 @!p0 $0x1BF5;
	p2 =	por !p2, p0  }
0x20: {  	[sflag:s8] =	ssyncset.s32 @!p0 $0xFFFFF086;
	s6 =	sadd.s32 @!p0 s3, s7;
	s7 =	simm.s32 @!p0 $0x108  }
0x21: {  	s3 =	sadd.s32 s3, s9;
	s6 =	sadd.s32 @!p0 $0x88, s6;
	s7 =	simm.s32 @p2 $0x1082  }
0x22: {  	[simem:s7], [sflag:s8] =	dma.local @!p0 [hbm:s6], $0xF7A  }
0x23: {  	s9 =	sor.u32 $0xD0000000, s2;
	s6 =	simm.s32 $0x108;
	_ =	swait.ge @!p0 [sflag:s8], $0x0  }
0x24: {  	s3 =	sadd.s32 $0x88, s3;
	s6 =	simm.s32 @!p1 $0x1082;
	[sflag:s4] =	ssyncset.s32 $0xFFFFF086  }
0x25: {  	[simem:s6], [sflag:s4] =	dma.local [hbm:s3], $0xF7A  }
0x26: {  	[smem:$0x3F9F] =	sst s1;
	(tag) =	ssettag s2;
	_ =	strace s9  }
0x27: {  	s1 =	sld [smem:$0x3FAF]  }
0x28: {  	s2 =	sld [smem:$0x3FB0]  }
0x29: {  	s4 =	sld [smem:$0x3FB2]  }
0x2a: {  	p0 =	seq.s32 s5, $0x0;
	s5 =	sld [smem:$0x3FB3]  }
0x2b: {  	s6 =	sld [smem:$0x3FB4]  }
0x2c: {  	s7 =	sld [smem:$0x3FB5]  }
0x2d: {  	s3 =	simm.s32 $0x108;
	s8 =	sld [smem:$0x3FB6]  }
0x2e: {  	s3 =	simm.s32 @!p0 $0x1082;
	s9 =	sld [smem:$0x3FB7]  }
0x2f: {  	lr =	sadd.s32 s0, s3;
	s0 =	sld [smem:$0x3FAE]  }
0x30: {  	s3 =	sld [smem:$0x3FB1]  }
0x31: {  	[smem:$0x3FBA] =	sst s10  }
0x32: {  	s10 =	sld [smem:$0x3FB8];
	_ =	sdelay $0x3  }
0x33: {  	p0 =	seq.s32 s10, $0x1;
	s10 =	sld [smem:$0x3FBA];
	_ =	sdelay $0x3  }
0x34: {  	[smem:$0x3FBA] =	sst s10  }
0x35: {  	s10 =	sld [smem:$0x3FB9];
	_ =	sdelay $0x3  }
0x36: {  	p1 =	seq.s32 s10, $0x1;
	s10 =	sld [smem:$0x3FBA];
	_ =	sdelay $0x3  }
0x37: {  	[smem:$0x3FBA] =	sst s10  }
0x38: {  	s10 =	sld [smem:$0x3FBB]  }
0x39: {  	_ = 	snop;
	(pc) =	sbr.ind lr, $3  }
0x3a: {  	_ = 	snop  }
0x3b: {  	_ = 	snop  }
0x3c: {  	p2 =	seq.s32 s10, $0x1;
	s10 =	sld [smem:$0x3FBA]  }
0x3d: {  	_ =	shalt  }
0x3e: {  	_ =	shalt  }
0x3f: {  	_ =	shalt  }
0x40: {  	_ =	shalt  }
0x41: {  	_ =	shalt  }
0x42: {  	_ =	shalt  }
0x43: {  	_ =	shalt  }
0x44: {  	_ =	shalt  }
0x45: {  	_ =	shalt  }
0x46: {  	_ =	shalt  }
0x47: {  	_ =	shalt  }
0x48: {  	_ =	shalt  }
0x49: {  	_ =	shalt  }
0x4a: {  	_ =	shalt  }
0x4b: {  	_ =	shalt  }
0x4c: {  	_ =	shalt  }
0x4d: {  	_ =	shalt  }
0x4e: {  	_ =	shalt  }
0x4f: {  	_ =	shalt  }
0x50: {  	_ =	shalt  }
0x51: {  	_ =	shalt  }
0x52: {  	_ =	shalt  }
0x53: {  	_ =	shalt  }
0x54: {  	_ =	shalt  }
0x55: {  	_ =	shalt  }
0x56: {  	_ =	shalt  }
0x57: {  	_ =	shalt  }
0x58: {  	_ =	shalt  }
0x59: {  	_ =	shalt  }
0x5a: {  	_ =	shalt  }
0x5b: {  	_ =	shalt  }
0x5c: {  	_ =	shalt  }
0x5d: {  	_ =	shalt  }
0x5e: {  	_ =	shalt  }
0x5f: {  	_ =	shalt  }
0x60: {  	_ =	shalt  }
0x61: {  	_ =	shalt  }
0x62: {  	_ =	shalt  }
0x63: {  	_ =	shalt  }
0x64: {  	_ =	shalt  }
0x65: {  	_ =	shalt  }
0x66: {  	_ =	shalt  }
0x67: {  	_ =	shalt  }
0x68: {  	_ =	shalt  }
0x69: {  	_ =	shalt  }
0x6a: {  	_ =	shalt  }
0x6b: {  	_ =	shalt  }
0x6c: {  	_ =	shalt  }
0x6d: {  	_ =	shalt  }
0x6e: {  	_ =	shalt  }
0x6f: {  	_ =	shalt  }
0x70: {  	_ =	shalt  }
0x71: {  	_ =	shalt  }
0x72: {  	_ =	shalt  }
0x73: {  	_ =	shalt  }
0x74: {  	_ =	shalt  }
0x75: {  	_ =	shalt  }
0x76: {  	_ =	shalt  }
0x77: {  	_ =	shalt  }
0x78: {  	_ =	shalt  }
0x79: {  	_ =	shalt  }
0x7a: {  	_ =	shalt  }
0x7b: {  	_ =	shalt  }
0x7c: {  	_ =	shalt  }
0x7d: {  	_ =	shalt  }
0x7e: {  	_ =	shalt  }
0x7f: {  	_ =	shalt  }
0x80: {  	_ =	shalt  }
0x81: {  	_ =	shalt  }
0x82: {  	_ =	shalt  }
0x83: {  	_ =	shalt  }
0x84: {  	_ =	shalt  }
0x85: {  	_ =	shalt  }
0x86: {  	_ =	shalt  }
0x87: {  	_ =	shalt  }
.Lfunc_end0:
.L_simem_size_0:
called_computation_lowered:
.L_overlay_start_0:
0x88: {  	s2 =	sld [smem:$0x3FD9]  }
0x89: {  	s3 =	sld [smem:$0x3FFE];
	_ =	sdelay $0x1  }
0x8a: {  	s1 =	srdreg.scid  }
0x8b: {  	s0 =	sand.u32 $0x1, s1  }
0x8c: {  	s14 =	sshll.u32 s0, $0xA;
	s2 =	sadd.s32 s3, s2  }
0x8d: {  	s2 =	sadd.s32 s2, s14  }
0x8e: {  	[smem:$0x3FC6] =	sst s2  }
0x8f: {  	_ = 	snop  }
0x90: {  	s2 =	sld [smem:$0x3FD0];
	_ =	sdelay $0x1  }
0x91: {  	s15 =	sld [smem:$0x3FC9]  }
0x92: {  	s5 =	simm.s32 $0xA;
	s6 =	simm.s32 $0x10;
	s4 =	sld [smem:$0x3FC8]  }
0x93: {  	[smem:s6], [sflag:s5] =	dma.local [hbm:s2], $0x1  }
0x94: {  	_ =	swait.eq [sflag:s5], $0x1  }
0x95: {  	[sflag:s5] =	ssyncset.done $0x0  }
0x96: {  	[sflag:s5] =	ssyncadd.s32 $0xFFFFFFFF  }
0x97: {  	s16 =	sld [smem:$0x11];
	(tm) =	ssettm $0x1  }
0x98: {  	s17 =	sld [smem:$0x3FFB];
	_ =	sdelay $0x3  }
0x99: {  	_ =	strace s17  }
0x9a: {  	s5 =	sld [smem:$0x3FFC];
	_ =	sdelay $0x3  }
0x9b: {  	_ =	strace s5  }
0x9c: {  	s5 =	sld [smem:$0x3FFD];
	_ =	sdelay $0x3  }
0x9d: {  	_ =	strace s5  }
0x9e: {  	_ =	strace $0x8FFFFFFF  }
0x9f: {  	s18 =	sld [smem:$0x3FDB];
	_ =	sdelay $0x1  }
0xa0: {  	s19 =	simm.s32 $_scs_section_size  }
0xa1: {  	s7 =	simm.s32 $_size__tile_overlayer_lowered;
	s8 =	simm.s32 $_tile_overlayer_lowered  }
0xa2: {  	s22 =	simm.s32 $0x1BFF;
	s21 =	sshll.u32 s8, $0x1;
	s5 =	sadd.s32 s19, s18  }
0xa3: {  	s9 =	simm.s32 $0x0;
	s20 =	sshll.u32 s7, $0x1;
	s7 =	sadd.s32 s21, s5  }
0xa4: {  	[timem:s9], [sflag:s22] =	dma.local [hbm:s7], s20  }
0xa5: {  	_ =	swait.ge [sflag:s22], s20  }
0xa6: {  	s6 =	ssub.s32 $0x0, s20;
	[sflag:s22] =	ssyncset.done $0x0  }
0xa7: {  	[sflag:s22] =	ssyncadd.s32 s6;
	_ =	sdelay $0x1  }
0xa8: {  	s23 =	simm.s32 $0x1B8B  }
0xa9: {  	_ =	swait.ge [sflag:s23], $0x1  }
0xaa: {  	[sflag:s23] =	ssyncset.done $0x0  }
0xab: {  	s25 =	simm.s32 $0x1B8E;
	s24 =	sld [smem:$0x3FFE];
	[sflag:s23] =	ssyncadd.s32 $0xFFFFFFFF  }
0xac: {  	s26 =	simm.s32 $execute0_lowered;
	[smem:$0x3FD2] =	sst s25  }
0xad: {  	s7 =	sshll.u32 s26, $0x1;
	_ =	strace $0x80000046;
	[dreg:$0x1] =	wrdreg $0xFFFFFFFF  }
0xae: {  	s28 =	simm.s32 $_size_execute0_lowered;
	s5 =	sadd.s32 s5, s7;
	[dreg:$0x0] =	wrdreg $0x0  }
0xaf: {  	s7 =	sshll.u32 s28, $0x1;
	[dreg:$0x2] =	wrdreg s5  }
0xb0: {  	[dreg:$0x3] =	wrdreg s7  }
0xb1: {  	[dreg:$0x4] =	wrdreg $0xC0  }
0xb2: {  	_ =	task [dreg:s9], $0x5FFFF  }
0xb3: {  	[dreg:$0x1] =	wrdreg $0xFFFFFFFF  }
0xb4: {  	[dreg:$0x0] =	wrdreg $0x60  }
0xb5: {  	[dreg:$0x2] =	wrdreg s15  }
0xb6: {  	[dreg:$0x3] =	wrdreg s4  }
0xb7: {  	[dreg:$0x4] =	wrdreg s24  }
0xb8: {  	[dreg:$0x5] =	wrdreg s16  }
0xb9: {  	[dreg:$0x6] =	wrdreg $0x9  }
0xba: {  	_ =	task.clear_ibuf [dreg:s9], $0x7FFFF;
	_ =	strace $0x90000046  }
0xbb: {  	s29 =	simm.s32 $0x9;
	_ =	strace $0x80000048  }
0xbc: {  	_ =	swait.ge [sflag:s29], $0x1  }
0xbd: {  	[sflag:s29] =	ssyncadd.s32 $0xFFFFFFFF  }
0xbe: {  	_ =	strace $0x90000048  }
0xbf: {  	_ =	sfence  }
0xc0: {  	s30 =	sld [smem:$0x0];
	_ =	sdelay $0x2  }
0xc1: {  	s31 =	sshll.u32 s1, $0xD;
	s1 =	sshrl.u32 s1, $0x2  }
0xc2: {  	s3 =	sand.u32 $0x4000, s31;
	s1 =	sadd.s32 s1, s30  }
0xc3: {  	s0 =	sor.u32 s3, s0;
	s1 =	sshll.u32 s1, $0x11  }
0xc4: {  	s0 =	sor.u32 s1, s0  }
0xc5: {  	s0 =	sadd.s32 $0x8F2B, s0  }
0xc6: {  	[sflag:s0] =	ssyncadd.remote.s32 $0x1  }
0xc7: {  	_ =	sfence.sel $0xFFFF  }
0xc8: {  	[dreg:$0x0] =	wrdreg $0xFFFFFFFF;
	(pc) =	sbr.abs _section_cstart, $3  }
0xc9: {  	[dreg:$0x1] =	wrdreg $0xFFFFFFFF  }
0xca: {  	_ =	task.clear_ibuf [dreg:s9], $0x2FFFF;
	_ =	strace $0x9FFFFFFF  }
0xcb: {  	(tm) =	ssettm $0x7FFFFFFF  }
tec
execute0_lowered:
.L_overlay_start_1:
0x0: {  	(tag) =	ssettag $0x1  }
0x1: {  	v2 =	vimm.s32 $0x32107654;
	v0 =	vimm.f32 $0.0e+00  }
0x2: {  	v3 =	vimm.s32 $0x0;
	vm0 =	vcmask $0xF00;
	v1 =	vimm.s32 $0x9  }
0x3: {  	v7 =	vimm.s32 $0x13121110;
	v8 =	vimm.s32 $0xB0A0908;
	vm1 =	vcmask $0x2F10  }
0x4: {  	vm13 =	vcmask $0x3F30;
	v9 =	vimm.s32 $0xF0E0D0C;
	vm14 =	vcmask $0x1F10  }
0x5: {  	v10 =	vimm.s32 $0x2380;
	vm2 =	vcmask $0x300;
	vm3 =	vcmask $0x704  }
0x6: {  	vm15 =	vcmask $0xB08;
	vm4 =	vcmask $0xF0C;
	vm5 =	vcmask $0x1310  }
0x7: {  	vm6 =	vcmask $0x1714;
	vm7 =	vcmask $0x1B18;
	vm8 =	vcmask $0x1F1C  }
0x8: {  	vm9 =	vcmask $0x2320;
	v11 =	vimm.s32 $0x6380;
	vm10 =	vcmask $0x2724  }
0x9: {  	vm11 =	vcmask $0x2B28;
	vm12 =	vcmask $0x2F2C;
	v16 =	vimm.s32 $0xC  }
0xa: {  	v17 =	vimm.s32 $0xD;
	v18 =	vimm.s32 $0xF;
	v20 =	vimm.s32 $0xE  }
0xb: {  	v22 =	vimm.s32 $0x10;
	v23 =	vimm.s32 $0x11;
	v24 =	vimm.s32 $0x13  }
0xc: {  	v26 =	vimm.s32 $0x12;
	v28 =	vimm.s32 $0x14;
	v29 =	vimm.s32 $0x15  }
0xd: {  	v30 =	vimm.s32 $0x17;
	v32 =	vimm.s32 $0x16;
	v34 =	vimm.s32 $0x18  }
0xe: {  	v35 =	vimm.s32 $0x19;
	v36 =	vimm.s32 $0x1B;
	v38 =	vimm.s32 $0x1A  }
0xf: {  	v40 =	vimm.s32 $0x1C;
	v41 =	vimm.s32 $0x1D;
	v42 =	vimm.s32 $0x1F  }
0x10: {  	v44 =	vimm.s32 $0x1E;
	v46 =	vimm.s32 $0x20;
	v47 =	vimm.s32 $0x21  }
0x11: {  	v48 =	vimm.s32 $0x23;
	v50 =	vimm.s32 $0x22;
	v52 =	vimm.s32 $0x24  }
0x12: {  	v53 =	vimm.s32 $0x25;
	v54 =	vimm.s32 $0x27;
	v5 =	vunpack.c.l.s4.s8 v2  }
0x13: {  	v56 =	vimm.s32 $0x26;
	v2 =	vlaneseq.u32;
	v7 =	vunpack.c.0.s8.s32 v7  }
0x14: {  	v8 =	vunpack.c.0.s8.s32 v8;
	v10 =	vsel vm2, $0x0, v10;
	v6 =	vunpack.c.0.s8.s32 v5  }
0x15: {  	v11 =	vsel vm2, $0x8200, v11;
	v19 =	vsel vm0, $0xC, v17;
	v21 =	vsel vm0, $0xE, v18  }
0x16: {  	v25 =	vsel vm0, $0x10, v23;
	v27 =	vsel vm0, $0x12, v24;
	v6 =	vand.u32 $0xF, v6  }
0x17: {  	v31 =	vsel vm0, $0x14, v29;
	v33 =	vsel vm0, $0x16, v30;
	v6 =	vsel vm1, v6, v7  }
0x18: {  	v6 =	vsel vm13, v8, v6;
	v8 =	vunpack.c.0.s8.s32 v9;
	v9 =	vimm.s32 $0x76543210  }
0x19: {  	v37 =	vsel vm0, $0x18, v35;
	v39 =	vsel vm0, $0x1A, v36;
	v9 =	vunpack.c.l.s4.s8 v9  }
0x1a: {  	v43 =	vsel vm0, $0x1C, v41;
	v7 =	vsel vm14, v7, v8;
	v8 =	vsel vm3, $0x80, v10  }
0x1b: {  	v10 =	vshrl.u32 v2, $0x3;
	v9 =	vunpack.c.0.s8.s32 v9;
	v8 =	vsel vm15, $0x100, v8  }
0x1c: {  	s1 =	rddreg [dreg:$0x0];
	v45 =	vsel vm0, $0x1E, v42;
	v10 =	vmul.u32 $0xFFFFFFFF, v10;
	v8 =	vsel vm4, $0x180, v8  }
0x1d: {  	s5 =	rddreg [dreg:$0x1];
	v11 =	vsel vm3, $0x8280, v11;
	v8 =	vsel vm5, $0x200, v8;
	v7 =	vcombine.low v7, v9  }
0x1e: {  	s3 =	rddreg [dreg:$0x2];
	v9 =	vsel vm6, $0x280, v8;
	v8 =	vadd.s32 $0x1, v10;
	v10 =	vimm.s32 $0x8180  }
0x1f: {  	s0 =	rddreg [dreg:$0x3];
	v49 =	vsel vm0, $0x20, v47;
	v11 =	vsel vm15, $0x8300, v11;
	v10 =	vsel vm2, $0x4000, v10  }
0x20: {  	s4 =	srdreg.scid;
	s6 =	stileid.u32;
	s2 =	simm.s32 $0x0;
	v51 =	vsel vm0, $0x22, v48;
	v11 =	vsel vm4, $0x8380, v11;
	v10 =	vsel vm3, $0x4080, v10  }
0x21: {  	s24 =	simm.s32 $0x3;
	s28 =	simm.s32 $0xC000;
	s29 =	simm.s32 $0x1;
	v55 =	vsel vm0, $0x24, v53;
	v11 =	vsel vm5, $0xA000, v11;
	v10 =	vsel vm15, $0x4100, v10  }
0x22: {  	s4 =	sand.u32 $0x1, s4;
	s6 =	sshll.u32 s6, $0x1;
	[smem:$0x7FF] =	sst s2;
	v57 =	vsel vm0, $0x26, v54;
	v11 =	vsel vm6, $0xA080, v11;
	v10 =	vsel vm4, $0x4180, v10  }
0x23: {  	s11 =	sadd.s32 $0x800, s3;
	s7 =	ssub.s32 $0x2, s4;
	s4 =	sor.u32 s4, s6;
	v5 =	vsel vm0, $0x8, v1;
	v11 =	vsel vm7, $0xA100, v11;
	v10 =	vsel vm5, $0x6000, v10  }
0x24: {  	s30 =	simm.s32 $0x2;
	_ =	strace $0x80000047;
	s8 =	smul.u32 $0x18000, s4;
	vm13 =	vcmask $0x3330;
	v11 =	vsel vm8, $0xA180, v11;
	v10 =	vsel vm6, $0x6080, v10  }
0x25: {  	s25 =	sshrl.u32 s7, $0x1;
	s21 =	smul.u32 $0x50, s4;
	s26 =	sshll.u32 s4, $0x2;
	vm14 =	vcmask $0x3734;
	v11 =	vsel vm9, $0x6000, v11;
	v10 =	vsel vm7, $0x6100, v10  }
0x26: {  	s9 =	smul.u32 $0xC0000, s4;
	s22 =	ssub.s32 s7, s25;
	s5 =	sadd.s32 s5, s26;
	v11 =	vsel vm10, $0x6080, v11;
	v9 =	vsel vm7, $0x300, v9;
	v10 =	vsel vm8, $0x6180, v10  }
0x27: {  	s26 =	simm.s32 $0x18300;
	s3 =	sadd.s32 s11, s8;
	s1 =	sadd.s32 s1, s21;
	v11 =	vsel vm11, $0x6100, v11;
	v9 =	vsel vm8, $0x380, v9;
	v10 =	vsel vm9, $0x6200, v10  }
0x28: {  	s31 =	sshrl.u32 s9, $0x3;
	s21 =	sadd.s32 s0, s21;
	s22 =	smax.u32 s22, $0x1;
	v11 =	vsel vm12, $0x6180, v11;
	v9 =	vsel vm9, $0x2000, v9;
	v10 =	vsel vm10, $0x6280, v10  }
0x29: {  	s0 =	simm.s32 $0x0;
	[dreg:$0x5] =	wrdreg s1;
	s6 =	sadd.s32 $0x1800, s3;
	v13 =	vsel vm13, $0x6200, v11;
	v9 =	vsel vm10, $0x2080, v9;
	v10 =	vsel vm11, $0x6300, v10  }
0x2a: {  	s7 =	sadd.s32 $0x3000, s3;
	s8 =	sadd.s32 $0x4800, s3;
	s1 =	sadd.s32 s11, s31;
	v13 =	vsel vm14, $0x6280, v13;
	v9 =	vsel vm11, $0x2100, v9;
	v10 =	vsel vm12, $0x6380, v10  }
0x2b: {  	s9 =	sadd.s32 $0x6000, s3;
	s10 =	sadd.s32 $0x7800, s3;
	s11 =	sadd.s32 $0x9000, s1;
	vm15 =	vcmask $0x3B38;
	v9 =	vsel vm12, $0x2180, v9;
	v12 =	vsel vm13, $0x8000, v10  }
0x2c: {  	s12 =	sadd.s32 $0xA800, s1;
	s13 =	sadd.s32 $0xC000, s1;
	s14 =	sadd.s32 $0xD800, s1;
	v13 =	vsel vm15, $0x6300, v13;
	v9 =	vsel vm13, $0x2200, v9;
	v12 =	vsel vm14, $0x8080, v12  }
0x2d: {  	s15 =	sadd.s32 $0xF000, s1;
	s16 =	sadd.s32 $0x10800, s1;
	s17 =	sadd.s32 $0x12000, s1;
	v9 =	vsel vm14, $0x2280, v9;
	v11 =	vsel vm15, $0x8100, v12;
	v12 =	vimm.s32 $0xB  }
0x2e: {  	s18 =	sadd.s32 $0x13800, s1;
	s19 =	sadd.s32 $0x15000, s1;
	s20 =	sadd.s32 $0x16800, s1;
	v9 =	vsel vm15, $0x2300, v9;
	v10 =	vimm.f32 $1.000000000e+00;
	v15 =	vsel vm0, $0xA, v12  }
.LBB2_1:
0x2f: {  	s1 =	rddreg [dreg:$0x5];
	s4 =	simm.s32 $0x18000  }
0x30: {  	[tilespmem:s4], [sflag:$0x3] =	stream.linear.gather [hbm4b:s1+s2], $0x280, $0x38;
	[tilespmem:$0x18680] =	vst v63  }
0x31: {  	_ =	swait.ge [sflag:s24], $0x280  }
0x32: {  	[sflag:s24] =	ssyncset.done $0x0  }
0x33: {  	s31 =	simm.s32 $0x18308;
	s23 =	smin.u32 s2, $0x3D8;
	[sflag:s24] =	ssyncadd.s32 $0xFFFFFD80  }
0x34: {  	[tilespmem:s31], [sflag:$0x3] =	stream.linear.gather [hbm4b:s5+s2], $0x20, $0x38;
	[tilespmem:$0x18680] =	vst v63  }
0x35: {  	s4 =	sshll.u32 s23, $0x3;
	_ =	swait.ge [sflag:s24], $0x20  }
0x36: {  	s25 =	sand.u32 $0x78, s23;
	s31 =	sand.u32 $0x1C00, s4;
	[sflag:s24] =	ssyncset.done $0x0  }
0x37: {  	s1 =	sor.u32 s25, s31;
	[sflag:s24] =	ssyncadd.s32 $0xFFFFFFE0  }
0x38: {  	[tilespmem:s1+$0xC300] =	vst v0  }
0x39: {  	[tilespmem:s1+$0x300] =	vst v0  }
0x3a: {  	[tilespmem:s1+$0x280] =	vst v0  }
0x3b: {  	[tilespmem:s1+$0xC280] =	vst v0  }
0x3c: {  	[tilespmem:s1+$0xC200] =	vst v0  }
0x3d: {  	[tilespmem:s1+$0x200] =	vst v0  }
0x3e: {  	[tilespmem:s1+$0xC180] =	vst v0  }
0x3f: {  	[tilespmem:s1+$0x100] =	vst v0  }
0x40: {  	[tilespmem:s1+$0x180] =	vst v0  }
0x41: {  	[tilespmem:s1+$0xC080] =	vst v0  }
0x42: {  	[tilespmem:s1+$0x80] =	vst v0  }
0x43: {  	[tilespmem:s1+$0xC000] =	vst v0  }
0x44: {  	s23 =	sor.u32 s23, s31;
	[tilespmem:s1+$0xC100] =	vst v0  }
0x45: {  	s31 =	sor.u32 $0x380, s23;
	[tilespmem:s1+$0x0] =	vst v0  }
0x46: {  	[tilespmem:s31+$0x0] =	vst v0  }
0x47: {  	[tilespmem:s1+$0xE300] =	vst v0  }
0x48: {  	[tilespmem:s1+$0xE280] =	vst v0  }
0x49: {  	[tilespmem:s1+$0xE200] =	vst v0  }
0x4a: {  	[tilespmem:s1+$0xE180] =	vst v0  }
0x4b: {  	[tilespmem:s1+$0xE080] =	vst v0  }
0x4c: {  	s4 =	sor.u32 $0xC380, s23;
	[tilespmem:s1+$0xE100] =	vst v0  }
0x4d: {  	[tilespmem:s4+$0x0] =	vst v0  }
0x4e: {  	[tilespmem:s1+$0x2300] =	vst v0  }
0x4f: {  	[tilespmem:s1+$0x2280] =	vst v0  }
0x50: {  	[tilespmem:s1+$0x2200] =	vst v0  }
0x51: {  	[tilespmem:s1+$0x2080] =	vst v0  }
0x52: {  	[tilespmem:s1+$0x2100] =	vst v0  }
0x53: {  	[tilespmem:s1+$0x2180] =	vst v0  }
0x54: {  	[tilespmem:s1+$0xE000] =	vst v0  }
0x55: {  	s31 =	sor.u32 $0x2380, s23;
	[tilespmem:s1+$0x2000] =	vst v0  }
0x56: {  	[tilespmem:s31+$0x0] =	vst v0  }
0x57: {  	[tilespmem:s1+$0x12300] =	vst v0  }
0x58: {  	[tilespmem:s1+$0x12280] =	vst v0  }
0x59: {  	[tilespmem:s1+$0x12200] =	vst v0  }
0x5a: {  	[tilespmem:s1+$0x12100] =	vst v0  }
0x5b: {  	[tilespmem:s1+$0x12180] =	vst v0  }
0x5c: {  	[tilespmem:s1+$0x12080] =	vst v0  }
0x5d: {  	[tilespmem:s1+$0x10180] =	vst v0  }
0x5e: {  	[tilespmem:s1+$0x10100] =	vst v0  }
0x5f: {  	[tilespmem:s1+$0x12000] =	vst v0  }
0x60: {  	s4 =	sor.u32 $0xE380, s23;
	[tilespmem:s1+$0x10080] =	vst v0  }
0x61: {  	[tilespmem:s4+$0x0] =	vst v0  }
0x62: {  	[tilespmem:s1+$0x4000] =	vst v0  }
0x63: {  	[tilespmem:s1+$0x10000] =	vst v0  }
0x64: {  	[tilespmem:s1+$0x4080] =	vst v0  }
0x65: {  	[tilespmem:s1+$0x4100] =	vst v0  }
0x66: {  	[tilespmem:s1+$0x4180] =	vst v0  }
0x67: {  	[tilespmem:s1+$0x6100] =	vst v0  }
0x68: {  	[tilespmem:s1+$0x6300] =	vst v0  }
0x69: {  	[tilespmem:s1+$0x6200] =	vst v0  }
0x6a: {  	[tilespmem:s1+$0x6000] =	vst v0  }
0x6b: {  	[tilespmem:s1+$0x6180] =	vst v0  }
0x6c: {  	[tilespmem:s1+$0x6280] =	vst v0  }
0x6d: {  	s31 =	sor.u32 $0x6380, s23;
	[tilespmem:s1+$0x6080] =	vst v0  }
0x6e: {  	[tilespmem:s31+$0x0] =	vst v0  }
0x6f: {  	[tilespmem:s31+$0xC000] =	vst v0  }
0x70: {  	[tilespmem:s1+$0x8000] =	vst v0  }
0x71: {  	[tilespmem:s1+$0x14100] =	vst v0  }
0x72: {  	[tilespmem:s1+$0x8080] =	vst v0  }
0x73: {  	[tilespmem:s1+$0x14080] =	vst v0  }
0x74: {  	[tilespmem:s1+$0x8100] =	vst v0  }
0x75: {  	[tilespmem:s1+$0x14180] =	vst v0  }
0x76: {  	[tilespmem:s1+$0x8300] =	vst v0  }
0x77: {  	[tilespmem:s1+$0x14000] =	vst v0  }
0x78: {  	[tilespmem:s1+$0x8200] =	vst v0  }
0x79: {  	[tilespmem:s1+$0x8280] =	vst v0  }
0x7a: {  	[tilespmem:s1+$0x14200] =	vst v0  }
0x7b: {  	[tilespmem:s1+$0x14280] =	vst v0  }
0x7c: {  	[tilespmem:s1+$0x14300] =	vst v0  }
0x7d: {  	s23 =	sor.u32 $0x8380, s23;
	[tilespmem:s1+$0x8180] =	vst v0  }
0x7e: {  	[tilespmem:s23+$0x0] =	vst v0  }
0x7f: {  	[tilespmem:s23+$0xC000] =	vst v0  }
0x80: {  	[tilespmem:s1+$0xA000] =	vst v0  }
0x81: {  	[tilespmem:s1+$0x16000] =	vst v0  }
0x82: {  	[tilespmem:s1+$0xA080] =	vst v0  }
0x83: {  	s23 =	simm.s32 $0x10;
	[tilespmem:s1+$0x16080] =	vst v0  }
.LBB2_2:
0x84: {  	s25 =	smin.u32 s23, $0x3D8;
	p0 =	sne.s32 s23, $0x3E0;
	s23 =	sadd.s32 $0x10, s23;
	[tilespmem:s1+$0xA100] =	vst v0  }
0x85: {  	s31 =	sshll.u32 s25, $0x3;
	[tilespmem:s1+$0x16100] =	vst v0  }
0x86: {  	s4 =	sand.u32 $0x78, s25;
	s31 =	sand.u32 $0x1C00, s31;
	[tilespmem:s1+$0xA180] =	vst v0  }
0x87: {  	s25 =	sor.u32 s25, s31;
	[tilespmem:s1+$0x16180] =	vst v0;
	s1 =	sor.u32 s4, s31  }
0x88: {  	[tilespmem:s1+$0xC300] =	vst v0  }
0x89: {  	[tilespmem:s1+$0x300] =	vst v0  }
0x8a: {  	[tilespmem:s1+$0x280] =	vst v0  }
0x8b: {  	[tilespmem:s1+$0xC280] =	vst v0  }
0x8c: {  	[tilespmem:s1+$0xC200] =	vst v0  }
0x8d: {  	[tilespmem:s1+$0x200] =	vst v0  }
0x8e: {  	[tilespmem:s1+$0xC180] =	vst v0  }
0x8f: {  	[tilespmem:s1+$0x100] =	vst v0  }
0x90: {  	[tilespmem:s1+$0x180] =	vst v0  }
0x91: {  	[tilespmem:s1+$0xC080] =	vst v0  }
0x92: {  	[tilespmem:s1+$0x80] =	vst v0  }
0x93: {  	[tilespmem:s1+$0xC000] =	vst v0  }
0x94: {  	[tilespmem:s1+$0xC100] =	vst v0  }
0x95: {  	s4 =	sor.u32 $0x380, s25;
	[tilespmem:s1+$0x0] =	vst v0  }
0x96: {  	[tilespmem:s4+$0x0] =	vst v0;
	s4 =	sor.u32 $0xC380, s25  }
0x97: {  	[tilespmem:s1+$0xE300] =	vst v0  }
0x98: {  	[tilespmem:s1+$0xE280] =	vst v0  }
0x99: {  	[tilespmem:s1+$0xE200] =	vst v0  }
0x9a: {  	[tilespmem:s1+$0xE180] =	vst v0  }
0x9b: {  	[tilespmem:s1+$0xE080] =	vst v0  }
0x9c: {  	[tilespmem:s1+$0xE100] =	vst v0  }
0x9d: {  	[tilespmem:s4+$0x0] =	vst v0  }
0x9e: {  	[tilespmem:s1+$0x2300] =	vst v0  }
0x9f: {  	[tilespmem:s1+$0x2280] =	vst v0  }
0xa0: {  	[tilespmem:s1+$0x2200] =	vst v0  }
0xa1: {  	[tilespmem:s1+$0x2080] =	vst v0  }
0xa2: {  	[tilespmem:s1+$0x2100] =	vst v0  }
0xa3: {  	[tilespmem:s1+$0x2180] =	vst v0  }
0xa4: {  	[tilespmem:s1+$0xE000] =	vst v0  }
0xa5: {  	s4 =	sor.u32 $0x2380, s25;
	[tilespmem:s1+$0x2000] =	vst v0  }
0xa6: {  	[tilespmem:s4+$0x0] =	vst v0  }
0xa7: {  	[tilespmem:s1+$0x12300] =	vst v0  }
0xa8: {  	[tilespmem:s1+$0x12280] =	vst v0  }
0xa9: {  	[tilespmem:s1+$0x12200] =	vst v0  }
0xaa: {  	[tilespmem:s1+$0x12100] =	vst v0  }
0xab: {  	[tilespmem:s1+$0x12180] =	vst v0  }
0xac: {  	[tilespmem:s1+$0x12080] =	vst v0  }
0xad: {  	[tilespmem:s1+$0x10180] =	vst v0  }
0xae: {  	[tilespmem:s1+$0x10100] =	vst v0  }
0xaf: {  	[tilespmem:s1+$0x12000] =	vst v0  }
0xb0: {  	s4 =	sor.u32 $0xE380, s25;
	[tilespmem:s1+$0x10080] =	vst v0  }
0xb1: {  	[tilespmem:s4+$0x0] =	vst v0  }
0xb2: {  	[tilespmem:s1+$0x4000] =	vst v0  }
0xb3: {  	[tilespmem:s1+$0x10000] =	vst v0  }
0xb4: {  	[tilespmem:s1+$0x4080] =	vst v0  }
0xb5: {  	[tilespmem:s1+$0x4100] =	vst v0  }
0xb6: {  	[tilespmem:s1+$0x4180] =	vst v0  }
0xb7: {  	[tilespmem:s1+$0x6100] =	vst v0  }
0xb8: {  	[tilespmem:s1+$0x6300] =	vst v0  }
0xb9: {  	[tilespmem:s1+$0x6200] =	vst v0  }
0xba: {  	[tilespmem:s1+$0x6000] =	vst v0  }
0xbb: {  	[tilespmem:s1+$0x6180] =	vst v0  }
0xbc: {  	[tilespmem:s1+$0x6280] =	vst v0  }
0xbd: {  	s4 =	sor.u32 $0x6380, s25;
	[tilespmem:s1+$0x6080] =	vst v0  }
0xbe: {  	[tilespmem:s4+$0x0] =	vst v0  }
0xbf: {  	[tilespmem:s4+$0xC000] =	vst v0  }
0xc0: {  	[tilespmem:s1+$0x8000] =	vst v0  }
0xc1: {  	[tilespmem:s1+$0x14100] =	vst v0  }
0xc2: {  	[tilespmem:s1+$0x8080] =	vst v0  }
0xc3: {  	[tilespmem:s1+$0x14080] =	vst v0  }
0xc4: {  	[tilespmem:s1+$0x8100] =	vst v0  }
0xc5: {  	[tilespmem:s1+$0x14180] =	vst v0  }
0xc6: {  	[tilespmem:s1+$0x8300] =	vst v0  }
0xc7: {  	[tilespmem:s1+$0x14000] =	vst v0  }
0xc8: {  	[tilespmem:s1+$0x8200] =	vst v0  }
0xc9: {  	[tilespmem:s1+$0x8280] =	vst v0  }
0xca: {  	[tilespmem:s1+$0x14200] =	vst v0  }
0xcb: {  	[tilespmem:s1+$0x14280] =	vst v0  }
0xcc: {  	[tilespmem:s1+$0x14300] =	vst v0  }
0xcd: {  	s4 =	sor.u32 $0x8380, s25;
	[tilespmem:s1+$0x8180] =	vst v0  }
0xce: {  	[tilespmem:s4+$0x0] =	vst v0  }
.Ltmp0:
0xcf: {  	[tilespmem:s4+$0xC000] =	vst v0;
	(pc) =	sbr.rel @p0 .LBB2_2-.Ltmp0, $4  }
0xd0: {  	[tilespmem:s1+$0xA000] =	vst v0  }
0xd1: {  	[tilespmem:s1+$0x16000] =	vst v0  }
0xd2: {  	[tilespmem:s1+$0xA080] =	vst v0  }
0xd3: {  	[tilespmem:s1+$0x16080] =	vst v0  }
0xd4: {  	v1 =	vimm.s32 $0x8  }
0xd5: {  	[tilespmem:s1+$0xA100] =	vst v0  }
0xd6: {  	[tilespmem:s1+$0x16100] =	vst v0  }
0xd7: {  	[tilespmem:s1+$0xA180] =	vst v0  }
0xd8: {  	[tilespmem:s1+$0x16180] =	vst v0  }
0xd9: {  	v58 =	vld.idx.msk [tilespmem:v1+s26+$0x0], $0xffff;
	v1 =	vimm.s32 $0x9;
	_ =	sdelay $0x1  }
0xda: {  	v59 =	vld [tilespmem:$0x18000]  }
0xdb: {  	v61 =	vld.idx.msk [tilespmem:v5+s26+$0x0], $0xffff  }
0xdc: {  	v62 =	vld [tilespmem:$0x18010]  }
0xdd: {  	v60 =	vld.idx.msk [tilespmem:v1+s26+$0x0], $0xffff;
	_ =	sdelay $0x1  }
0xde: {  	v63 =	vld [tilespmem:$0x18020]  }
0xdf: {  	vm0 =	vgt.s32 v58, v2  }
0xe0: {  	vm6 =	vgt.s32 v61, v6;
	v58 =	vnsel vm0, $0x0, v59  }
0xe1: {  	v61 =	vnsel vm6, $0x0, v62;
	vm1 =	vgt.s32 v60, v7;
	v60 =	vshll.u32 v58, $0x3  }
0xe2: {  	v58 =	vand.u32 $0x7F, v58;
	v59 =	vnsel vm1, $0x0, v8;
	v60 =	vand.u32 $0xFFFFFC00, v60  }
0xe3: {  	v62 =	vmul.u32 v63, v59;
	v58 =	vor.u32 v58, v60;
	v60 =	vshll.u32 v61, $0x3  }
0xe4: {  	v61 =	vand.u32 $0x7F, v61;
	v58 =	vadd.s32 v9, v58;
	v60 =	vand.u32 $0xFFFFFC00, v60  }
0xe5: {  	v60 =	vor.u32 v61, v60;
	v61 =	vshll.u32 v62, $0x3  }
0xe6: {  	v62 =	vand.u32 $0x7F, v62;
	v60 =	vadd.s32 v11, v60;
	v61 =	vand.u32 $0xFFFFFC00, v61  }
0xe7: {  	v61 =	vor.u32 v62, v61  }
0xe8: {  	v61 =	vadd.s32 v13, v61  }
0xe9: {  	v62 =	vsel vm0, $0x1, v3;
	[tilespmem:v58+s2+$0x0] =	vst.idx.msk $0xffff, v10  }
0xea: {  	[tilespmem:$0x18380] =	vst v62  }
0xeb: {  	v1 =	vimm.s32 $0xA;
	v62 =	vsel vm6, $0x1, v3;
	[tilespmem:v60+s2+$0x0] =	vst.idx.msk $0xffff, v10  }
0xec: {  	[tilespmem:$0x18390] =	vst v62  }
0xed: {  	[tilespmem:v61+s2+$0x0] =	vst.idx.msk $0xff, v10  }
0xee: {  	[tilespmem:$0x183A0] =	vst v59  }
0xef: {  	[hbm4b:s3+s2] =	stream.linear.scatter [tilespmem:s2], [sflag:$0x1], $0xC000, $0x38;
	[tilespmem:$0x18680] =	vst v63  }
0xf0: {  	v59 =	vld.idx.msk [tilespmem:v1+s26+$0x0], $0xffff  }
0xf1: {  	v62 =	vld [tilespmem:$0x18028]  }
0xf2: {  	v63 =	vld.idx.msk [tilespmem:v12+s26+$0x0], $0xffff  }
0xf3: {  	v1 =	vld.idx.msk [tilespmem:v15+s26+$0x0], $0xffff  }
0xf4: {  	v4 =	vld [tilespmem:$0x18038]  }
0xf5: {  	v14 =	vld [tilespmem:$0x18048]  }
0xf6: {  	vm7 =	vgt.s32 v59, v2  }
0xf7: {  	vm8 =	vgt.s32 v63, v7;
	v59 =	vnsel vm7, $0x0, v62  }
0xf8: {  	vm9 =	vgt.s32 v1, v6;
	v62 =	vnsel vm8, $0x0, v8;
	v1 =	vshll.u32 v59, $0x3  }
0xf9: {  	v4 =	vnsel vm9, $0x0, v4;
	v59 =	vand.u32 $0x7F, v59;
	v1 =	vand.u32 $0xFFFFFC00, v1  }
0xfa: {  	v14 =	vmul.u32 v14, v62;
	v63 =	vshll.u32 v4, $0x3;
	v1 =	vor.u32 v59, v1  }
0xfb: {  	v4 =	vand.u32 $0x7F, v4;
	v59 =	vand.u32 $0xFFFFFC00, v63;
	v1 =	vadd.s32 v9, v1  }
0xfc: {  	v63 =	vshll.u32 v14, $0x3;
	v4 =	vor.u32 v4, v59  }
0xfd: {  	v14 =	vand.u32 $0x7F, v14;
	v59 =	vand.u32 $0xFFFFFC00, v63;
	v4 =	vadd.s32 v11, v4  }
0xfe: {  	v14 =	vor.u32 v14, v59  }
0xff: {  	v14 =	vadd.s32 v13, v14  }
0x100: {  	v63 =	vsel vm7, $0x1, v3;
	[tilespmem:v1+s28+$0x0] =	vst.idx.msk $0xffff, v10  }
0x101: {  	[tilespmem:$0x183A8] =	vst v63  }
0x102: {  	v63 =	vsel vm9, $0x1, v3;
	[tilespmem:v4+s28+$0x0] =	vst.idx.msk $0xffff, v10  }
0x103: {  	[tilespmem:$0x183B8] =	vst v63  }
0x104: {  	[tilespmem:v14+s28+$0x0] =	vst.idx.msk $0xff, v10  }
0x105: {  	[tilespmem:$0x183C8] =	vst v62  }
0x106: {  	[hbm4b:s6+s2] =	stream.linear.scatter [tilespmem:s28], [sflag:$0x2], $0xC000, $0x38;
	[tilespmem:$0x18680] =	vst v63  }
0x107: {  	_ =	swait.ge [sflag:s29], $0xC000  }
0x108: {  	[sflag:s29] =	ssyncset.done $0x0  }
0x109: {  	[sflag:s29] =	ssyncadd.s32 $0xFFFF4000  }
0x10a: {  	[tilespmem:v58+s2+$0x0] =	vst.idx.msk $0xffff, v0  }
0x10b: {  	[tilespmem:v60+s2+$0x0] =	vst.idx.msk $0xffff, v0  }
0x10c: {  	[tilespmem:v61+s2+$0x0] =	vst.idx.msk $0xff, v0  }
0x10d: {  	v58 =	vld.idx.msk [tilespmem:v16+s26+$0x0], $0xffff  }
0x10e: {  	v59 =	vld [tilespmem:$0x18050]  }
0x10f: {  	v60 =	vld.idx.msk [tilespmem:v17+s26+$0x0], $0xffff  }
0x110: {  	v61 =	vld.idx.msk [tilespmem:v19+s26+$0x0], $0xffff  }
0x111: {  	v62 =	vld [tilespmem:$0x18060]  }
0x112: {  	v63 =	vld [tilespmem:$0x18070]  }
0x113: {  	vm10 =	vgt.s32 v58, v2  }
0x114: {  	vm11 =	vgt.s32 v60, v7;
	v58 =	vnsel vm10, $0x0, v59  }
0x115: {  	vm12 =	vgt.s32 v61, v6;
	v59 =	vnsel vm11, $0x0, v8;
	v60 =	vshll.u32 v58, $0x3  }
0x116: {  	v61 =	vnsel vm12, $0x0, v62;
	v58 =	vand.u32 $0x7F, v58;
	v60 =	vand.u32 $0xFFFFFC00, v60  }
0x117: {  	v62 =	vmul.u32 v63, v59;
	v58 =	vor.u32 v58, v60;
	v60 =	vshll.u32 v61, $0x3  }
0x118: {  	v61 =	vand.u32 $0x7F, v61;
	v58 =	vadd.s32 v9, v58;
	v60 =	vand.u32 $0xFFFFFC00, v60  }
0x119: {  	v60 =	vor.u32 v61, v60;
	v61 =	vshll.u32 v62, $0x3  }
0x11a: {  	v62 =	vand.u32 $0x7F, v62;
	v60 =	vadd.s32 v11, v60;
	v61 =	vand.u32 $0xFFFFFC00, v61  }
0x11b: {  	v61 =	vor.u32 v62, v61  }
0x11c: {  	v61 =	vadd.s32 v13, v61  }
0x11d: {  	v62 =	vsel vm10, $0x1, v3;
	[tilespmem:v58+s2+$0x0] =	vst.idx.msk $0xffff, v10  }
0x11e: {  	[tilespmem:$0x183D0] =	vst v62  }
0x11f: {  	v62 =	vsel vm12, $0x1, v3;
	[tilespmem:v60+s2+$0x0] =	vst.idx.msk $0xffff, v10  }
0x120: {  	[tilespmem:$0x183E0] =	vst v62  }
0x121: {  	[tilespmem:v61+s2+$0x0] =	vst.idx.msk $0xff, v10  }
0x122: {  	[tilespmem:$0x183F0] =	vst v59  }
0x123: {  	[hbm4b:s7+s2] =	stream.linear.scatter [tilespmem:s2], [sflag:$0x1], $0xC000, $0x38;
	[tilespmem:$0x18680] =	vst v63  }
0x124: {  	_ =	swait.ge [sflag:s30], $0xC000  }
0x125: {  	[sflag:s30] =	ssyncset.done $0x0  }
0x126: {  	[sflag:s30] =	ssyncadd.s32 $0xFFFF4000  }
0x127: {  	[tilespmem:v1+s28+$0x0] =	vst.idx.msk $0xffff, v0  }
0x128: {  	[tilespmem:v4+s28+$0x0] =	vst.idx.msk $0xffff, v0  }
0x129: {  	[tilespmem:v14+s28+$0x0] =	vst.idx.msk $0xff, v0  }
0x12a: {  	v1 =	vld.idx.msk [tilespmem:v20+s26+$0x0], $0xffff  }
0x12b: {  	v4 =	vld [tilespmem:$0x18078]  }
0x12c: {  	v14 =	vld.idx.msk [tilespmem:v18+s26+$0x0], $0xffff  }
0x12d: {  	v59 =	vld.idx.msk [tilespmem:v21+s26+$0x0], $0xffff  }
0x12e: {  	v62 =	vld [tilespmem:$0x18088]  }
0x12f: {  	v63 =	vld [tilespmem:$0x18098]  }
0x130: {  	vm13 =	vgt.s32 v1, v2  }
0x131: {  	vm14 =	vgt.s32 v14, v7;
	v1 =	vnsel vm13, $0x0, v4  }
0x132: {  	vm15 =	vgt.s32 v59, v6;
	v4 =	vnsel vm14, $0x0, v8;
	v14 =	vshll.u32 v1, $0x3  }
0x133: {  	v59 =	vnsel vm15, $0x0, v62;
	v1 =	vand.u32 $0x7F, v1;
	v14 =	vand.u32 $0xFFFFFC00, v14  }
0x134: {  	v62 =	vmul.u32 v63, v4;
	v1 =	vor.u32 v1, v14;
	v14 =	vshll.u32 v59, $0x3  }
0x135: {  	v59 =	vand.u32 $0x7F, v59;
	v1 =	vadd.s32 v9, v1;
	v14 =	vand.u32 $0xFFFFFC00, v14  }
0x136: {  	v14 =	vor.u32 v59, v14;
	v59 =	vshll.u32 v62, $0x3  }
0x137: {  	v62 =	vand.u32 $0x7F, v62;
	v14 =	vadd.s32 v11, v14;
	v59 =	vand.u32 $0xFFFFFC00, v59  }
0x138: {  	v59 =	vor.u32 v62, v59  }
0x139: {  	v59 =	vadd.s32 v13, v59  }
0x13a: {  	v62 =	vsel vm13, $0x1, v3;
	[tilespmem:v1+s28+$0x0] =	vst.idx.msk $0xffff, v10  }
0x13b: {  	[tilespmem:$0x183F8] =	vst v62  }
0x13c: {  	v62 =	vsel vm15, $0x1, v3;
	[tilespmem:v14+s28+$0x0] =	vst.idx.msk $0xffff, v10  }
0x13d: {  	[tilespmem:$0x18408] =	vst v62  }
0x13e: {  	[tilespmem:v59+s28+$0x0] =	vst.idx.msk $0xff, v10  }
0x13f: {  	[tilespmem:$0x18418] =	vst v4  }
0x140: {  	[hbm4b:s8+s2] =	stream.linear.scatter [tilespmem:s28], [sflag:$0x2], $0xC000, $0x38;
	[tilespmem:$0x18680] =	vst v63  }
0x141: {  	_ =	swait.ge [sflag:s29], $0xC000  }
0x142: {  	[sflag:s29] =	ssyncset.done $0x0  }
0x143: {  	[sflag:s29] =	ssyncadd.s32 $0xFFFF4000  }
0x144: {  	[tilespmem:v58+s2+$0x0] =	vst.idx.msk $0xffff, v0  }
0x145: {  	[tilespmem:v60+s2+$0x0] =	vst.idx.msk $0xffff, v0  }
0x146: {  	[tilespmem:v61+s2+$0x0] =	vst.idx.msk $0xff, v0  }
0x147: {  	v4 =	vld.idx.msk [tilespmem:v22+s26+$0x0], $0xffff  }
0x148: {  	v58 =	vld [tilespmem:$0x180A0]  }
0x149: {  	v60 =	vld.idx.msk [tilespmem:v23+s26+$0x0], $0xffff  }
0x14a: {  	v61 =	vld.idx.msk [tilespmem:v25+s26+$0x0], $0xffff  }
0x14b: {  	v62 =	vld [tilespmem:$0x180B0]  }
0x14c: {  	v63 =	vld [tilespmem:$0x180C0]  }
0x14d: {  	vm4 =	vgt.s32 v4, v2  }
0x14e: {  	vm5 =	vgt.s32 v60, v7;
	v4 =	vnsel vm4, $0x0, v58  }
0x14f: {  	vm6 =	vgt.s32 v61, v6;
	v58 =	vnsel vm5, $0x0, v8;
	v60 =	vshll.u32 v4, $0x3  }
0x150: {  	v61 =	vnsel vm6, $0x0, v62;
	v4 =	vand.u32 $0x7F, v4;
	v60 =	vand.u32 $0xFFFFFC00, v60  }
0x151: {  	v62 =	vmul.u32 v63, v58;
	v4 =	vor.u32 v4, v60;
	v60 =	vshll.u32 v61, $0x3  }
0x152: {  	v61 =	vand.u32 $0x7F, v61;
	v4 =	vadd.s32 v9, v4;
	v60 =	vand.u32 $0xFFFFFC00, v60  }
0x153: {  	v60 =	vor.u32 v61, v60;
	v61 =	vshll.u32 v62, $0x3  }
0x154: {  	v62 =	vand.u32 $0x7F, v62;
	v60 =	vadd.s32 v11, v60;
	v61 =	vand.u32 $0xFFFFFC00, v61  }
0x155: {  	v61 =	vor.u32 v62, v61  }
0x156: {  	v61 =	vadd.s32 v13, v61  }
0x157: {  	v62 =	vsel vm4, $0x1, v3;
	[tilespmem:v4+s2+$0x0] =	vst.idx.msk $0xffff, v10  }
0x158: {  	[tilespmem:$0x18420] =	vst v62  }
0x159: {  	v62 =	vsel vm6, $0x1, v3;
	[tilespmem:v60+s2+$0x0] =	vst.idx.msk $0xffff, v10  }
0x15a: {  	[tilespmem:$0x18430] =	vst v62  }
0x15b: {  	[tilespmem:v61+s2+$0x0] =	vst.idx.msk $0xff, v10  }
0x15c: {  	[tilespmem:$0x18440] =	vst v58  }
0x15d: {  	[hbm4b:s9+s2] =	stream.linear.scatter [tilespmem:s2], [sflag:$0x1], $0xC000, $0x38;
	[tilespmem:$0x18680] =	vst v63  }
0x15e: {  	_ =	swait.ge [sflag:s30], $0xC000  }
0x15f: {  	[sflag:s30] =	ssyncset.done $0x0  }
0x160: {  	[sflag:s30] =	ssyncadd.s32 $0xFFFF4000  }
0x161: {  	[tilespmem:v1+s28+$0x0] =	vst.idx.msk $0xffff, v0  }
0x162: {  	[tilespmem:v14+s28+$0x0] =	vst.idx.msk $0xffff, v0  }
0x163: {  	[tilespmem:v59+s28+$0x0] =	vst.idx.msk $0xff, v0  }
0x164: {  	v1 =	vld.idx.msk [tilespmem:v26+s26+$0x0], $0xffff  }
0x165: {  	v14 =	vld [tilespmem:$0x180C8]  }
0x166: {  	v58 =	vld.idx.msk [tilespmem:v24+s26+$0x0], $0xffff  }
0x167: {  	v59 =	vld.idx.msk [tilespmem:v27+s26+$0x0], $0xffff  }
0x168: {  	v62 =	vld [tilespmem:$0x180D8]  }
0x169: {  	v63 =	vld [tilespmem:$0x180E8]  }
0x16a: {  	vm7 =	vgt.s32 v1, v2  }
0x16b: {  	vm8 =	vgt.s32 v58, v7;
	v1 =	vnsel vm7, $0x0, v14  }
0x16c: {  	vm9 =	vgt.s32 v59, v6;
	v14 =	vnsel vm8, $0x0, v8;
	v58 =	vshll.u32 v1, $0x3  }
0x16d: {  	v59 =	vnsel vm9, $0x0, v62;
	v1 =	vand.u32 $0x7F, v1;
	v58 =	vand.u32 $0xFFFFFC00, v58  }
0x16e: {  	v62 =	vmul.u32 v63, v14;
	v63 =	vshll.u32 v59, $0x3;
	v1 =	vor.u32 v1, v58  }
0x16f: {  	v59 =	vand.u32 $0x7F, v59;
	v58 =	vand.u32 $0xFFFFFC00, v63;
	v1 =	vadd.s32 v9, v1  }
0x170: {  	v58 =	vor.u32 v59, v58;
	v59 =	vshll.u32 v62, $0x3  }
0x171: {  	v62 =	vand.u32 $0x7F, v62;
	v58 =	vadd.s32 v11, v58;
	v59 =	vand.u32 $0xFFFFFC00, v59  }
0x172: {  	v59 =	vor.u32 v62, v59  }
0x173: {  	v59 =	vadd.s32 v13, v59  }
0x174: {  	v62 =	vsel vm7, $0x1, v3;
	[tilespmem:v1+s28+$0x0] =	vst.idx.msk $0xffff, v10  }
0x175: {  	[tilespmem:$0x18448] =	vst v62  }
0x176: {  	v62 =	vsel vm9, $0x1, v3;
	[tilespmem:v58+s28+$0x0] =	vst.idx.msk $0xffff, v10  }
0x177: {  	[tilespmem:$0x18458] =	vst v62  }
0x178: {  	[tilespmem:v59+s28+$0x0] =	vst.idx.msk $0xff, v10  }
0x179: {  	[tilespmem:$0x18468] =	vst v14  }
0x17a: {  	[hbm4b:s10+s2] =	stream.linear.scatter [tilespmem:s28], [sflag:$0x2], $0xC000, $0x38;
	[tilespmem:$0x18680] =	vst v63  }
0x17b: {  	_ =	swait.ge [sflag:s29], $0xC000  }
0x17c: {  	[sflag:s29] =	ssyncset.done $0x0  }
0x17d: {  	[sflag:s29] =	ssyncadd.s32 $0xFFFF4000  }
0x17e: {  	[tilespmem:v4+s2+$0x0] =	vst.idx.msk $0xffff, v0  }
0x17f: {  	[tilespmem:v60+s2+$0x0] =	vst.idx.msk $0xffff, v0  }
0x180: {  	[tilespmem:v61+s2+$0x0] =	vst.idx.msk $0xff, v0  }
0x181: {  	v4 =	vld.idx.msk [tilespmem:v28+s26+$0x0], $0xffff  }
0x182: {  	v14 =	vld [tilespmem:$0x180F0]  }
0x183: {  	v60 =	vld.idx.msk [tilespmem:v29+s26+$0x0], $0xffff  }
0x184: {  	v61 =	vld.idx.msk [tilespmem:v31+s26+$0x0], $0xffff  }
0x185: {  	v62 =	vld [tilespmem:$0x18100]  }
0x186: {  	v63 =	vld [tilespmem:$0x18110]  }
0x187: {  	vm10 =	vgt.s32 v4, v2  }
0x188: {  	vm11 =	vgt.s32 v60, v7;
	v4 =	vnsel vm10, $0x0, v14  }
0x189: {  	vm12 =	vgt.s32 v61, v6;
	v14 =	vnsel vm11, $0x0, v8;
	v60 =	vshll.u32 v4, $0x3  }
0x18a: {  	v61 =	vnsel vm12, $0x0, v62;
	v4 =	vand.u32 $0x7F, v4;
	v60 =	vand.u32 $0xFFFFFC00, v60  }
0x18b: {  	v62 =	vmul.u32 v63, v14;
	v4 =	vor.u32 v4, v60;
	v60 =	vshll.u32 v61, $0x3  }
0x18c: {  	v61 =	vand.u32 $0x7F, v61;
	v4 =	vadd.s32 v9, v4;
	v60 =	vand.u32 $0xFFFFFC00, v60  }
0x18d: {  	v60 =	vor.u32 v61, v60;
	v61 =	vshll.u32 v62, $0x3  }
0x18e: {  	v62 =	vand.u32 $0x7F, v62;
	v60 =	vadd.s32 v11, v60;
	v61 =	vand.u32 $0xFFFFFC00, v61  }
0x18f: {  	v61 =	vor.u32 v62, v61  }
0x190: {  	v61 =	vadd.s32 v13, v61  }
0x191: {  	v62 =	vsel vm10, $0x1, v3;
	[tilespmem:v4+s2+$0x0] =	vst.idx.msk $0xffff, v10  }
0x192: {  	[tilespmem:$0x18470] =	vst v62  }
0x193: {  	v62 =	vsel vm12, $0x1, v3;
	[tilespmem:v60+s2+$0x0] =	vst.idx.msk $0xffff, v10  }
0x194: {  	[tilespmem:$0x18480] =	vst v62  }
0x195: {  	[tilespmem:v61+s2+$0x0] =	vst.idx.msk $0xff, v10  }
0x196: {  	[tilespmem:$0x18490] =	vst v14  }
0x197: {  	[hbm4b:s11+s2] =	stream.linear.scatter [tilespmem:s2], [sflag:$0x1], $0xC000, $0x38;
	[tilespmem:$0x18680] =	vst v63  }
0x198: {  	_ =	swait.ge [sflag:s30], $0xC000  }
0x199: {  	[sflag:s30] =	ssyncset.done $0x0  }
0x19a: {  	[sflag:s30] =	ssyncadd.s32 $0xFFFF4000  }
0x19b: {  	[tilespmem:v1+s28+$0x0] =	vst.idx.msk $0xffff, v0  }
0x19c: {  	[tilespmem:v58+s28+$0x0] =	vst.idx.msk $0xffff, v0  }
0x19d: {  	[tilespmem:v59+s28+$0x0] =	vst.idx.msk $0xff, v0  }
0x19e: {  	v1 =	vld.idx.msk [tilespmem:v32+s26+$0x0], $0xffff  }
0x19f: {  	v14 =	vld [tilespmem:$0x18118]  }
0x1a0: {  	v58 =	vld.idx.msk [tilespmem:v30+s26+$0x0], $0xffff  }
0x1a1: {  	v59 =	vld.idx.msk [tilespmem:v33+s26+$0x0], $0xffff  }
0x1a2: {  	v62 =	vld [tilespmem:$0x18128]  }
0x1a3: {  	v63 =	vld [tilespmem:$0x18138]  }
0x1a4: {  	vm13 =	vgt.s32 v1, v2  }
0x1a5: {  	vm14 =	vgt.s32 v58, v7;
	v1 =	vnsel vm13, $0x0, v14  }
0x1a6: {  	vm15 =	vgt.s32 v59, v6;
	v14 =	vnsel vm14, $0x0, v8;
	v58 =	vshll.u32 v1, $0x3  }
0x1a7: {  	v59 =	vnsel vm15, $0x0, v62;
	v1 =	vand.u32 $0x7F, v1;
	v58 =	vand.u32 $0xFFFFFC00, v58  }
0x1a8: {  	v62 =	vmul.u32 v63, v14;
	v63 =	vshll.u32 v59, $0x3;
	v1 =	vor.u32 v1, v58  }
0x1a9: {  	v59 =	vand.u32 $0x7F, v59;
	v58 =	vand.u32 $0xFFFFFC00, v63;
	v1 =	vadd.s32 v9, v1  }
0x1aa: {  	v58 =	vor.u32 v59, v58;
	v59 =	vshll.u32 v62, $0x3  }
0x1ab: {  	v62 =	vand.u32 $0x7F, v62;
	v58 =	vadd.s32 v11, v58;
	v59 =	vand.u32 $0xFFFFFC00, v59  }
0x1ac: {  	v59 =	vor.u32 v62, v59  }
0x1ad: {  	v59 =	vadd.s32 v13, v59  }
0x1ae: {  	v62 =	vsel vm13, $0x1, v3;
	[tilespmem:v1+s28+$0x0] =	vst.idx.msk $0xffff, v10  }
0x1af: {  	[tilespmem:$0x18498] =	vst v62  }
0x1b0: {  	v62 =	vsel vm15, $0x1, v3;
	[tilespmem:v58+s28+$0x0] =	vst.idx.msk $0xffff, v10  }
0x1b1: {  	[tilespmem:$0x184A8] =	vst v62  }
0x1b2: {  	[tilespmem:v59+s28+$0x0] =	vst.idx.msk $0xff, v10  }
0x1b3: {  	[tilespmem:$0x184B8] =	vst v14  }
0x1b4: {  	[hbm4b:s12+s2] =	stream.linear.scatter [tilespmem:s28], [sflag:$0x2], $0xC000, $0x38;
	[tilespmem:$0x18680] =	vst v63  }
0x1b5: {  	_ =	swait.ge [sflag:s29], $0xC000  }
0x1b6: {  	[sflag:s29] =	ssyncset.done $0x0  }
0x1b7: {  	[sflag:s29] =	ssyncadd.s32 $0xFFFF4000  }
0x1b8: {  	[tilespmem:v4+s2+$0x0] =	vst.idx.msk $0xffff, v0  }
0x1b9: {  	[tilespmem:v60+s2+$0x0] =	vst.idx.msk $0xffff, v0  }
0x1ba: {  	[tilespmem:v61+s2+$0x0] =	vst.idx.msk $0xff, v0  }
0x1bb: {  	v4 =	vld.idx.msk [tilespmem:v34+s26+$0x0], $0xffff  }
0x1bc: {  	v14 =	vld [tilespmem:$0x18140]  }
0x1bd: {  	v60 =	vld.idx.msk [tilespmem:v35+s26+$0x0], $0xffff  }
0x1be: {  	v61 =	vld.idx.msk [tilespmem:v37+s26+$0x0], $0xffff  }
0x1bf: {  	v62 =	vld [tilespmem:$0x18150]  }
0x1c0: {  	v63 =	vld [tilespmem:$0x18160]  }
0x1c1: {  	vm4 =	vgt.s32 v4, v2  }
0x1c2: {  	vm5 =	vgt.s32 v60, v7;
	v4 =	vnsel vm4, $0x0, v14  }
0x1c3: {  	vm6 =	vgt.s32 v61, v6;
	v14 =	vnsel vm5, $0x0, v8;
	v60 =	vshll.u32 v4, $0x3  }
0x1c4: {  	v61 =	vnsel vm6, $0x0, v62;
	v4 =	vand.u32 $0x7F, v4;
	v60 =	vand.u32 $0xFFFFFC00, v60  }
0x1c5: {  	v62 =	vmul.u32 v63, v14;
	v4 =	vor.u32 v4, v60;
	v60 =	vshll.u32 v61, $0x3  }
0x1c6: {  	v61 =	vand.u32 $0x7F, v61;
	v4 =	vadd.s32 v9, v4;
	v60 =	vand.u32 $0xFFFFFC00, v60  }
0x1c7: {  	v60 =	vor.u32 v61, v60;
	v61 =	vshll.u32 v62, $0x3  }
0x1c8: {  	v62 =	vand.u32 $0x7F, v62;
	v60 =	vadd.s32 v11, v60;
	v61 =	vand.u32 $0xFFFFFC00, v61  }
0x1c9: {  	v61 =	vor.u32 v62, v61  }
0x1ca: {  	v61 =	vadd.s32 v13, v61  }
0x1cb: {  	v62 =	vsel vm4, $0x1, v3;
	[tilespmem:v4+s2+$0x0] =	vst.idx.msk $0xffff, v10  }
0x1cc: {  	[tilespmem:$0x184C0] =	vst v62  }
0x1cd: {  	v62 =	vsel vm6, $0x1, v3;
	[tilespmem:v60+s2+$0x0] =	vst.idx.msk $0xffff, v10  }
0x1ce: {  	[tilespmem:$0x184D0] =	vst v62  }
0x1cf: {  	[tilespmem:v61+s2+$0x0] =	vst.idx.msk $0xff, v10  }
0x1d0: {  	[tilespmem:$0x184E0] =	vst v14  }
0x1d1: {  	[hbm4b:s13+s2] =	stream.linear.scatter [tilespmem:s2], [sflag:$0x1], $0xC000, $0x38;
	[tilespmem:$0x18680] =	vst v63  }
0x1d2: {  	_ =	swait.ge [sflag:s30], $0xC000  }
0x1d3: {  	[sflag:s30] =	ssyncset.done $0x0  }
0x1d4: {  	[sflag:s30] =	ssyncadd.s32 $0xFFFF4000  }
0x1d5: {  	[tilespmem:v1+s28+$0x0] =	vst.idx.msk $0xffff, v0  }
0x1d6: {  	[tilespmem:v58+s28+$0x0] =	vst.idx.msk $0xffff, v0  }
0x1d7: {  	[tilespmem:v59+s28+$0x0] =	vst.idx.msk $0xff, v0  }
0x1d8: {  	v1 =	vld.idx.msk [tilespmem:v38+s26+$0x0], $0xffff  }
0x1d9: {  	v14 =	vld [tilespmem:$0x18168]  }
0x1da: {  	v58 =	vld.idx.msk [tilespmem:v36+s26+$0x0], $0xffff  }
0x1db: {  	v59 =	vld.idx.msk [tilespmem:v39+s26+$0x0], $0xffff  }
0x1dc: {  	v62 =	vld [tilespmem:$0x18178]  }
0x1dd: {  	v63 =	vld [tilespmem:$0x18188]  }
0x1de: {  	vm7 =	vgt.s32 v1, v2  }
0x1df: {  	vm8 =	vgt.s32 v58, v7;
	v1 =	vnsel vm7, $0x0, v14  }
0x1e0: {  	vm9 =	vgt.s32 v59, v6;
	v14 =	vnsel vm8, $0x0, v8;
	v58 =	vshll.u32 v1, $0x3  }
0x1e1: {  	v59 =	vnsel vm9, $0x0, v62;
	v1 =	vand.u32 $0x7F, v1;
	v58 =	vand.u32 $0xFFFFFC00, v58  }
0x1e2: {  	v62 =	vmul.u32 v63, v14;
	v63 =	vshll.u32 v59, $0x3;
	v1 =	vor.u32 v1, v58  }
0x1e3: {  	v59 =	vand.u32 $0x7F, v59;
	v58 =	vand.u32 $0xFFFFFC00, v63;
	v1 =	vadd.s32 v9, v1  }
0x1e4: {  	v58 =	vor.u32 v59, v58;
	v59 =	vshll.u32 v62, $0x3  }
0x1e5: {  	v62 =	vand.u32 $0x7F, v62;
	v58 =	vadd.s32 v11, v58;
	v59 =	vand.u32 $0xFFFFFC00, v59  }
0x1e6: {  	v59 =	vor.u32 v62, v59  }
0x1e7: {  	v59 =	vadd.s32 v13, v59  }
0x1e8: {  	v62 =	vsel vm7, $0x1, v3;
	[tilespmem:v1+s28+$0x0] =	vst.idx.msk $0xffff, v10  }
0x1e9: {  	[tilespmem:$0x184E8] =	vst v62  }
0x1ea: {  	v62 =	vsel vm9, $0x1, v3;
	[tilespmem:v58+s28+$0x0] =	vst.idx.msk $0xffff, v10  }
0x1eb: {  	[tilespmem:$0x184F8] =	vst v62  }
0x1ec: {  	[tilespmem:v59+s28+$0x0] =	vst.idx.msk $0xff, v10  }
0x1ed: {  	[tilespmem:$0x18508] =	vst v14  }
0x1ee: {  	[hbm4b:s14+s2] =	stream.linear.scatter [tilespmem:s28], [sflag:$0x2], $0xC000, $0x38;
	[tilespmem:$0x18680] =	vst v63  }
0x1ef: {  	_ =	swait.ge [sflag:s29], $0xC000  }
0x1f0: {  	[sflag:s29] =	ssyncset.done $0x0  }
0x1f1: {  	[sflag:s29] =	ssyncadd.s32 $0xFFFF4000  }
0x1f2: {  	[tilespmem:v4+s2+$0x0] =	vst.idx.msk $0xffff, v0  }
0x1f3: {  	[tilespmem:v60+s2+$0x0] =	vst.idx.msk $0xffff, v0  }
0x1f4: {  	[tilespmem:v61+s2+$0x0] =	vst.idx.msk $0xff, v0  }
0x1f5: {  	v4 =	vld.idx.msk [tilespmem:v40+s26+$0x0], $0xffff  }
0x1f6: {  	v14 =	vld [tilespmem:$0x18190]  }
0x1f7: {  	v60 =	vld.idx.msk [tilespmem:v41+s26+$0x0], $0xffff  }
0x1f8: {  	v61 =	vld.idx.msk [tilespmem:v43+s26+$0x0], $0xffff  }
0x1f9: {  	v62 =	vld [tilespmem:$0x181A0]  }
0x1fa: {  	v63 =	vld [tilespmem:$0x181B0]  }
0x1fb: {  	vm10 =	vgt.s32 v4, v2  }
0x1fc: {  	vm11 =	vgt.s32 v60, v7;
	v4 =	vnsel vm10, $0x0, v14  }
0x1fd: {  	vm12 =	vgt.s32 v61, v6;
	v14 =	vnsel vm11, $0x0, v8;
	v60 =	vshll.u32 v4, $0x3  }
0x1fe: {  	v61 =	vnsel vm12, $0x0, v62;
	v4 =	vand.u32 $0x7F, v4;
	v60 =	vand.u32 $0xFFFFFC00, v60  }
0x1ff: {  	v62 =	vmul.u32 v63, v14;
	v4 =	vor.u32 v4, v60;
	v60 =	vshll.u32 v61, $0x3  }
0x200: {  	v61 =	vand.u32 $0x7F, v61;
	v4 =	vadd.s32 v9, v4;
	v60 =	vand.u32 $0xFFFFFC00, v60  }
0x201: {  	v60 =	vor.u32 v61, v60;
	v61 =	vshll.u32 v62, $0x3  }
0x202: {  	v62 =	vand.u32 $0x7F, v62;
	v60 =	vadd.s32 v11, v60;
	v61 =	vand.u32 $0xFFFFFC00, v61  }
0x203: {  	v61 =	vor.u32 v62, v61  }
0x204: {  	v61 =	vadd.s32 v13, v61  }
0x205: {  	v62 =	vsel vm10, $0x1, v3;
	[tilespmem:v4+s2+$0x0] =	vst.idx.msk $0xffff, v10  }
0x206: {  	[tilespmem:$0x18510] =	vst v62  }
0x207: {  	v62 =	vsel vm12, $0x1, v3;
	[tilespmem:v60+s2+$0x0] =	vst.idx.msk $0xffff, v10  }
0x208: {  	[tilespmem:$0x18520] =	vst v62  }
0x209: {  	[tilespmem:v61+s2+$0x0] =	vst.idx.msk $0xff, v10  }
0x20a: {  	[tilespmem:$0x18530] =	vst v14  }
0x20b: {  	[hbm4b:s15+s2] =	stream.linear.scatter [tilespmem:s2], [sflag:$0x1], $0xC000, $0x38;
	[tilespmem:$0x18680] =	vst v63  }
0x20c: {  	_ =	swait.ge [sflag:s30], $0xC000  }
0x20d: {  	[sflag:s30] =	ssyncset.done $0x0  }
0x20e: {  	[sflag:s30] =	ssyncadd.s32 $0xFFFF4000  }
0x20f: {  	[tilespmem:v1+s28+$0x0] =	vst.idx.msk $0xffff, v0  }
0x210: {  	[tilespmem:v58+s28+$0x0] =	vst.idx.msk $0xffff, v0  }
0x211: {  	[tilespmem:v59+s28+$0x0] =	vst.idx.msk $0xff, v0  }
0x212: {  	v1 =	vld.idx.msk [tilespmem:v44+s26+$0x0], $0xffff  }
0x213: {  	v14 =	vld [tilespmem:$0x181B8]  }
0x214: {  	v58 =	vld.idx.msk [tilespmem:v42+s26+$0x0], $0xffff  }
0x215: {  	v59 =	vld.idx.msk [tilespmem:v45+s26+$0x0], $0xffff  }
0x216: {  	v62 =	vld [tilespmem:$0x181C8]  }
0x217: {  	v63 =	vld [tilespmem:$0x181D8]  }
0x218: {  	vm13 =	vgt.s32 v1, v2  }
0x219: {  	vm14 =	vgt.s32 v58, v7;
	v1 =	vnsel vm13, $0x0, v14  }
0x21a: {  	vm15 =	vgt.s32 v59, v6;
	v14 =	vnsel vm14, $0x0, v8;
	v58 =	vshll.u32 v1, $0x3  }
0x21b: {  	v59 =	vnsel vm15, $0x0, v62;
	v1 =	vand.u32 $0x7F, v1;
	v58 =	vand.u32 $0xFFFFFC00, v58  }
0x21c: {  	v62 =	vmul.u32 v63, v14;
	v63 =	vshll.u32 v59, $0x3;
	v1 =	vor.u32 v1, v58  }
0x21d: {  	v59 =	vand.u32 $0x7F, v59;
	v58 =	vand.u32 $0xFFFFFC00, v63;
	v1 =	vadd.s32 v9, v1  }
0x21e: {  	v58 =	vor.u32 v59, v58;
	v59 =	vshll.u32 v62, $0x3  }
0x21f: {  	v62 =	vand.u32 $0x7F, v62;
	v58 =	vadd.s32 v11, v58;
	v59 =	vand.u32 $0xFFFFFC00, v59  }
0x220: {  	v59 =	vor.u32 v62, v59  }
0x221: {  	v59 =	vadd.s32 v13, v59  }
0x222: {  	v62 =	vsel vm13, $0x1, v3;
	[tilespmem:v1+s28+$0x0] =	vst.idx.msk $0xffff, v10  }
0x223: {  	[tilespmem:$0x18538] =	vst v62  }
0x224: {  	v62 =	vsel vm15, $0x1, v3;
	[tilespmem:v58+s28+$0x0] =	vst.idx.msk $0xffff, v10  }
0x225: {  	[tilespmem:$0x18548] =	vst v62  }
0x226: {  	[tilespmem:v59+s28+$0x0] =	vst.idx.msk $0xff, v10  }
0x227: {  	[tilespmem:$0x18558] =	vst v14  }
0x228: {  	[hbm4b:s16+s2] =	stream.linear.scatter [tilespmem:s28], [sflag:$0x2], $0xC000, $0x38;
	[tilespmem:$0x18680] =	vst v63  }
0x229: {  	_ =	swait.ge [sflag:s29], $0xC000  }
0x22a: {  	[sflag:s29] =	ssyncset.done $0x0  }
0x22b: {  	[sflag:s29] =	ssyncadd.s32 $0xFFFF4000  }
0x22c: {  	[tilespmem:v4+s2+$0x0] =	vst.idx.msk $0xffff, v0  }
0x22d: {  	[tilespmem:v60+s2+$0x0] =	vst.idx.msk $0xffff, v0  }
0x22e: {  	[tilespmem:v61+s2+$0x0] =	vst.idx.msk $0xff, v0  }
0x22f: {  	v4 =	vld.idx.msk [tilespmem:v46+s26+$0x0], $0xffff  }
0x230: {  	v14 =	vld [tilespmem:$0x181E0]  }
0x231: {  	v60 =	vld.idx.msk [tilespmem:v47+s26+$0x0], $0xffff  }
0x232: {  	v61 =	vld.idx.msk [tilespmem:v49+s26+$0x0], $0xffff  }
0x233: {  	v62 =	vld [tilespmem:$0x181F0]  }
0x234: {  	v63 =	vld [tilespmem:$0x18200]  }
0x235: {  	vm4 =	vgt.s32 v4, v2  }
0x236: {  	vm5 =	vgt.s32 v60, v7;
	v4 =	vnsel vm4, $0x0, v14  }
0x237: {  	vm6 =	vgt.s32 v61, v6;
	v14 =	vnsel vm5, $0x0, v8;
	v60 =	vshll.u32 v4, $0x3  }
0x238: {  	v61 =	vnsel vm6, $0x0, v62;
	v4 =	vand.u32 $0x7F, v4;
	v60 =	vand.u32 $0xFFFFFC00, v60  }
0x239: {  	v62 =	vmul.u32 v63, v14;
	v4 =	vor.u32 v4, v60;
	v60 =	vshll.u32 v61, $0x3  }
0x23a: {  	v61 =	vand.u32 $0x7F, v61;
	v4 =	vadd.s32 v9, v4;
	v60 =	vand.u32 $0xFFFFFC00, v60  }
0x23b: {  	v60 =	vor.u32 v61, v60;
	v61 =	vshll.u32 v62, $0x3  }
0x23c: {  	v62 =	vand.u32 $0x7F, v62;
	v60 =	vadd.s32 v11, v60;
	v61 =	vand.u32 $0xFFFFFC00, v61  }
0x23d: {  	v61 =	vor.u32 v62, v61  }
0x23e: {  	v61 =	vadd.s32 v13, v61  }
0x23f: {  	v62 =	vsel vm4, $0x1, v3;
	[tilespmem:v4+s2+$0x0] =	vst.idx.msk $0xffff, v10  }
0x240: {  	[tilespmem:$0x18560] =	vst v62  }
0x241: {  	v62 =	vsel vm6, $0x1, v3;
	[tilespmem:v60+s2+$0x0] =	vst.idx.msk $0xffff, v10  }
0x242: {  	[tilespmem:$0x18570] =	vst v62  }
0x243: {  	[tilespmem:v61+s2+$0x0] =	vst.idx.msk $0xff, v10  }
0x244: {  	[tilespmem:$0x18580] =	vst v14  }
0x245: {  	[hbm4b:s17+s2] =	stream.linear.scatter [tilespmem:s2], [sflag:$0x1], $0xC000, $0x38;
	[tilespmem:$0x18680] =	vst v63  }
0x246: {  	_ =	swait.ge [sflag:s30], $0xC000  }
0x247: {  	[sflag:s30] =	ssyncset.done $0x0  }
0x248: {  	[sflag:s30] =	ssyncadd.s32 $0xFFFF4000  }
0x249: {  	[tilespmem:v1+s28+$0x0] =	vst.idx.msk $0xffff, v0  }
0x24a: {  	[tilespmem:v58+s28+$0x0] =	vst.idx.msk $0xffff, v0  }
0x24b: {  	[tilespmem:v59+s28+$0x0] =	vst.idx.msk $0xff, v0  }
0x24c: {  	v1 =	vld.idx.msk [tilespmem:v50+s26+$0x0], $0xffff  }
0x24d: {  	v14 =	vld [tilespmem:$0x18208]  }
0x24e: {  	v58 =	vld.idx.msk [tilespmem:v48+s26+$0x0], $0xffff  }
0x24f: {  	v59 =	vld.idx.msk [tilespmem:v51+s26+$0x0], $0xffff  }
0x250: {  	v62 =	vld [tilespmem:$0x18218]  }
0x251: {  	v63 =	vld [tilespmem:$0x18228]  }
0x252: {  	vm7 =	vgt.s32 v1, v2  }
0x253: {  	vm8 =	vgt.s32 v58, v7;
	v1 =	vnsel vm7, $0x0, v14  }
0x254: {  	vm9 =	vgt.s32 v59, v6;
	v14 =	vnsel vm8, $0x0, v8;
	v58 =	vshll.u32 v1, $0x3  }
0x255: {  	v59 =	vnsel vm9, $0x0, v62;
	v1 =	vand.u32 $0x7F, v1;
	v58 =	vand.u32 $0xFFFFFC00, v58  }
0x256: {  	v62 =	vmul.u32 v63, v14;
	v63 =	vshll.u32 v59, $0x3;
	v1 =	vor.u32 v1, v58  }
0x257: {  	v59 =	vand.u32 $0x7F, v59;
	v58 =	vand.u32 $0xFFFFFC00, v63;
	v1 =	vadd.s32 v9, v1  }
0x258: {  	v58 =	vor.u32 v59, v58;
	v59 =	vshll.u32 v62, $0x3  }
0x259: {  	v62 =	vand.u32 $0x7F, v62;
	v58 =	vadd.s32 v11, v58;
	v59 =	vand.u32 $0xFFFFFC00, v59  }
0x25a: {  	v59 =	vor.u32 v62, v59  }
0x25b: {  	v59 =	vadd.s32 v13, v59  }
0x25c: {  	v62 =	vsel vm7, $0x1, v3;
	[tilespmem:v1+s28+$0x0] =	vst.idx.msk $0xffff, v10  }
0x25d: {  	[tilespmem:$0x18588] =	vst v62  }
0x25e: {  	v62 =	vsel vm9, $0x1, v3;
	[tilespmem:v58+s28+$0x0] =	vst.idx.msk $0xffff, v10  }
0x25f: {  	[tilespmem:$0x18598] =	vst v62  }
0x260: {  	[tilespmem:v59+s28+$0x0] =	vst.idx.msk $0xff, v10  }
0x261: {  	[tilespmem:$0x185A8] =	vst v14  }
0x262: {  	[hbm4b:s18+s2] =	stream.linear.scatter [tilespmem:s28], [sflag:$0x2], $0xC000, $0x38;
	[tilespmem:$0x18680] =	vst v63  }
0x263: {  	_ =	swait.ge [sflag:s29], $0xC000  }
0x264: {  	[sflag:s29] =	ssyncset.done $0x0  }
0x265: {  	[sflag:s29] =	ssyncadd.s32 $0xFFFF4000  }
0x266: {  	[tilespmem:v4+s2+$0x0] =	vst.idx.msk $0xffff, v0  }
0x267: {  	[tilespmem:v60+s2+$0x0] =	vst.idx.msk $0xffff, v0  }
0x268: {  	[tilespmem:v61+s2+$0x0] =	vst.idx.msk $0xff, v0  }
0x269: {  	v4 =	vld.idx.msk [tilespmem:v52+s26+$0x0], $0xffff  }
0x26a: {  	v14 =	vld [tilespmem:$0x18230]  }
0x26b: {  	v60 =	vld.idx.msk [tilespmem:v53+s26+$0x0], $0xffff  }
0x26c: {  	v61 =	vld.idx.msk [tilespmem:v55+s26+$0x0], $0xffff  }
0x26d: {  	v62 =	vld [tilespmem:$0x18240]  }
0x26e: {  	v63 =	vld [tilespmem:$0x18250]  }
0x26f: {  	vm10 =	vgt.s32 v4, v2  }
0x270: {  	vm11 =	vgt.s32 v60, v7;
	v4 =	vnsel vm10, $0x0, v14  }
0x271: {  	vm12 =	vgt.s32 v61, v6;
	v14 =	vnsel vm11, $0x0, v8;
	v60 =	vshll.u32 v4, $0x3  }
0x272: {  	v61 =	vnsel vm12, $0x0, v62;
	v4 =	vand.u32 $0x7F, v4;
	v60 =	vand.u32 $0xFFFFFC00, v60  }
0x273: {  	v62 =	vmul.u32 v63, v14;
	v4 =	vor.u32 v4, v60;
	v60 =	vshll.u32 v61, $0x3  }
0x274: {  	v61 =	vand.u32 $0x7F, v61;
	v4 =	vadd.s32 v9, v4;
	v60 =	vand.u32 $0xFFFFFC00, v60  }
0x275: {  	v60 =	vor.u32 v61, v60;
	v61 =	vshll.u32 v62, $0x3  }
0x276: {  	v62 =	vand.u32 $0x7F, v62;
	v60 =	vadd.s32 v11, v60;
	v61 =	vand.u32 $0xFFFFFC00, v61  }
0x277: {  	v61 =	vor.u32 v62, v61  }
0x278: {  	v61 =	vadd.s32 v13, v61  }
0x279: {  	[tilespmem:v4+s2+$0x0] =	vst.idx.msk $0xffff, v10;
	v4 =	vsel vm10, $0x1, v3  }
0x27a: {  	[tilespmem:$0x185B0] =	vst v4  }
0x27b: {  	v4 =	vsel vm12, $0x1, v3;
	[tilespmem:v60+s2+$0x0] =	vst.idx.msk $0xffff, v10  }
0x27c: {  	[tilespmem:$0x185C0] =	vst v4  }
0x27d: {  	[tilespmem:v61+s2+$0x0] =	vst.idx.msk $0xff, v10  }
0x27e: {  	[tilespmem:$0x185D0] =	vst v14  }
0x27f: {  	[hbm4b:s19+s2] =	stream.linear.scatter [tilespmem:s2], [sflag:$0x1], $0xC000, $0x38;
	[tilespmem:$0x18680] =	vst v63  }
0x280: {  	_ =	swait.ge [sflag:s30], $0xC000  }
0x281: {  	[sflag:s30] =	ssyncset.done $0x0  }
0x282: {  	[sflag:s30] =	ssyncadd.s32 $0xFFFF4000  }
0x283: {  	[tilespmem:v1+s28+$0x0] =	vst.idx.msk $0xffff, v0  }
0x284: {  	[tilespmem:v58+s28+$0x0] =	vst.idx.msk $0xffff, v0  }
0x285: {  	[tilespmem:v59+s28+$0x0] =	vst.idx.msk $0xff, v0  }
0x286: {  	v1 =	vld.idx.msk [tilespmem:v56+s26+$0x0], $0xffff  }
0x287: {  	v4 =	vld [tilespmem:$0x18258]  }
0x288: {  	v14 =	vld.idx.msk [tilespmem:v54+s26+$0x0], $0xffff  }
0x289: {  	v58 =	vld.idx.msk [tilespmem:v57+s26+$0x0], $0xffff  }
0x28a: {  	v59 =	vld [tilespmem:$0x18268]  }
0x28b: {  	v60 =	vld [tilespmem:$0x18278]  }
0x28c: {  	vm13 =	vgt.s32 v1, v2  }
0x28d: {  	vm14 =	vgt.s32 v14, v7;
	v1 =	vnsel vm13, $0x0, v4  }
0x28e: {  	vm15 =	vgt.s32 v58, v6;
	v4 =	vnsel vm14, $0x0, v8;
	v14 =	vshll.u32 v1, $0x3  }
0x28f: {  	v58 =	vnsel vm15, $0x0, v59;
	v1 =	vand.u32 $0x7F, v1;
	v14 =	vand.u32 $0xFFFFFC00, v14  }
0x290: {  	v62 =	vmul.u32 v60, v4;
	v1 =	vor.u32 v1, v14;
	v14 =	vshll.u32 v58, $0x3  }
0x291: {  	v58 =	vand.u32 $0x7F, v58;
	v1 =	vadd.s32 v9, v1;
	v14 =	vand.u32 $0xFFFFFC00, v14  }
0x292: {  	v63 =	vshll.u32 v62, $0x3;
	v14 =	vor.u32 v58, v14  }
0x293: {  	v59 =	vand.u32 $0x7F, v62;
	v58 =	vand.u32 $0xFFFFFC00, v63;
	v14 =	vadd.s32 v11, v14  }
0x294: {  	v58 =	vor.u32 v59, v58  }
0x295: {  	v58 =	vadd.s32 v13, v58  }
0x296: {  	[tilespmem:v1+s28+$0x0] =	vst.idx.msk $0xffff, v10;
	v1 =	vsel vm13, $0x1, v3  }
0x297: {  	[tilespmem:$0x185D8] =	vst v1  }
0x298: {  	v1 =	vsel vm15, $0x1, v3;
	[tilespmem:v14+s28+$0x0] =	vst.idx.msk $0xffff, v10  }
0x299: {  	[tilespmem:$0x185E8] =	vst v1  }
0x29a: {  	[tilespmem:v58+s28+$0x0] =	vst.idx.msk $0xff, v10  }
0x29b: {  	[tilespmem:$0x185F8] =	vst v4  }
0x29c: {  	[hbm4b:s20+s2] =	stream.linear.scatter [tilespmem:s28], [sflag:$0x2], $0xC000, $0x38;
	[tilespmem:$0x18680] =	vst v63  }
0x29d: {  	s31 =	simm.s32 $0x18380  }
0x29e: {  	[hbm4b:s21+s2] =	stream.linear.scatter [tilespmem:s31], [sflag:$0x3], $0x280, $0x38;
	[tilespmem:$0x18680] =	vst v63  }
0x29f: {  	_ =	swait.ge [sflag:s24], $0x280  }
0x2a0: {  	[sflag:s24] =	ssyncset.done $0x0  }
0x2a1: {  	s0 =	sadd.s32 $0x1, s0;
	[sflag:s24] =	ssyncadd.s32 $0xFFFFFD80  }
0x2a2: {  	p0 =	sne.s32 s0, s22;
	_ =	swait.ge [sflag:s29], $0xC000  }
.Ltmp1:
0x2a3: {  	[sflag:s29] =	ssyncset.done $0x0;
	(pc) =	sbr.rel @p0 .LBB2_1-.Ltmp1, $4  }
0x2a4: {  	[sflag:s29] =	ssyncadd.s32 $0xFFFF4000  }
0x2a5: {  	_ =	swait.ge [sflag:s30], $0xC000  }
0x2a6: {  	[sflag:s30] =	ssyncset.done $0x0  }
0x2a7: {  	[sflag:s30] =	ssyncadd.s32 $0xFFFF4000  }
0x2a8: {  	_ =	sfence.sel $0x180000  }
0x2a9: {  	[bflag:$0x0] =	sbarrier.arrive $0xFFFF  }
0x2aa: {  	_ =	strace $0x90000047  }
0x2ab: {  	s0 =	stileid.u32;
	[bflag:$0x2] =	sbarrier.arrive $0xFFFF  }
0x2ac: {  	p0 =	sne.s32 s0, $0x0;
	s0 =	rddreg [dreg:$0x4]  }
0x2ad: {  	s0 =	sadd.s32 @!p0 $0x100000, s0  }
0x2ae: {  	[sflag:s0] =	ssyncadd.tile.s32 @!p0 $0x1;
	_ =	shalt  }
.Lfunc_end2:
_tile_overlayer_lowered:
.L_overlay_start_2:
0x2af: {  	(tag) =	ssettag $0x2  }
0x2b0: {  	s0 =	rddreg [dreg:$0x0];
	s2 =	stileid.u32  }
0x2b1: {  	s1 =	rddreg [dreg:$0x1];
	p0 =	sne.s32 s2, $0x0  }
0x2b2: {  	s3 =	rddreg [dreg:$0x2];
	[bflag:$0x3] =	sbarrier.arrive $0xFFFF;
	s2 =	simm.s32 @!p0 $0x1C03  }
0x2b3: {  	[timem:s3], [sflag:s2] =	dma.local @!p0 [hbm:s0], s1  }
0x2b4: {  	s0 =	simm.s32 @!p0 $0x3  }
0x2b5: {  	_ =	swait.ge @!p0 [sflag:s0], s1  }
0x2b6: {  	s1 =	ssub.s32 @!p0 $0x0, s1;
	[sflag:s0] =	ssyncset.done @!p0 $0x0  }
0x2b7: {  	[sflag:s0] =	ssyncadd.s32 @!p0 s1  }
0x2b8: {  	[bflag:$0x3] =	sbarrier.arrive $0xFFFF  }
0x2b9: {  	_ =	shalt  }

</sc_bundles>
